<compile_context>
chip_gen: v7x
topology: tpu7x:2x2x1
jax: 0.10.2.dev20260603
libtpu: 0.0.44.dev20260713+nightly
codegen_flags: <defaults>
</compile_context>

<pallas_src>
import functools

import jax
import jax.numpy as jnp
from jax import lax
from jax.experimental import pallas as pl
from jax.experimental.pallas import tpu as pltpu
from jax.experimental.pallas import tpu_sc as plsc

NC = 2
NS = 16
NW = NC * NS
K = 80
GC = 16
NB = 4
LANES = 16


def _transform_body(x_ref, w_ref, y_ref):
    y_ref[0] = jnp.dot(x_ref[:], w_ref[0],
                       preferred_element_type=jnp.float32)


def _tc_transform(x, W, bn):
    n, d = x.shape
    r = W.shape[0]
    return pl.pallas_call(
        _transform_body,
        grid=(n // bn, r),
        in_specs=[
            pl.BlockSpec((bn, d), lambda i, j: (i, 0)),
            pl.BlockSpec((1, d, d), lambda i, j: (j, 0, 0)),
        ],
        out_specs=pl.BlockSpec((1, bn, d), lambda i, j: (j, i, 0)),
        out_shape=jax.ShapeDtypeStruct((r, n, d), jnp.float32),
    )(x, W)


def _combine_body(p_ref, x_ref, wl_ref, b_ref, o_ref, *, act):
    h = (p_ref[0] + p_ref[1]
         + jnp.dot(x_ref[:], wl_ref[:], preferred_element_type=jnp.float32)
         + b_ref[:])
    o_ref[:] = jnp.maximum(h, 0.0) if act else h


def _tc_combine(parts, x, Wloop, b, act, bn):
    n, d = x.shape
    return pl.pallas_call(
        functools.partial(_combine_body, act=act),
        grid=(n // bn,),
        in_specs=[
            pl.BlockSpec((2, bn, d), lambda i: (0, i, 0)),
            pl.BlockSpec((bn, d), lambda i: (i, 0)),
            pl.BlockSpec((d, d), lambda i: (0, 0)),
            pl.BlockSpec((1, d), lambda i: (0, 0)),
        ],
        out_specs=pl.BlockSpec((bn, d), lambda i: (i, 0)),
        out_shape=jax.ShapeDtypeStruct((n, d), jnp.float32),
    )(parts, x, Wloop, b.reshape(1, d))


def _sc_agg_body(tbl, srcw, etw, dstw, out, src_v, et_v, dst_v,
                 r0, r1, r2, r3, acc, gs0, gs1, gs2, gs3,
                 as0, as1, as2, as3, *, G, n, n_pad, D):
    bufs = (r0, r1, r2, r3)
    gsems = (gs0, gs1, gs2, gs3)
    asems = (as0, as1, as2, as3)
    c = lax.axis_index("c")
    s = lax.axis_index("s")
    wid = s * NC + (1 - c)
    rows_per_tile = n_pad // NS

    zv = jnp.zeros((LANES,), jnp.float32)
    def _z(i, carry):
        row = i // (D // LANES)
        lane0 = (i % (D // LANES)) * LANES
        r0[row, pl.ds(lane0, LANES)] = zv
        return carry
    lax.fori_loop(0, K * D // LANES, _z, 0)
    for t in range(rows_per_tile // K):
        pltpu.sync_copy(r0, acc.at[pl.ds(s * rows_per_tile + t * K, K)])
    plsc.subcore_barrier()

    def _start(g, b):
        pltpu.async_copy(tbl.at[src_v.at[g]], bufs[b], gsems[b])

    def _wgather(b):
        pltpu.make_async_copy(tbl.at[src_v.at[0]], bufs[b], gsems[b]).wait()

    def _sadd(g, b):
        pltpu.async_copy(bufs[b], acc.at[dst_v.at[g]], asems[b], add=True)

    def _wadd(b):
        pltpu.make_async_copy(bufs[b], acc.at[dst_v.at[0]], asems[b]).wait()

    G_SUPER = G // GC
    def _super(si, carry):
        with jax.named_scope("stage_idx"):
            pltpu.sync_copy(srcw.at[wid, pl.ds(si * GC, GC)], src_v)
            pltpu.sync_copy(etw.at[wid, pl.ds(si * GC, GC)], et_v)
            pltpu.sync_copy(dstw.at[wid, pl.ds(si * GC, GC)], dst_v)

        with jax.named_scope("gix"):
            def _gix(g, c2):
                for j in range(K // LANES):
                    sl = pl.ds(j * LANES, LANES)
                    src_v[g, sl] = et_v[g, sl] * n + src_v[g, sl]
                return c2
            lax.fori_loop(0, GC, _gix, 0)

        with jax.named_scope("gathers"):
            for b in range(NB):
                _start(b, b)
            for rd in range(GC // NB):
                base = rd * NB
                for b in range(NB):
                    _wgather(b)
                    _sadd(base + b, b)
                if rd < GC // NB - 1:
                    for b in range(NB):
                        _wadd(b)
                        _start(base + NB + b, b)
                else:
                    for b in range(NB):
                        _wadd(b)
        return carry
    lax.fori_loop(0, G_SUPER, _super, 0)

    plsc.subcore_barrier()

    row0 = s * rows_per_tile
    pltpu.sync_copy(acc.at[pl.ds(row0, rows_per_tile)],
                    out.at[c, pl.ds(row0, rows_per_tile)])


def _sc_agg(table, src_r, et_r, dst_r, G, n, n_pad, D):
    mesh = plsc.VectorSubcoreMesh(core_axis_name="c", subcore_axis_name="s",
                                  num_cores=NC, num_subcores=NS)
    body = functools.partial(_sc_agg_body, G=G, n=n, n_pad=n_pad, D=D)
    return pl.kernel(
        body,
        out_type=jax.ShapeDtypeStruct((NC, n_pad, D), jnp.float32),
        mesh=mesh,
        scratch_types=(
            [pltpu.VMEM((GC, K), jnp.int32)] * 3
            + [pltpu.VMEM((K, D), jnp.float32)] * NB
            + [pltpu.VMEM_SHARED((n_pad, D), jnp.float32)]
            + [pltpu.SemaphoreType.DMA] * (2 * NB)
        ),
    )(table, src_r, et_r, dst_r)


def kernel(feats, edge_index, etype, W1, Wloop1, b1, W2, Wloop2, b2):
    n, d = feats.shape
    r = W1.shape[0]
    e = etype.shape[0]

    per_w = -(-e // (NW * GC * K)) * (GC * K)
    G = per_w // K
    e_pad = NW * per_w
    n_pad = -(-n // (NS * K)) * (NS * K)

    src = jnp.concatenate(
        [edge_index[0], jnp.zeros((e_pad - e,), jnp.int32)]).reshape(NW, G, K)
    et = jnp.concatenate(
        [etype, jnp.zeros((e_pad - e,), jnp.int32)]).reshape(NW, G, K)
    pad_dst = n + jnp.arange(e_pad - e, dtype=jnp.int32) % (n_pad - n)
    dst = jnp.concatenate([edge_index[1], pad_dst]).reshape(NW, G, K)

    bn = 1000
    h = feats
    for (W, Wloop, b, act) in ((W1, Wloop1, b1, True),
                               (W2, Wloop2, b2, False)):
        table = _tc_transform(h, W, bn).reshape(n * r, d)
        parts = _sc_agg(table, src, et, dst, G, n, n_pad, d)
        h = _tc_combine(parts, h, Wloop, b, act, bn)
    return h

# --- scband reference (transcript-rebuilt; emitter-appended) ---
"""Pipeline reference for scband-gcargcn-31284541784428 (READ-ONLY COPY).

The authoritative reference and input builder live on the scoring server;
editing this copy changes nothing except your own understanding.
"""

import jax, jax.numpy as jnp
import numpy as np

N = 10000
E = 320000
R = 8
D = 128

def setup_inputs(seed: int = 0) -> dict:
    key = jax.random.key(seed)
    ks = jax.random.split(key, 9)
    feats = jax.random.normal(ks[0], (N, D), dtype=jnp.float32)
    edge_index = jax.random.randint(ks[1], (2, E), 0, N, dtype=jnp.int32)
    etype = jax.random.randint(ks[2], (E,), 0, R, dtype=jnp.int32)
    # Layer 1 params (RelGraphConv, regularizer='none', self_loop=True, bias=True)
    W1 = jax.random.normal(ks[3], (R, D, D), dtype=jnp.float32) * 0.05
    Wloop1 = jax.random.normal(ks[4], (D, D), dtype=jnp.float32) * 0.05
    b1 = jnp.zeros((D,), dtype=jnp.float32)
    # Layer 2 params
    W2 = jax.random.normal(ks[5], (R, D, D), dtype=jnp.float32) * 0.05
    Wloop2 = jax.random.normal(ks[6], (D, D), dtype=jnp.float32) * 0.05
    b2 = jnp.zeros((D,), dtype=jnp.float32)
    return {"feats": feats, "edge_index": edge_index, "etype": etype,
            "W1": W1, "Wloop1": Wloop1, "b1": b1,
            "W2": W2, "Wloop2": Wloop2, "b2": b2}

def _rel_graph_conv(x, W, Wloop, b, src, dst, etype, activation):
    # DGL RelGraphConv (regularizer='none'): per-edge message m_e = x[src_e] @ W[etype_e]
    # Compute x @ W for all relations first (N*R*D), then gather per (src, etype).
    n = x.shape[0]
    r = W.shape[0]
    xW = jnp.einsum('ni,rio->nro', x, W)          # [N, R, D_out]
    flat = xW.reshape(n * r, xW.shape[-1])         # [N*R, D_out]
    msg = flat[src * r + etype]                    # gather: [E, D_out]
    agg = jax.ops.segment_sum(msg, dst, num_segments=n)  # scatter-add
    h = agg + x @ Wloop + b                        # self-loop + bias
    if activation:
        h = jax.nn.relu(h)
    return h  # dropout is identity in eval mode

def reference(feats, edge_index, etype, W1, Wloop1, b1, W2, Wloop2, b2):
    src = edge_index[0]
    dst = edge_index[1]
    h = _rel_graph_conv(feats, W1, Wloop1, b1, src, dst, etype, activation=True)
    # inter-layer dropout is identity in eval mode
    h = _rel_graph_conv(h, W2, Wloop2, b2, src, dst, etype, activation=False)
    return h

if __name__ == "__main__":
    import jax
    _d = setup_inputs()
    print(jax.jit(kernel)(*tuple(_d.values())))

</pallas_src>

<mosaic_0001>
#map = affine_map<(d0, d1) -> (0, 0)>
#map1 = affine_map<(d0, d1) -> (0, 0, 0)>
module attributes {stable_mosaic.version = 14 : i64} {
  func.func @_sc_agg_body(%arg0: i32, %arg1: i32, %arg2: memref<80000x128xf32, #tpu.memory_space<hbm>>, %arg3: memref<32x128x80xi32, #tpu.memory_space<hbm>>, %arg4: memref<32x128x80xi32, #tpu.memory_space<hbm>>, %arg5: memref<32x128x80xi32, #tpu.memory_space<hbm>>, %arg6: memref<2x10240x128xf32, #tpu.memory_space<hbm>>, %arg7: memref<16x80xi32, #tpu.memory_space<vmem>>, %arg8: memref<16x80xi32, #tpu.memory_space<vmem>>, %arg9: memref<16x80xi32, #tpu.memory_space<vmem>>, %arg10: memref<80x128xf32, #tpu.memory_space<vmem>>, %arg11: memref<80x128xf32, #tpu.memory_space<vmem>>, %arg12: memref<80x128xf32, #tpu.memory_space<vmem>>, %arg13: memref<80x128xf32, #tpu.memory_space<vmem>>, %arg14: memref<10240x128xf32, #tpu.memory_space<vmem_shared>>, %arg15: memref<!tpu.dma_semaphore, #tpu.memory_space<semaphore_mem>>, %arg16: memref<!tpu.dma_semaphore, #tpu.memory_space<semaphore_mem>>, %arg17: memref<!tpu.dma_semaphore, #tpu.memory_space<semaphore_mem>>, %arg18: memref<!tpu.dma_semaphore, #tpu.memory_space<semaphore_mem>>, %arg19: memref<!tpu.dma_semaphore, #tpu.memory_space<semaphore_mem>>, %arg20: memref<!tpu.dma_semaphore, #tpu.memory_space<semaphore_mem>>, %arg21: memref<!tpu.dma_semaphore, #tpu.memory_space<semaphore_mem>>, %arg22: memref<!tpu.dma_semaphore, #tpu.memory_space<semaphore_mem>>) attributes {dimension_semantics = [#tpu.dimension_semantics<core_parallel>, #tpu.dimension_semantics<subcore_parallel>], iteration_bounds = array<i64: 2, 16>, scalar_prefetch = 0 : i64, scratch_operands = 16 : i64, tpu.core_type = #tpu.core_type<sc_vector_subcore>, window_params = [{transform_indices = #map}, {transform_indices = #map1}, {transform_indices = #map1}, {transform_indices = #map1}, {transform_indices = #map1}]} {
    %mul3A = arith.constant 2 : i32
    %mul3A_0 = arith.muli %arg1, %mul3A : i32
    %sub3A = arith.constant 1 : i32
    %sub3A_1 = arith.subi %sub3A, %arg0 : i32
    %add3A = arith.addi %mul3A_0, %sub3A_1 : i32
    %broadcast_in_dim3A = arith.constant 0.000000e+00 : f32
    %broadcast_in_dim3A_2 = vector.broadcast %broadcast_in_dim3A : f32 to vector<16xf32>
    %scan3A = arith.constant 0 : i32
    %scan3A_3 = arith.constant 0 : i32
    %scan3A_4 = arith.constant 640 : i32
    %scan3A_5 = arith.addi %scan3A_3, %scan3A_4 : i32
    %scan3A_6 = arith.constant 1 : i32
    scf.for %scan3A_49 = %scan3A_3 to %scan3A_5 step %scan3A_6  : i32 {
      %jit3A = arith.constant 8 : i32
      %div3A = arith.divsi %scan3A_49, %jit3A : i32
      %sign3A = arith.constant 0 : i32
      %sign3A_50 = arith.cmpi sgt, %scan3A_49, %sign3A : i32
      %sign3A_51 = arith.extui %sign3A_50 : i1 to i32
      %sign3A_52 = arith.constant 0 : i32
      %sign3A_53 = arith.cmpi slt, %scan3A_49, %sign3A_52 : i32
      %sign3A_54 = arith.extui %sign3A_53 : i1 to i32
      %sign3A_55 = arith.subi %sign3A_51, %sign3A_54 : i32
      %sign3A_56 = arith.constant 0 : i32
      %sign3A_57 = arith.cmpi sgt, %jit3A, %sign3A_56 : i32
      %sign3A_58 = arith.extui %sign3A_57 : i1 to i32
      %sign3A_59 = arith.constant 0 : i32
      %sign3A_60 = arith.cmpi slt, %jit3A, %sign3A_59 : i32
      %sign3A_61 = arith.extui %sign3A_60 : i1 to i32
      %sign3A_62 = arith.subi %sign3A_58, %sign3A_61 : i32
      %ne3A = arith.cmpi ne, %sign3A_55, %sign3A_62 : i32
      %rem3A = arith.remsi %scan3A_49, %jit3A : i32
      %ne3A_63 = arith.constant 0 : i32
      %ne3A_64 = arith.cmpi ne, %rem3A, %ne3A_63 : i32
      %and3A = arith.andi %ne3A, %ne3A_64 : i1
      %sub3A_65 = arith.constant 1 : i32
      %sub3A_66 = arith.subi %div3A, %sub3A_65 : i32
      %select_n3A = arith.select %and3A, %sub3A_66, %div3A : i32
      %jit3A_67 = arith.constant 8 : i32
      %eq3A = arith.constant 0 : i32
      %eq3A_68 = arith.cmpi eq, %jit3A_67, %eq3A : i32
      %jit3A_69 = arith.constant 1 : i32
      %select_n3A_70 = arith.select %eq3A_68, %jit3A_69, %jit3A_67 : i32
      %rem3A_71 = arith.remsi %scan3A_49, %select_n3A_70 : i32
      %ne3A_72 = arith.constant 0 : i32
      %ne3A_73 = arith.cmpi ne, %rem3A_71, %ne3A_72 : i32
      %lt3A = arith.constant 0 : i32
      %lt3A_74 = arith.cmpi slt, %rem3A_71, %lt3A : i32
      %lt3A_75 = arith.constant 0 : i32
      %lt3A_76 = arith.cmpi slt, %select_n3A_70, %lt3A_75 : i32
      %ne3A_77 = arith.xori %lt3A_74, %lt3A_76 : i1
      %and3A_78 = arith.andi %ne3A_77, %ne3A_73 : i1
      %add3A_79 = arith.addi %rem3A_71, %select_n3A_70 : i32
      %select_n3A_80 = arith.select %and3A_78, %add3A_79, %rem3A_71 : i32
      %mul3A_81 = arith.constant 16 : i32
      %mul3A_82 = arith.muli %select_n3A_80, %mul3A_81 : i32
      %swap3A = arith.index_cast %select_n3A : i32 to index
      %swap3A_83 = arith.index_cast %mul3A_82 : i32 to index
      %swap3A_84 = tpu.vector_load %arg10[%swap3A, %swap3A_83] {strides = array<i32>} : memref<80x128xf32, #tpu.memory_space<vmem>>, vector<1x16xf32>,
      %swap3A_85 = vector.shape_cast %swap3A_84 : vector<1x16xf32> to vector<16xf32>
      %swap3A_86 = vector.shape_cast %broadcast_in_dim3A_2 : vector<16xf32> to vector<1x16xf32>
      tpu.vector_store %arg10[%swap3A, %swap3A_83], %swap3A_86 {strides = array<i32>} : memref<80x128xf32, #tpu.memory_space<vmem>>, vector<1x16xf32>,
    }
    %scan3A_7 = arith.constant 640 : i32
    %mul3A_8 = arith.constant 640 : i32
    %mul3A_9 = arith.muli %arg1, %mul3A_8 : i32
    %add3A_10 = arith.constant 0 : i32
    %add3A_11 = arith.addi %mul3A_9, %add3A_10 : i32
    "tpu.region"() ({
      %run_scoped3A = tpu.sem_alloc : memref<!tpu.dma_semaphore, #tpu.memory_space<semaphore_mem>>
      %dma_start3A = arith.constant 0 : i32
      %dma_start3A_49 = tpu.memref_slice %arg14[%add3A_11, %dma_start3A] : memref<10240x128xf32, #tpu.memory_space<vmem_shared>> -> memref<80x128xf32, #tpu.memory_space<vmem_shared>>
      %dma_start3A_50 = arith.constant 0 : i32
      %dma_start3A_51 = tpu.memref_slice %arg14[%add3A_11, %dma_start3A_50] : memref<10240x128xf32, #tpu.memory_space<vmem_shared>> -> memref<80x128xf32, #tpu.memory_space<vmem_shared>>
      tpu.enqueue_dma source(%arg10 : memref<80x128xf32, #tpu.memory_space<vmem>>) target(%dma_start3A_51 : memref<80x128xf32, #tpu.memory_space<vmem_shared>>) target_semaphore(%run_scoped3A : memref<!tpu.dma_semaphore, #tpu.memory_space<semaphore_mem>>)
      %dma_wait3A = arith.constant 0 : i32
      %dma_wait3A_52 = tpu.memref_slice %arg14[%add3A_11, %dma_wait3A] : memref<10240x128xf32, #tpu.memory_space<vmem_shared>> -> memref<80x128xf32, #tpu.memory_space<vmem_shared>>
      %dma_wait3A_53 = arith.constant 0 : i32
      %dma_wait3A_54 = tpu.memref_slice %arg14[%add3A_11, %dma_wait3A_53] : memref<10240x128xf32, #tpu.memory_space<vmem_shared>> -> memref<80x128xf32, #tpu.memory_space<vmem_shared>>
      tpu.wait_dma2 semaphore(%run_scoped3A : memref<!tpu.dma_semaphore, #tpu.memory_space<semaphore_mem>>) src(%arg10 : memref<80x128xf32, #tpu.memory_space<vmem>>) dst(%dma_wait3A_54 : memref<80x128xf32, #tpu.memory_space<vmem_shared>>)
      tpu.yield
    }) : () -> ()
    %mul3A_12 = arith.constant 640 : i32
    %mul3A_13 = arith.muli %arg1, %mul3A_12 : i32
    %add3A_14 = arith.constant 80 : i32
    %add3A_15 = arith.addi %mul3A_13, %add3A_14 : i32
    "tpu.region"() ({
      %run_scoped3A = tpu.sem_alloc : memref<!tpu.dma_semaphore, #tpu.memory_space<semaphore_mem>>
      %dma_start3A = arith.constant 0 : i32
      %dma_start3A_49 = tpu.memref_slice %arg14[%add3A_15, %dma_start3A] : memref<10240x128xf32, #tpu.memory_space<vmem_shared>> -> memref<80x128xf32, #tpu.memory_space<vmem_shared>>
      %dma_start3A_50 = arith.constant 0 : i32
      %dma_start3A_51 = tpu.memref_slice %arg14[%add3A_15, %dma_start3A_50] : memref<10240x128xf32, #tpu.memory_space<vmem_shared>> -> memref<80x128xf32, #tpu.memory_space<vmem_shared>>
      tpu.enqueue_dma source(%arg10 : memref<80x128xf32, #tpu.memory_space<vmem>>) target(%dma_start3A_51 : memref<80x128xf32, #tpu.memory_space<vmem_shared>>) target_semaphore(%run_scoped3A : memref<!tpu.dma_semaphore, #tpu.memory_space<semaphore_mem>>)
      %dma_wait3A = arith.constant 0 : i32
      %dma_wait3A_52 = tpu.memref_slice %arg14[%add3A_15, %dma_wait3A] : memref<10240x128xf32, #tpu.memory_space<vmem_shared>> -> memref<80x128xf32, #tpu.memory_space<vmem_shared>>
      %dma_wait3A_53 = arith.constant 0 : i32
      %dma_wait3A_54 = tpu.memref_slice %arg14[%add3A_15, %dma_wait3A_53] : memref<10240x128xf32, #tpu.memory_space<vmem_shared>> -> memref<80x128xf32, #tpu.memory_space<vmem_shared>>
      tpu.wait_dma2 semaphore(%run_scoped3A : memref<!tpu.dma_semaphore, #tpu.memory_space<semaphore_mem>>) src(%arg10 : memref<80x128xf32, #tpu.memory_space<vmem>>) dst(%dma_wait3A_54 : memref<80x128xf32, #tpu.memory_space<vmem_shared>>)
      tpu.yield
    }) : () -> ()
    %mul3A_16 = arith.constant 640 : i32
    %mul3A_17 = arith.muli %arg1, %mul3A_16 : i32
    %add3A_18 = arith.constant 160 : i32
    %add3A_19 = arith.addi %mul3A_17, %add3A_18 : i32
    "tpu.region"() ({
      %run_scoped3A = tpu.sem_alloc : memref<!tpu.dma_semaphore, #tpu.memory_space<semaphore_mem>>
      %dma_start3A = arith.constant 0 : i32
      %dma_start3A_49 = tpu.memref_slice %arg14[%add3A_19, %dma_start3A] : memref<10240x128xf32, #tpu.memory_space<vmem_shared>> -> memref<80x128xf32, #tpu.memory_space<vmem_shared>>
      %dma_start3A_50 = arith.constant 0 : i32
      %dma_start3A_51 = tpu.memref_slice %arg14[%add3A_19, %dma_start3A_50] : memref<10240x128xf32, #tpu.memory_space<vmem_shared>> -> memref<80x128xf32, #tpu.memory_space<vmem_shared>>
      tpu.enqueue_dma source(%arg10 : memref<80x128xf32, #tpu.memory_space<vmem>>) target(%dma_start3A_51 : memref<80x128xf32, #tpu.memory_space<vmem_shared>>) target_semaphore(%run_scoped3A : memref<!tpu.dma_semaphore, #tpu.memory_space<semaphore_mem>>)
      %dma_wait3A = arith.constant 0 : i32
      %dma_wait3A_52 = tpu.memref_slice %arg14[%add3A_19, %dma_wait3A] : memref<10240x128xf32, #tpu.memory_space<vmem_shared>> -> memref<80x128xf32, #tpu.memory_space<vmem_shared>>
      %dma_wait3A_53 = arith.constant 0 : i32
      %dma_wait3A_54 = tpu.memref_slice %arg14[%add3A_19, %dma_wait3A_53] : memref<10240x128xf32, #tpu.memory_space<vmem_shared>> -> memref<80x128xf32, #tpu.memory_space<vmem_shared>>
      tpu.wait_dma2 semaphore(%run_scoped3A : memref<!tpu.dma_semaphore, #tpu.memory_space<semaphore_mem>>) src(%arg10 : memref<80x128xf32, #tpu.memory_space<vmem>>) dst(%dma_wait3A_54 : memref<80x128xf32, #tpu.memory_space<vmem_shared>>)
      tpu.yield
    }) : () -> ()
    %mul3A_20 = arith.constant 640 : i32
    %mul3A_21 = arith.muli %arg1, %mul3A_20 : i32
    %add3A_22 = arith.constant 240 : i32
    %add3A_23 = arith.addi %mul3A_21, %add3A_22 : i32
    "tpu.region"() ({
      %run_scoped3A = tpu.sem_alloc : memref<!tpu.dma_semaphore, #tpu.memory_space<semaphore_mem>>
      %dma_start3A = arith.constant 0 : i32
      %dma_start3A_49 = tpu.memref_slice %arg14[%add3A_23, %dma_start3A] : memref<10240x128xf32, #tpu.memory_space<vmem_shared>> -> memref<80x128xf32, #tpu.memory_space<vmem_shared>>
      %dma_start3A_50 = arith.constant 0 : i32
      %dma_start3A_51 = tpu.memref_slice %arg14[%add3A_23, %dma_start3A_50] : memref<10240x128xf32, #tpu.memory_space<vmem_shared>> -> memref<80x128xf32, #tpu.memory_space<vmem_shared>>
      tpu.enqueue_dma source(%arg10 : memref<80x128xf32, #tpu.memory_space<vmem>>) target(%dma_start3A_51 : memref<80x128xf32, #tpu.memory_space<vmem_shared>>) target_semaphore(%run_scoped3A : memref<!tpu.dma_semaphore, #tpu.memory_space<semaphore_mem>>)
      %dma_wait3A = arith.constant 0 : i32
      %dma_wait3A_52 = tpu.memref_slice %arg14[%add3A_23, %dma_wait3A] : memref<10240x128xf32, #tpu.memory_space<vmem_shared>> -> memref<80x128xf32, #tpu.memory_space<vmem_shared>>
      %dma_wait3A_53 = arith.constant 0 : i32
      %dma_wait3A_54 = tpu.memref_slice %arg14[%add3A_23, %dma_wait3A_53] : memref<10240x128xf32, #tpu.memory_space<vmem_shared>> -> memref<80x128xf32, #tpu.memory_space<vmem_shared>>
      tpu.wait_dma2 semaphore(%run_scoped3A : memref<!tpu.dma_semaphore, #tpu.memory_space<semaphore_mem>>) src(%arg10 : memref<80x128xf32, #tpu.memory_space<vmem>>) dst(%dma_wait3A_54 : memref<80x128xf32, #tpu.memory_space<vmem_shared>>)
      tpu.yield
    }) : () -> ()
    %mul3A_24 = arith.constant 640 : i32
    %mul3A_25 = arith.muli %arg1, %mul3A_24 : i32
    %add3A_26 = arith.constant 320 : i32
    %add3A_27 = arith.addi %mul3A_25, %add3A_26 : i32
    "tpu.region"() ({
      %run_scoped3A = tpu.sem_alloc : memref<!tpu.dma_semaphore, #tpu.memory_space<semaphore_mem>>
      %dma_start3A = arith.constant 0 : i32
      %dma_start3A_49 = tpu.memref_slice %arg14[%add3A_27, %dma_start3A] : memref<10240x128xf32, #tpu.memory_space<vmem_shared>> -> memref<80x128xf32, #tpu.memory_space<vmem_shared>>
      %dma_start3A_50 = arith.constant 0 : i32
      %dma_start3A_51 = tpu.memref_slice %arg14[%add3A_27, %dma_start3A_50] : memref<10240x128xf32, #tpu.memory_space<vmem_shared>> -> memref<80x128xf32, #tpu.memory_space<vmem_shared>>
      tpu.enqueue_dma source(%arg10 : memref<80x128xf32, #tpu.memory_space<vmem>>) target(%dma_start3A_51 : memref<80x128xf32, #tpu.memory_space<vmem_shared>>) target_semaphore(%run_scoped3A : memref<!tpu.dma_semaphore, #tpu.memory_space<semaphore_mem>>)
      %dma_wait3A = arith.constant 0 : i32
      %dma_wait3A_52 = tpu.memref_slice %arg14[%add3A_27, %dma_wait3A] : memref<10240x128xf32, #tpu.memory_space<vmem_shared>> -> memref<80x128xf32, #tpu.memory_space<vmem_shared>>
      %dma_wait3A_53 = arith.constant 0 : i32
      %dma_wait3A_54 = tpu.memref_slice %arg14[%add3A_27, %dma_wait3A_53] : memref<10240x128xf32, #tpu.memory_space<vmem_shared>> -> memref<80x128xf32, #tpu.memory_space<vmem_shared>>
      tpu.wait_dma2 semaphore(%run_scoped3A : memref<!tpu.dma_semaphore, #tpu.memory_space<semaphore_mem>>) src(%arg10 : memref<80x128xf32, #tpu.memory_space<vmem>>) dst(%dma_wait3A_54 : memref<80x128xf32, #tpu.memory_space<vmem_shared>>)
      tpu.yield
    }) : () -> ()
    %mul3A_28 = arith.constant 640 : i32
    %mul3A_29 = arith.muli %arg1, %mul3A_28 : i32
    %add3A_30 = arith.constant 400 : i32
    %add3A_31 = arith.addi %mul3A_29, %add3A_30 : i32
    "tpu.region"() ({
      %run_scoped3A = tpu.sem_alloc : memref<!tpu.dma_semaphore, #tpu.memory_space<semaphore_mem>>
      %dma_start3A = arith.constant 0 : i32
      %dma_start3A_49 = tpu.memref_slice %arg14[%add3A_31, %dma_start3A] : memref<10240x128xf32, #tpu.memory_space<vmem_shared>> -> memref<80x128xf32, #tpu.memory_space<vmem_shared>>
      %dma_start3A_50 = arith.constant 0 : i32
      %dma_start3A_51 = tpu.memref_slice %arg14[%add3A_31, %dma_start3A_50] : memref<10240x128xf32, #tpu.memory_space<vmem_shared>> -> memref<80x128xf32, #tpu.memory_space<vmem_shared>>
      tpu.enqueue_dma source(%arg10 : memref<80x128xf32, #tpu.memory_space<vmem>>) target(%dma_start3A_51 : memref<80x128xf32, #tpu.memory_space<vmem_shared>>) target_semaphore(%run_scoped3A : memref<!tpu.dma_semaphore, #tpu.memory_space<semaphore_mem>>)
      %dma_wait3A = arith.constant 0 : i32
      %dma_wait3A_52 = tpu.memref_slice %arg14[%add3A_31, %dma_wait3A] : memref<10240x128xf32, #tpu.memory_space<vmem_shared>> -> memref<80x128xf32, #tpu.memory_space<vmem_shared>>
      %dma_wait3A_53 = arith.constant 0 : i32
      %dma_wait3A_54 = tpu.memref_slice %arg14[%add3A_31, %dma_wait3A_53] : memref<10240x128xf32, #tpu.memory_space<vmem_shared>> -> memref<80x128xf32, #tpu.memory_space<vmem_shared>>
      tpu.wait_dma2 semaphore(%run_scoped3A : memref<!tpu.dma_semaphore, #tpu.memory_space<semaphore_mem>>) src(%arg10 : memref<80x128xf32, #tpu.memory_space<vmem>>) dst(%dma_wait3A_54 : memref<80x128xf32, #tpu.memory_space<vmem_shared>>)
      tpu.yield
    }) : () -> ()
    %mul3A_32 = arith.constant 640 : i32
    %mul3A_33 = arith.muli %arg1, %mul3A_32 : i32
    %add3A_34 = arith.constant 480 : i32
    %add3A_35 = arith.addi %mul3A_33, %add3A_34 : i32
    "tpu.region"() ({
      %run_scoped3A = tpu.sem_alloc : memref<!tpu.dma_semaphore, #tpu.memory_space<semaphore_mem>>
      %dma_start3A = arith.constant 0 : i32
      %dma_start3A_49 = tpu.memref_slice %arg14[%add3A_35, %dma_start3A] : memref<10240x128xf32, #tpu.memory_space<vmem_shared>> -> memref<80x128xf32, #tpu.memory_space<vmem_shared>>
      %dma_start3A_50 = arith.constant 0 : i32
      %dma_start3A_51 = tpu.memref_slice %arg14[%add3A_35, %dma_start3A_50] : memref<10240x128xf32, #tpu.memory_space<vmem_shared>> -> memref<80x128xf32, #tpu.memory_space<vmem_shared>>
      tpu.enqueue_dma source(%arg10 : memref<80x128xf32, #tpu.memory_space<vmem>>) target(%dma_start3A_51 : memref<80x128xf32, #tpu.memory_space<vmem_shared>>) target_semaphore(%run_scoped3A : memref<!tpu.dma_semaphore, #tpu.memory_space<semaphore_mem>>)
      %dma_wait3A = arith.constant 0 : i32
      %dma_wait3A_52 = tpu.memref_slice %arg14[%add3A_35, %dma_wait3A] : memref<10240x128xf32, #tpu.memory_space<vmem_shared>> -> memref<80x128xf32, #tpu.memory_space<vmem_shared>>
      %dma_wait3A_53 = arith.constant 0 : i32
      %dma_wait3A_54 = tpu.memref_slice %arg14[%add3A_35, %dma_wait3A_53] : memref<10240x128xf32, #tpu.memory_space<vmem_shared>> -> memref<80x128xf32, #tpu.memory_space<vmem_shared>>
      tpu.wait_dma2 semaphore(%run_scoped3A : memref<!tpu.dma_semaphore, #tpu.memory_space<semaphore_mem>>) src(%arg10 : memref<80x128xf32, #tpu.memory_space<vmem>>) dst(%dma_wait3A_54 : memref<80x128xf32, #tpu.memory_space<vmem_shared>>)
      tpu.yield
    }) : () -> ()
    %mul3A_36 = arith.constant 640 : i32
    %mul3A_37 = arith.muli %arg1, %mul3A_36 : i32
    %add3A_38 = arith.constant 560 : i32
    %add3A_39 = arith.addi %mul3A_37, %add3A_38 : i32
    "tpu.region"() ({
      %run_scoped3A = tpu.sem_alloc : memref<!tpu.dma_semaphore, #tpu.memory_space<semaphore_mem>>
      %dma_start3A = arith.constant 0 : i32
      %dma_start3A_49 = tpu.memref_slice %arg14[%add3A_39, %dma_start3A] : memref<10240x128xf32, #tpu.memory_space<vmem_shared>> -> memref<80x128xf32, #tpu.memory_space<vmem_shared>>
      %dma_start3A_50 = arith.constant 0 : i32
      %dma_start3A_51 = tpu.memref_slice %arg14[%add3A_39, %dma_start3A_50] : memref<10240x128xf32, #tpu.memory_space<vmem_shared>> -> memref<80x128xf32, #tpu.memory_space<vmem_shared>>
      tpu.enqueue_dma source(%arg10 : memref<80x128xf32, #tpu.memory_space<vmem>>) target(%dma_start3A_51 : memref<80x128xf32, #tpu.memory_space<vmem_shared>>) target_semaphore(%run_scoped3A : memref<!tpu.dma_semaphore, #tpu.memory_space<semaphore_mem>>)
      %dma_wait3A = arith.constant 0 : i32
      %dma_wait3A_52 = tpu.memref_slice %arg14[%add3A_39, %dma_wait3A] : memref<10240x128xf32, #tpu.memory_space<vmem_shared>> -> memref<80x128xf32, #tpu.memory_space<vmem_shared>>
      %dma_wait3A_53 = arith.constant 0 : i32
      %dma_wait3A_54 = tpu.memref_slice %arg14[%add3A_39, %dma_wait3A_53] : memref<10240x128xf32, #tpu.memory_space<vmem_shared>> -> memref<80x128xf32, #tpu.memory_space<vmem_shared>>
      tpu.wait_dma2 semaphore(%run_scoped3A : memref<!tpu.dma_semaphore, #tpu.memory_space<semaphore_mem>>) src(%arg10 : memref<80x128xf32, #tpu.memory_space<vmem>>) dst(%dma_wait3A_54 : memref<80x128xf32, #tpu.memory_space<vmem_shared>>)
      tpu.yield
    }) : () -> ()
    %barrier3A = arith.constant 0 : index
    tpu.barrier barrier_id(%barrier3A)
    %scan3A_40 = arith.constant 0 : i32
    %scan3A_41 = arith.constant 0 : i32
    %scan3A_42 = arith.constant 8 : i32
    %scan3A_43 = arith.addi %scan3A_41, %scan3A_42 : i32
    %scan3A_44 = arith.constant 1 : i32
    scf.for %scan3A_49 = %scan3A_41 to %scan3A_43 step %scan3A_44  : i32 {
      "tpu.trace_start"() <{level = 10 : i32, message = "stage_idx"}> : () -> ()
      %mul3A_50 = arith.constant 16 : i32
      %mul3A_51 = arith.muli %scan3A_49, %mul3A_50 : i32
      "tpu.region"() ({
        %run_scoped3A = tpu.sem_alloc : memref<!tpu.dma_semaphore, #tpu.memory_space<semaphore_mem>>
        %dma_start3A_508 = arith.constant 0 : i32
        %dma_start3A_509 = tpu.memref_slice %arg3[%add3A, %mul3A_51, %dma_start3A_508] : memref<32x128x80xi32, #tpu.memory_space<hbm>> -> memref<1x16x80xi32, #tpu.memory_space<hbm>>
        %dma_start3A_510 = tpu.memref_squeeze %dma_start3A_509 : memref<1x16x80xi32, #tpu.memory_space<hbm>> -> memref<16x80xi32, #tpu.memory_space<hbm>>
        %dma_start3A_511 = arith.constant 0 : i32
        %dma_start3A_512 = tpu.memref_slice %arg3[%add3A, %mul3A_51, %dma_start3A_511] : memref<32x128x80xi32, #tpu.memory_space<hbm>> -> memref<1x16x80xi32, #tpu.memory_space<hbm>>
        %dma_start3A_513 = tpu.memref_squeeze %dma_start3A_512 : memref<1x16x80xi32, #tpu.memory_space<hbm>> -> memref<16x80xi32, #tpu.memory_space<hbm>>
        tpu.enqueue_dma source(%dma_start3A_513 : memref<16x80xi32, #tpu.memory_space<hbm>>) target(%arg7 : memref<16x80xi32, #tpu.memory_space<vmem>>) target_semaphore(%run_scoped3A : memref<!tpu.dma_semaphore, #tpu.memory_space<semaphore_mem>>)
        %dma_wait3A_514 = arith.constant 0 : i32
        %dma_wait3A_515 = tpu.memref_slice %arg3[%add3A, %mul3A_51, %dma_wait3A_514] : memref<32x128x80xi32, #tpu.memory_space<hbm>> -> memref<1x16x80xi32, #tpu.memory_space<hbm>>
        %dma_wait3A_516 = tpu.memref_squeeze %dma_wait3A_515 : memref<1x16x80xi32, #tpu.memory_space<hbm>> -> memref<16x80xi32, #tpu.memory_space<hbm>>
        %dma_wait3A_517 = arith.constant 0 : i32
        %dma_wait3A_518 = tpu.memref_slice %arg3[%add3A, %mul3A_51, %dma_wait3A_517] : memref<32x128x80xi32, #tpu.memory_space<hbm>> -> memref<1x16x80xi32, #tpu.memory_space<hbm>>
        %dma_wait3A_519 = tpu.memref_squeeze %dma_wait3A_518 : memref<1x16x80xi32, #tpu.memory_space<hbm>> -> memref<16x80xi32, #tpu.memory_space<hbm>>
        tpu.wait_dma2 semaphore(%run_scoped3A : memref<!tpu.dma_semaphore, #tpu.memory_space<semaphore_mem>>) src(%dma_wait3A_519 : memref<16x80xi32, #tpu.memory_space<hbm>>) dst(%arg7 : memref<16x80xi32, #tpu.memory_space<vmem>>)
        tpu.yield
      }) : () -> ()
      %mul3A_52 = arith.constant 16 : i32
      %mul3A_53 = arith.muli %scan3A_49, %mul3A_52 : i32
      "tpu.region"() ({
        %run_scoped3A = tpu.sem_alloc : memref<!tpu.dma_semaphore, #tpu.memory_space<semaphore_mem>>
        %dma_start3A_508 = arith.constant 0 : i32
        %dma_start3A_509 = tpu.memref_slice %arg4[%add3A, %mul3A_53, %dma_start3A_508] : memref<32x128x80xi32, #tpu.memory_space<hbm>> -> memref<1x16x80xi32, #tpu.memory_space<hbm>>
        %dma_start3A_510 = tpu.memref_squeeze %dma_start3A_509 : memref<1x16x80xi32, #tpu.memory_space<hbm>> -> memref<16x80xi32, #tpu.memory_space<hbm>>
        %dma_start3A_511 = arith.constant 0 : i32
        %dma_start3A_512 = tpu.memref_slice %arg4[%add3A, %mul3A_53, %dma_start3A_511] : memref<32x128x80xi32, #tpu.memory_space<hbm>> -> memref<1x16x80xi32, #tpu.memory_space<hbm>>
        %dma_start3A_513 = tpu.memref_squeeze %dma_start3A_512 : memref<1x16x80xi32, #tpu.memory_space<hbm>> -> memref<16x80xi32, #tpu.memory_space<hbm>>
        tpu.enqueue_dma source(%dma_start3A_513 : memref<16x80xi32, #tpu.memory_space<hbm>>) target(%arg8 : memref<16x80xi32, #tpu.memory_space<vmem>>) target_semaphore(%run_scoped3A : memref<!tpu.dma_semaphore, #tpu.memory_space<semaphore_mem>>)
        %dma_wait3A_514 = arith.constant 0 : i32
        %dma_wait3A_515 = tpu.memref_slice %arg4[%add3A, %mul3A_53, %dma_wait3A_514] : memref<32x128x80xi32, #tpu.memory_space<hbm>> -> memref<1x16x80xi32, #tpu.memory_space<hbm>>
        %dma_wait3A_516 = tpu.memref_squeeze %dma_wait3A_515 : memref<1x16x80xi32, #tpu.memory_space<hbm>> -> memref<16x80xi32, #tpu.memory_space<hbm>>
        %dma_wait3A_517 = arith.constant 0 : i32
        %dma_wait3A_518 = tpu.memref_slice %arg4[%add3A, %mul3A_53, %dma_wait3A_517] : memref<32x128x80xi32, #tpu.memory_space<hbm>> -> memref<1x16x80xi32, #tpu.memory_space<hbm>>
        %dma_wait3A_519 = tpu.memref_squeeze %dma_wait3A_518 : memref<1x16x80xi32, #tpu.memory_space<hbm>> -> memref<16x80xi32, #tpu.memory_space<hbm>>
        tpu.wait_dma2 semaphore(%run_scoped3A : memref<!tpu.dma_semaphore, #tpu.memory_space<semaphore_mem>>) src(%dma_wait3A_519 : memref<16x80xi32, #tpu.memory_space<hbm>>) dst(%arg8 : memref<16x80xi32, #tpu.memory_space<vmem>>)
        tpu.yield
      }) : () -> ()
      %mul3A_54 = arith.constant 16 : i32
      %mul3A_55 = arith.muli %scan3A_49, %mul3A_54 : i32
      "tpu.region"() ({
        %run_scoped3A = tpu.sem_alloc : memref<!tpu.dma_semaphore, #tpu.memory_space<semaphore_mem>>
        %dma_start3A_508 = arith.constant 0 : i32
        %dma_start3A_509 = tpu.memref_slice %arg5[%add3A, %mul3A_55, %dma_start3A_508] : memref<32x128x80xi32, #tpu.memory_space<hbm>> -> memref<1x16x80xi32, #tpu.memory_space<hbm>>
        %dma_start3A_510 = tpu.memref_squeeze %dma_start3A_509 : memref<1x16x80xi32, #tpu.memory_space<hbm>> -> memref<16x80xi32, #tpu.memory_space<hbm>>
        %dma_start3A_511 = arith.constant 0 : i32
        %dma_start3A_512 = tpu.memref_slice %arg5[%add3A, %mul3A_55, %dma_start3A_511] : memref<32x128x80xi32, #tpu.memory_space<hbm>> -> memref<1x16x80xi32, #tpu.memory_space<hbm>>
        %dma_start3A_513 = tpu.memref_squeeze %dma_start3A_512 : memref<1x16x80xi32, #tpu.memory_space<hbm>> -> memref<16x80xi32, #tpu.memory_space<hbm>>
        tpu.enqueue_dma source(%dma_start3A_513 : memref<16x80xi32, #tpu.memory_space<hbm>>) target(%arg9 : memref<16x80xi32, #tpu.memory_space<vmem>>) target_semaphore(%run_scoped3A : memref<!tpu.dma_semaphore, #tpu.memory_space<semaphore_mem>>)
        %dma_wait3A_514 = arith.constant 0 : i32
        %dma_wait3A_515 = tpu.memref_slice %arg5[%add3A, %mul3A_55, %dma_wait3A_514] : memref<32x128x80xi32, #tpu.memory_space<hbm>> -> memref<1x16x80xi32, #tpu.memory_space<hbm>>
        %dma_wait3A_516 = tpu.memref_squeeze %dma_wait3A_515 : memref<1x16x80xi32, #tpu.memory_space<hbm>> -> memref<16x80xi32, #tpu.memory_space<hbm>>
        %dma_wait3A_517 = arith.constant 0 : i32
        %dma_wait3A_518 = tpu.memref_slice %arg5[%add3A, %mul3A_55, %dma_wait3A_517] : memref<32x128x80xi32, #tpu.memory_space<hbm>> -> memref<1x16x80xi32, #tpu.memory_space<hbm>>
        %dma_wait3A_519 = tpu.memref_squeeze %dma_wait3A_518 : memref<1x16x80xi32, #tpu.memory_space<hbm>> -> memref<16x80xi32, #tpu.memory_space<hbm>>
        tpu.wait_dma2 semaphore(%run_scoped3A : memref<!tpu.dma_semaphore, #tpu.memory_space<semaphore_mem>>) src(%dma_wait3A_519 : memref<16x80xi32, #tpu.memory_space<hbm>>) dst(%arg9 : memref<16x80xi32, #tpu.memory_space<vmem>>)
        tpu.yield
      }) : () -> ()
      "tpu.trace_stop"() : () -> ()
      "tpu.trace_start"() <{level = 10 : i32, message = "gix"}> : () -> ()
      %scan3A_56 = arith.constant 0 : i32
      %scan3A_57 = arith.constant 0 : i32
      %scan3A_58 = arith.constant 16 : i32
      %scan3A_59 = arith.addi %scan3A_57, %scan3A_58 : i32
      %scan3A_60 = arith.constant 1 : i32
      scf.for %scan3A_508 = %scan3A_57 to %scan3A_59 step %scan3A_60  : i32 {
        %get3A = arith.index_cast %scan3A_508 : i32 to index
        %get3A_509 = arith.constant 0 : index
        %get3A_510 = tpu.vector_load %arg8[%get3A, %get3A_509] {strides = array<i32>} : memref<16x80xi32, #tpu.memory_space<vmem>>, vector<1x16xi32>,
        %get3A_511 = vector.shape_cast %get3A_510 : vector<1x16xi32> to vector<16xi32>
        %mul3A_512 = arith.constant 10000 : i32
        %mul3A_513 = vector.broadcast %mul3A_512 : i32 to vector<16xi32>
        %mul3A_514 = arith.muli %get3A_511, %mul3A_513 : vector<16xi32>
        %get3A_515 = arith.index_cast %scan3A_508 : i32 to index
        %get3A_516 = arith.constant 0 : index
        %get3A_517 = tpu.vector_load %arg7[%get3A_515, %get3A_516] {strides = array<i32>} : memref<16x80xi32, #tpu.memory_space<vmem>>, vector<1x16xi32>,
        %get3A_518 = vector.shape_cast %get3A_517 : vector<1x16xi32> to vector<16xi32>
        %add3A_519 = arith.addi %mul3A_514, %get3A_518 : vector<16xi32>
        %swap3A = arith.index_cast %scan3A_508 : i32 to index
        %swap3A_520 = arith.constant 0 : index
        %swap3A_521 = tpu.vector_load %arg7[%swap3A, %swap3A_520] {strides = array<i32>} : memref<16x80xi32, #tpu.memory_space<vmem>>, vector<1x16xi32>,
        %swap3A_522 = vector.shape_cast %swap3A_521 : vector<1x16xi32> to vector<16xi32>
        %swap3A_523 = vector.shape_cast %add3A_519 : vector<16xi32> to vector<1x16xi32>
        tpu.vector_store %arg7[%swap3A, %swap3A_520], %swap3A_523 {strides = array<i32>} : memref<16x80xi32, #tpu.memory_space<vmem>>, vector<1x16xi32>,
        %get3A_524 = arith.index_cast %scan3A_508 : i32 to index
        %get3A_525 = arith.constant 16 : index
        %get3A_526 = tpu.vector_load %arg8[%get3A_524, %get3A_525] {strides = array<i32>} : memref<16x80xi32, #tpu.memory_space<vmem>>, vector<1x16xi32>,
        %get3A_527 = vector.shape_cast %get3A_526 : vector<1x16xi32> to vector<16xi32>
        %mul3A_528 = arith.constant 10000 : i32
        %mul3A_529 = vector.broadcast %mul3A_528 : i32 to vector<16xi32>
        %mul3A_530 = arith.muli %get3A_527, %mul3A_529 : vector<16xi32>
        %get3A_531 = arith.index_cast %scan3A_508 : i32 to index
        %get3A_532 = arith.constant 16 : index
        %get3A_533 = tpu.vector_load %arg7[%get3A_531, %get3A_532] {strides = array<i32>} : memref<16x80xi32, #tpu.memory_space<vmem>>, vector<1x16xi32>,
        %get3A_534 = vector.shape_cast %get3A_533 : vector<1x16xi32> to vector<16xi32>
        %add3A_535 = arith.addi %mul3A_530, %get3A_534 : vector<16xi32>
        %swap3A_536 = arith.index_cast %scan3A_508 : i32 to index
        %swap3A_537 = arith.constant 16 : index
        %swap3A_538 = tpu.vector_load %arg7[%swap3A_536, %swap3A_537] {strides = array<i32>} : memref<16x80xi32, #tpu.memory_space<vmem>>, vector<1x16xi32>,
        %swap3A_539 = vector.shape_cast %swap3A_538 : vector<1x16xi32> to vector<16xi32>
        %swap3A_540 = vector.shape_cast %add3A_535 : vector<16xi32> to vector<1x16xi32>
        tpu.vector_store %arg7[%swap3A_536, %swap3A_537], %swap3A_540 {strides = array<i32>} : memref<16x80xi32, #tpu.memory_space<vmem>>, vector<1x16xi32>,
        %get3A_541 = arith.index_cast %scan3A_508 : i32 to index
        %get3A_542 = arith.constant 32 : index
        %get3A_543 = tpu.vector_load %arg8[%get3A_541, %get3A_542] {strides = array<i32>} : memref<16x80xi32, #tpu.memory_space<vmem>>, vector<1x16xi32>,
        %get3A_544 = vector.shape_cast %get3A_543 : vector<1x16xi32> to vector<16xi32>
        %mul3A_545 = arith.constant 10000 : i32
        %mul3A_546 = vector.broadcast %mul3A_545 : i32 to vector<16xi32>
        %mul3A_547 = arith.muli %get3A_544, %mul3A_546 : vector<16xi32>
        %get3A_548 = arith.index_cast %scan3A_508 : i32 to index
        %get3A_549 = arith.constant 32 : index
        %get3A_550 = tpu.vector_load %arg7[%get3A_548, %get3A_549] {strides = array<i32>} : memref<16x80xi32, #tpu.memory_space<vmem>>, vector<1x16xi32>,
        %get3A_551 = vector.shape_cast %get3A_550 : vector<1x16xi32> to vector<16xi32>
        %add3A_552 = arith.addi %mul3A_547, %get3A_551 : vector<16xi32>
        %swap3A_553 = arith.index_cast %scan3A_508 : i32 to index
        %swap3A_554 = arith.constant 32 : index
        %swap3A_555 = tpu.vector_load %arg7[%swap3A_553, %swap3A_554] {strides = array<i32>} : memref<16x80xi32, #tpu.memory_space<vmem>>, vector<1x16xi32>,
        %swap3A_556 = vector.shape_cast %swap3A_555 : vector<1x16xi32> to vector<16xi32>
        %swap3A_557 = vector.shape_cast %add3A_552 : vector<16xi32> to vector<1x16xi32>
        tpu.vector_store %arg7[%swap3A_553, %swap3A_554], %swap3A_557 {strides = array<i32>} : memref<16x80xi32, #tpu.memory_space<vmem>>, vector<1x16xi32>,
        %get3A_558 = arith.index_cast %scan3A_508 : i32 to index
        %get3A_559 = arith.constant 48 : index
        %get3A_560 = tpu.vector_load %arg8[%get3A_558, %get3A_559] {strides = array<i32>} : memref<16x80xi32, #tpu.memory_space<vmem>>, vector<1x16xi32>,
        %get3A_561 = vector.shape_cast %get3A_560 : vector<1x16xi32> to vector<16xi32>
        %mul3A_562 = arith.constant 10000 : i32
        %mul3A_563 = vector.broadcast %mul3A_562 : i32 to vector<16xi32>
        %mul3A_564 = arith.muli %get3A_561, %mul3A_563 : vector<16xi32>
        %get3A_565 = arith.index_cast %scan3A_508 : i32 to index
        %get3A_566 = arith.constant 48 : index
        %get3A_567 = tpu.vector_load %arg7[%get3A_565, %get3A_566] {strides = array<i32>} : memref<16x80xi32, #tpu.memory_space<vmem>>, vector<1x16xi32>,
        %get3A_568 = vector.shape_cast %get3A_567 : vector<1x16xi32> to vector<16xi32>
        %add3A_569 = arith.addi %mul3A_564, %get3A_568 : vector<16xi32>
        %swap3A_570 = arith.index_cast %scan3A_508 : i32 to index
        %swap3A_571 = arith.constant 48 : index
        %swap3A_572 = tpu.vector_load %arg7[%swap3A_570, %swap3A_571] {strides = array<i32>} : memref<16x80xi32, #tpu.memory_space<vmem>>, vector<1x16xi32>,
        %swap3A_573 = vector.shape_cast %swap3A_572 : vector<1x16xi32> to vector<16xi32>
        %swap3A_574 = vector.shape_cast %add3A_569 : vector<16xi32> to vector<1x16xi32>
        tpu.vector_store %arg7[%swap3A_570, %swap3A_571], %swap3A_574 {strides = array<i32>} : memref<16x80xi32, #tpu.memory_space<vmem>>, vector<1x16xi32>,
        %get3A_575 = arith.index_cast %scan3A_508 : i32 to index
        %get3A_576 = arith.constant 64 : index
        %get3A_577 = tpu.vector_load %arg8[%get3A_575, %get3A_576] {strides = array<i32>} : memref<16x80xi32, #tpu.memory_space<vmem>>, vector<1x16xi32>,
        %get3A_578 = vector.shape_cast %get3A_577 : vector<1x16xi32> to vector<16xi32>
        %mul3A_579 = arith.constant 10000 : i32
        %mul3A_580 = vector.broadcast %mul3A_579 : i32 to vector<16xi32>
        %mul3A_581 = arith.muli %get3A_578, %mul3A_580 : vector<16xi32>
        %get3A_582 = arith.index_cast %scan3A_508 : i32 to index
        %get3A_583 = arith.constant 64 : index
        %get3A_584 = tpu.vector_load %arg7[%get3A_582, %get3A_583] {strides = array<i32>} : memref<16x80xi32, #tpu.memory_space<vmem>>, vector<1x16xi32>,
        %get3A_585 = vector.shape_cast %get3A_584 : vector<1x16xi32> to vector<16xi32>
        %add3A_586 = arith.addi %mul3A_581, %get3A_585 : vector<16xi32>
        %swap3A_587 = arith.index_cast %scan3A_508 : i32 to index
        %swap3A_588 = arith.constant 64 : index
        %swap3A_589 = tpu.vector_load %arg7[%swap3A_587, %swap3A_588] {strides = array<i32>} : memref<16x80xi32, #tpu.memory_space<vmem>>, vector<1x16xi32>,
        %swap3A_590 = vector.shape_cast %swap3A_589 : vector<1x16xi32> to vector<16xi32>
        %swap3A_591 = vector.shape_cast %add3A_586 : vector<16xi32> to vector<1x16xi32>
        tpu.vector_store %arg7[%swap3A_587, %swap3A_588], %swap3A_591 {strides = array<i32>} : memref<16x80xi32, #tpu.memory_space<vmem>>, vector<1x16xi32>,
      }
      %scan3A_61 = arith.constant 16 : i32
      %dma_start3A = arith.constant 0 : i32
      "tpu.trace_stop"() : () -> ()
      "tpu.trace_start"() <{level = 10 : i32, message = "gathers"}> : () -> ()
      %dma_start3A_62 = arith.constant 0 : i32
      %dma_start3A_63 = tpu.memref_slice %arg7[%dma_start3A, %dma_start3A_62] : memref<16x80xi32, #tpu.memory_space<vmem>> -> memref<1x80xi32, #tpu.memory_space<vmem>>
      %dma_start3A_64 = tpu.memref_squeeze %dma_start3A_63 : memref<1x80xi32, #tpu.memory_space<vmem>> -> memref<80xi32, #tpu.memory_space<vmem>>
      %dma_start3A_65 = arith.constant 0 : i32
      %dma_start3A_66 = arith.constant 0 : i32
      %dma_start3A_67 = tpu.memref_slice %arg2[%dma_start3A_65, %dma_start3A_66] : memref<80000x128xf32, #tpu.memory_space<hbm>> -> memref<80000x128xf32, #tpu.memory_space<hbm>>
      tpu.enqueue_indirect_dma source(%dma_start3A_67 : memref<80000x128xf32, #tpu.memory_space<hbm>>) target(%arg10 : memref<80x128xf32, #tpu.memory_space<vmem>>) offsets(%dma_start3A_64 : memref<80xi32, #tpu.memory_space<vmem>>) semaphore(%arg15 : memref<!tpu.dma_semaphore, #tpu.memory_space<semaphore_mem>>)
      %dma_start3A_68 = arith.constant 1 : i32
      %dma_start3A_69 = arith.constant 0 : i32
      %dma_start3A_70 = tpu.memref_slice %arg7[%dma_start3A_68, %dma_start3A_69] : memref<16x80xi32, #tpu.memory_space<vmem>> -> memref<1x80xi32, #tpu.memory_space<vmem>>
      %dma_start3A_71 = tpu.memref_squeeze %dma_start3A_70 : memref<1x80xi32, #tpu.memory_space<vmem>> -> memref<80xi32, #tpu.memory_space<vmem>>
      %dma_start3A_72 = arith.constant 0 : i32
      %dma_start3A_73 = arith.constant 0 : i32
      %dma_start3A_74 = tpu.memref_slice %arg2[%dma_start3A_72, %dma_start3A_73] : memref<80000x128xf32, #tpu.memory_space<hbm>> -> memref<80000x128xf32, #tpu.memory_space<hbm>>
      tpu.enqueue_indirect_dma source(%dma_start3A_74 : memref<80000x128xf32, #tpu.memory_space<hbm>>) target(%arg11 : memref<80x128xf32, #tpu.memory_space<vmem>>) offsets(%dma_start3A_71 : memref<80xi32, #tpu.memory_space<vmem>>) semaphore(%arg16 : memref<!tpu.dma_semaphore, #tpu.memory_space<semaphore_mem>>)
      %dma_start3A_75 = arith.constant 2 : i32
      %dma_start3A_76 = arith.constant 0 : i32
      %dma_start3A_77 = tpu.memref_slice %arg7[%dma_start3A_75, %dma_start3A_76] : memref<16x80xi32, #tpu.memory_space<vmem>> -> memref<1x80xi32, #tpu.memory_space<vmem>>
      %dma_start3A_78 = tpu.memref_squeeze %dma_start3A_77 : memref<1x80xi32, #tpu.memory_space<vmem>> -> memref<80xi32, #tpu.memory_space<vmem>>
      %dma_start3A_79 = arith.constant 0 : i32
      %dma_start3A_80 = arith.constant 0 : i32
      %dma_start3A_81 = tpu.memref_slice %arg2[%dma_start3A_79, %dma_start3A_80] : memref<80000x128xf32, #tpu.memory_space<hbm>> -> memref<80000x128xf32, #tpu.memory_space<hbm>>
      tpu.enqueue_indirect_dma source(%dma_start3A_81 : memref<80000x128xf32, #tpu.memory_space<hbm>>) target(%arg12 : memref<80x128xf32, #tpu.memory_space<vmem>>) offsets(%dma_start3A_78 : memref<80xi32, #tpu.memory_space<vmem>>) semaphore(%arg17 : memref<!tpu.dma_semaphore, #tpu.memory_space<semaphore_mem>>)
      %dma_start3A_82 = arith.constant 3 : i32
      %dma_start3A_83 = arith.constant 0 : i32
      %dma_start3A_84 = tpu.memref_slice %arg7[%dma_start3A_82, %dma_start3A_83] : memref<16x80xi32, #tpu.memory_space<vmem>> -> memref<1x80xi32, #tpu.memory_space<vmem>>
      %dma_start3A_85 = tpu.memref_squeeze %dma_start3A_84 : memref<1x80xi32, #tpu.memory_space<vmem>> -> memref<80xi32, #tpu.memory_space<vmem>>
      %dma_start3A_86 = arith.constant 0 : i32
      %dma_start3A_87 = arith.constant 0 : i32
      %dma_start3A_88 = tpu.memref_slice %arg2[%dma_start3A_86, %dma_start3A_87] : memref<80000x128xf32, #tpu.memory_space<hbm>> -> memref<80000x128xf32, #tpu.memory_space<hbm>>
      tpu.enqueue_indirect_dma source(%dma_start3A_88 : memref<80000x128xf32, #tpu.memory_space<hbm>>) target(%arg13 : memref<80x128xf32, #tpu.memory_space<vmem>>) offsets(%dma_start3A_85 : memref<80xi32, #tpu.memory_space<vmem>>) semaphore(%arg18 : memref<!tpu.dma_semaphore, #tpu.memory_space<semaphore_mem>>)
      %dma_wait3A = arith.constant 0 : i32
      %dma_wait3A_89 = arith.constant 0 : i32
      %dma_wait3A_90 = tpu.memref_slice %arg7[%dma_wait3A, %dma_wait3A_89] : memref<16x80xi32, #tpu.memory_space<vmem>> -> memref<1x80xi32, #tpu.memory_space<vmem>>
      %dma_wait3A_91 = tpu.memref_squeeze %dma_wait3A_90 : memref<1x80xi32, #tpu.memory_space<vmem>> -> memref<80xi32, #tpu.memory_space<vmem>>
      %dma_wait3A_92 = arith.constant 0 : i32
      %dma_wait3A_93 = arith.constant 0 : i32
      %dma_wait3A_94 = tpu.memref_slice %arg2[%dma_wait3A_92, %dma_wait3A_93] : memref<80000x128xf32, #tpu.memory_space<hbm>> -> memref<80000x128xf32, #tpu.memory_space<hbm>>
      tpu.wait_indirect_dma semaphore(%arg15 : memref<!tpu.dma_semaphore, #tpu.memory_space<semaphore_mem>>) src(%dma_wait3A_94 : memref<80000x128xf32, #tpu.memory_space<hbm>>) dst(%arg10 : memref<80x128xf32, #tpu.memory_space<vmem>>)
      %dma_start3A_95 = arith.constant 0 : i32
      %dma_start3A_96 = arith.constant 0 : i32
      %dma_start3A_97 = tpu.memref_slice %arg9[%dma_start3A_95, %dma_start3A_96] : memref<16x80xi32, #tpu.memory_space<vmem>> -> memref<1x80xi32, #tpu.memory_space<vmem>>
      %dma_start3A_98 = tpu.memref_squeeze %dma_start3A_97 : memref<1x80xi32, #tpu.memory_space<vmem>> -> memref<80xi32, #tpu.memory_space<vmem>>
      %dma_start3A_99 = arith.constant 0 : i32
      %dma_start3A_100 = arith.constant 0 : i32
      %dma_start3A_101 = tpu.memref_slice %arg14[%dma_start3A_99, %dma_start3A_100] : memref<10240x128xf32, #tpu.memory_space<vmem_shared>> -> memref<10240x128xf32, #tpu.memory_space<vmem_shared>>
      tpu.enqueue_indirect_dma source(%arg10 : memref<80x128xf32, #tpu.memory_space<vmem>>) target(%dma_start3A_101 : memref<10240x128xf32, #tpu.memory_space<vmem_shared>>) offsets(%dma_start3A_98 : memref<80xi32, #tpu.memory_space<vmem>>) semaphore(%arg19 : memref<!tpu.dma_semaphore, #tpu.memory_space<semaphore_mem>>) {add = true}
      %dma_wait3A_102 = arith.constant 0 : i32
      %dma_wait3A_103 = arith.constant 0 : i32
      %dma_wait3A_104 = tpu.memref_slice %arg7[%dma_wait3A_102, %dma_wait3A_103] : memref<16x80xi32, #tpu.memory_space<vmem>> -> memref<1x80xi32, #tpu.memory_space<vmem>>
      %dma_wait3A_105 = tpu.memref_squeeze %dma_wait3A_104 : memref<1x80xi32, #tpu.memory_space<vmem>> -> memref<80xi32, #tpu.memory_space<vmem>>
      %dma_wait3A_106 = arith.constant 0 : i32
      %dma_wait3A_107 = arith.constant 0 : i32
      %dma_wait3A_108 = tpu.memref_slice %arg2[%dma_wait3A_106, %dma_wait3A_107] : memref<80000x128xf32, #tpu.memory_space<hbm>> -> memref<80000x128xf32, #tpu.memory_space<hbm>>
      tpu.wait_indirect_dma semaphore(%arg16 : memref<!tpu.dma_semaphore, #tpu.memory_space<semaphore_mem>>) src(%dma_wait3A_108 : memref<80000x128xf32, #tpu.memory_space<hbm>>) dst(%arg11 : memref<80x128xf32, #tpu.memory_space<vmem>>)
      %dma_start3A_109 = arith.constant 1 : i32
      %dma_start3A_110 = arith.constant 0 : i32
      %dma_start3A_111 = tpu.memref_slice %arg9[%dma_start3A_109, %dma_start3A_110] : memref<16x80xi32, #tpu.memory_space<vmem>> -> memref<1x80xi32, #tpu.memory_space<vmem>>
      %dma_start3A_112 = tpu.memref_squeeze %dma_start3A_111 : memref<1x80xi32, #tpu.memory_space<vmem>> -> memref<80xi32, #tpu.memory_space<vmem>>
      %dma_start3A_113 = arith.constant 0 : i32
      %dma_start3A_114 = arith.constant 0 : i32
      %dma_start3A_115 = tpu.memref_slice %arg14[%dma_start3A_113, %dma_start3A_114] : memref<10240x128xf32, #tpu.memory_space<vmem_shared>> -> memref<10240x128xf32, #tpu.memory_space<vmem_shared>>
      tpu.enqueue_indirect_dma source(%arg11 : memref<80x128xf32, #tpu.memory_space<vmem>>) target(%dma_start3A_115 : memref<10240x128xf32, #tpu.memory_space<vmem_shared>>) offsets(%dma_start3A_112 : memref<80xi32, #tpu.memory_space<vmem>>) semaphore(%arg20 : memref<!tpu.dma_semaphore, #tpu.memory_space<semaphore_mem>>) {add = true}
      %dma_wait3A_116 = arith.constant 0 : i32
      %dma_wait3A_117 = arith.constant 0 : i32
      %dma_wait3A_118 = tpu.memref_slice %arg7[%dma_wait3A_116, %dma_wait3A_117] : memref<16x80xi32, #tpu.memory_space<vmem>> -> memref<1x80xi32, #tpu.memory_space<vmem>>
      %dma_wait3A_119 = tpu.memref_squeeze %dma_wait3A_118 : memref<1x80xi32, #tpu.memory_space<vmem>> -> memref<80xi32, #tpu.memory_space<vmem>>
      %dma_wait3A_120 = arith.constant 0 : i32
      %dma_wait3A_121 = arith.constant 0 : i32
      %dma_wait3A_122 = tpu.memref_slice %arg2[%dma_wait3A_120, %dma_wait3A_121] : memref<80000x128xf32, #tpu.memory_space<hbm>> -> memref<80000x128xf32, #tpu.memory_space<hbm>>
      tpu.wait_indirect_dma semaphore(%arg17 : memref<!tpu.dma_semaphore, #tpu.memory_space<semaphore_mem>>) src(%dma_wait3A_122 : memref<80000x128xf32, #tpu.memory_space<hbm>>) dst(%arg12 : memref<80x128xf32, #tpu.memory_space<vmem>>)
      %dma_start3A_123 = arith.constant 2 : i32
      %dma_start3A_124 = arith.constant 0 : i32
      %dma_start3A_125 = tpu.memref_slice %arg9[%dma_start3A_123, %dma_start3A_124] : memref<16x80xi32, #tpu.memory_space<vmem>> -> memref<1x80xi32, #tpu.memory_space<vmem>>
      %dma_start3A_126 = tpu.memref_squeeze %dma_start3A_125 : memref<1x80xi32, #tpu.memory_space<vmem>> -> memref<80xi32, #tpu.memory_space<vmem>>
      %dma_start3A_127 = arith.constant 0 : i32
      %dma_start3A_128 = arith.constant 0 : i32
      %dma_start3A_129 = tpu.memref_slice %arg14[%dma_start3A_127, %dma_start3A_128] : memref<10240x128xf32, #tpu.memory_space<vmem_shared>> -> memref<10240x128xf32, #tpu.memory_space<vmem_shared>>
      tpu.enqueue_indirect_dma source(%arg12 : memref<80x128xf32, #tpu.memory_space<vmem>>) target(%dma_start3A_129 : memref<10240x128xf32, #tpu.memory_space<vmem_shared>>) offsets(%dma_start3A_126 : memref<80xi32, #tpu.memory_space<vmem>>) semaphore(%arg21 : memref<!tpu.dma_semaphore, #tpu.memory_space<semaphore_mem>>) {add = true}
      %dma_wait3A_130 = arith.constant 0 : i32
      %dma_wait3A_131 = arith.constant 0 : i32
      %dma_wait3A_132 = tpu.memref_slice %arg7[%dma_wait3A_130, %dma_wait3A_131] : memref<16x80xi32, #tpu.memory_space<vmem>> -> memref<1x80xi32, #tpu.memory_space<vmem>>
      %dma_wait3A_133 = tpu.memref_squeeze %dma_wait3A_132 : memref<1x80xi32, #tpu.memory_space<vmem>> -> memref<80xi32, #tpu.memory_space<vmem>>
      %dma_wait3A_134 = arith.constant 0 : i32
      %dma_wait3A_135 = arith.constant 0 : i32
      %dma_wait3A_136 = tpu.memref_slice %arg2[%dma_wait3A_134, %dma_wait3A_135] : memref<80000x128xf32, #tpu.memory_space<hbm>> -> memref<80000x128xf32, #tpu.memory_space<hbm>>
      tpu.wait_indirect_dma semaphore(%arg18 : memref<!tpu.dma_semaphore, #tpu.memory_space<semaphore_mem>>) src(%dma_wait3A_136 : memref<80000x128xf32, #tpu.memory_space<hbm>>) dst(%arg13 : memref<80x128xf32, #tpu.memory_space<vmem>>)
      %dma_start3A_137 = arith.constant 3 : i32
      %dma_start3A_138 = arith.constant 0 : i32
      %dma_start3A_139 = tpu.memref_slice %arg9[%dma_start3A_137, %dma_start3A_138] : memref<16x80xi32, #tpu.memory_space<vmem>> -> memref<1x80xi32, #tpu.memory_space<vmem>>
      %dma_start3A_140 = tpu.memref_squeeze %dma_start3A_139 : memref<1x80xi32, #tpu.memory_space<vmem>> -> memref<80xi32, #tpu.memory_space<vmem>>
      %dma_start3A_141 = arith.constant 0 : i32
      %dma_start3A_142 = arith.constant 0 : i32
      %dma_start3A_143 = tpu.memref_slice %arg14[%dma_start3A_141, %dma_start3A_142] : memref<10240x128xf32, #tpu.memory_space<vmem_shared>> -> memref<10240x128xf32, #tpu.memory_space<vmem_shared>>
      tpu.enqueue_indirect_dma source(%arg13 : memref<80x128xf32, #tpu.memory_space<vmem>>) target(%dma_start3A_143 : memref<10240x128xf32, #tpu.memory_space<vmem_shared>>) offsets(%dma_start3A_140 : memref<80xi32, #tpu.memory_space<vmem>>) semaphore(%arg22 : memref<!tpu.dma_semaphore, #tpu.memory_space<semaphore_mem>>) {add = true}
      %dma_wait3A_144 = arith.constant 0 : i32
      %dma_wait3A_145 = arith.constant 0 : i32
      %dma_wait3A_146 = tpu.memref_slice %arg9[%dma_wait3A_144, %dma_wait3A_145] : memref<16x80xi32, #tpu.memory_space<vmem>> -> memref<1x80xi32, #tpu.memory_space<vmem>>
      %dma_wait3A_147 = tpu.memref_squeeze %dma_wait3A_146 : memref<1x80xi32, #tpu.memory_space<vmem>> -> memref<80xi32, #tpu.memory_space<vmem>>
      %dma_wait3A_148 = arith.constant 0 : i32
      %dma_wait3A_149 = arith.constant 0 : i32
      %dma_wait3A_150 = tpu.memref_slice %arg14[%dma_wait3A_148, %dma_wait3A_149] : memref<10240x128xf32, #tpu.memory_space<vmem_shared>> -> memref<10240x128xf32, #tpu.memory_space<vmem_shared>>
      tpu.wait_indirect_dma semaphore(%arg19 : memref<!tpu.dma_semaphore, #tpu.memory_space<semaphore_mem>>) src(%arg10 : memref<80x128xf32, #tpu.memory_space<vmem>>) dst(%dma_wait3A_150 : memref<10240x128xf32, #tpu.memory_space<vmem_shared>>)
      %dma_start3A_151 = arith.constant 4 : i32
      %dma_start3A_152 = arith.constant 0 : i32
      %dma_start3A_153 = tpu.memref_slice %arg7[%dma_start3A_151, %dma_start3A_152] : memref<16x80xi32, #tpu.memory_space<vmem>> -> memref<1x80xi32, #tpu.memory_space<vmem>>
      %dma_start3A_154 = tpu.memref_squeeze %dma_start3A_153 : memref<1x80xi32, #tpu.memory_space<vmem>> -> memref<80xi32, #tpu.memory_space<vmem>>
      %dma_start3A_155 = arith.constant 0 : i32
      %dma_start3A_156 = arith.constant 0 : i32
      %dma_start3A_157 = tpu.memref_slice %arg2[%dma_start3A_155, %dma_start3A_156] : memref<80000x128xf32, #tpu.memory_space<hbm>> -> memref<80000x128xf32, #tpu.memory_space<hbm>>
      tpu.enqueue_indirect_dma source(%dma_start3A_157 : memref<80000x128xf32, #tpu.memory_space<hbm>>) target(%arg10 : memref<80x128xf32, #tpu.memory_space<vmem>>) offsets(%dma_start3A_154 : memref<80xi32, #tpu.memory_space<vmem>>) semaphore(%arg15 : memref<!tpu.dma_semaphore, #tpu.memory_space<semaphore_mem>>)
      %dma_wait3A_158 = arith.constant 0 : i32
      %dma_wait3A_159 = arith.constant 0 : i32
      %dma_wait3A_160 = tpu.memref_slice %arg9[%dma_wait3A_158, %dma_wait3A_159] : memref<16x80xi32, #tpu.memory_space<vmem>> -> memref<1x80xi32, #tpu.memory_space<vmem>>
      %dma_wait3A_161 = tpu.memref_squeeze %dma_wait3A_160 : memref<1x80xi32, #tpu.memory_space<vmem>> -> memref<80xi32, #tpu.memory_space<vmem>>
      %dma_wait3A_162 = arith.constant 0 : i32
      %dma_wait3A_163 = arith.constant 0 : i32
      %dma_wait3A_164 = tpu.memref_slice %arg14[%dma_wait3A_162, %dma_wait3A_163] : memref<10240x128xf32, #tpu.memory_space<vmem_shared>> -> memref<10240x128xf32, #tpu.memory_space<vmem_shared>>
      tpu.wait_indirect_dma semaphore(%arg20 : memref<!tpu.dma_semaphore, #tpu.memory_space<semaphore_mem>>) src(%arg11 : memref<80x128xf32, #tpu.memory_space<vmem>>) dst(%dma_wait3A_164 : memref<10240x128xf32, #tpu.memory_space<vmem_shared>>)
      %dma_start3A_165 = arith.constant 5 : i32
      %dma_start3A_166 = arith.constant 0 : i32
      %dma_start3A_167 = tpu.memref_slice %arg7[%dma_start3A_165, %dma_start3A_166] : memref<16x80xi32, #tpu.memory_space<vmem>> -> memref<1x80xi32, #tpu.memory_space<vmem>>
      %dma_start3A_168 = tpu.memref_squeeze %dma_start3A_167 : memref<1x80xi32, #tpu.memory_space<vmem>> -> memref<80xi32, #tpu.memory_space<vmem>>
      %dma_start3A_169 = arith.constant 0 : i32
      %dma_start3A_170 = arith.constant 0 : i32
      %dma_start3A_171 = tpu.memref_slice %arg2[%dma_start3A_169, %dma_start3A_170] : memref<80000x128xf32, #tpu.memory_space<hbm>> -> memref<80000x128xf32, #tpu.memory_space<hbm>>
      tpu.enqueue_indirect_dma source(%dma_start3A_171 : memref<80000x128xf32, #tpu.memory_space<hbm>>) target(%arg11 : memref<80x128xf32, #tpu.memory_space<vmem>>) offsets(%dma_start3A_168 : memref<80xi32, #tpu.memory_space<vmem>>) semaphore(%arg16 : memref<!tpu.dma_semaphore, #tpu.memory_space<semaphore_mem>>)
      %dma_wait3A_172 = arith.constant 0 : i32
      %dma_wait3A_173 = arith.constant 0 : i32
      %dma_wait3A_174 = tpu.memref_slice %arg9[%dma_wait3A_172, %dma_wait3A_173] : memref<16x80xi32, #tpu.memory_space<vmem>> -> memref<1x80xi32, #tpu.memory_space<vmem>>
      %dma_wait3A_175 = tpu.memref_squeeze %dma_wait3A_174 : memref<1x80xi32, #tpu.memory_space<vmem>> -> memref<80xi32, #tpu.memory_space<vmem>>
      %dma_wait3A_176 = arith.constant 0 : i32
      %dma_wait3A_177 = arith.constant 0 : i32
      %dma_wait3A_178 = tpu.memref_slice %arg14[%dma_wait3A_176, %dma_wait3A_177] : memref<10240x128xf32, #tpu.memory_space<vmem_shared>> -> memref<10240x128xf32, #tpu.memory_space<vmem_shared>>
      tpu.wait_indirect_dma semaphore(%arg21 : memref<!tpu.dma_semaphore, #tpu.memory_space<semaphore_mem>>) src(%arg12 : memref<80x128xf32, #tpu.memory_space<vmem>>) dst(%dma_wait3A_178 : memref<10240x128xf32, #tpu.memory_space<vmem_shared>>)
      %dma_start3A_179 = arith.constant 6 : i32
      %dma_start3A_180 = arith.constant 0 : i32
      %dma_start3A_181 = tpu.memref_slice %arg7[%dma_start3A_179, %dma_start3A_180] : memref<16x80xi32, #tpu.memory_space<vmem>> -> memref<1x80xi32, #tpu.memory_space<vmem>>
      %dma_start3A_182 = tpu.memref_squeeze %dma_start3A_181 : memref<1x80xi32, #tpu.memory_space<vmem>> -> memref<80xi32, #tpu.memory_space<vmem>>
      %dma_start3A_183 = arith.constant 0 : i32
      %dma_start3A_184 = arith.constant 0 : i32
      %dma_start3A_185 = tpu.memref_slice %arg2[%dma_start3A_183, %dma_start3A_184] : memref<80000x128xf32, #tpu.memory_space<hbm>> -> memref<80000x128xf32, #tpu.memory_space<hbm>>
      tpu.enqueue_indirect_dma source(%dma_start3A_185 : memref<80000x128xf32, #tpu.memory_space<hbm>>) target(%arg12 : memref<80x128xf32, #tpu.memory_space<vmem>>) offsets(%dma_start3A_182 : memref<80xi32, #tpu.memory_space<vmem>>) semaphore(%arg17 : memref<!tpu.dma_semaphore, #tpu.memory_space<semaphore_mem>>)
      %dma_wait3A_186 = arith.constant 0 : i32
      %dma_wait3A_187 = arith.constant 0 : i32
      %dma_wait3A_188 = tpu.memref_slice %arg9[%dma_wait3A_186, %dma_wait3A_187] : memref<16x80xi32, #tpu.memory_space<vmem>> -> memref<1x80xi32, #tpu.memory_space<vmem>>
      %dma_wait3A_189 = tpu.memref_squeeze %dma_wait3A_188 : memref<1x80xi32, #tpu.memory_space<vmem>> -> memref<80xi32, #tpu.memory_space<vmem>>
      %dma_wait3A_190 = arith.constant 0 : i32
      %dma_wait3A_191 = arith.constant 0 : i32
      %dma_wait3A_192 = tpu.memref_slice %arg14[%dma_wait3A_190, %dma_wait3A_191] : memref<10240x128xf32, #tpu.memory_space<vmem_shared>> -> memref<10240x128xf32, #tpu.memory_space<vmem_shared>>
      tpu.wait_indirect_dma semaphore(%arg22 : memref<!tpu.dma_semaphore, #tpu.memory_space<semaphore_mem>>) src(%arg13 : memref<80x128xf32, #tpu.memory_space<vmem>>) dst(%dma_wait3A_192 : memref<10240x128xf32, #tpu.memory_space<vmem_shared>>)
      %dma_start3A_193 = arith.constant 7 : i32
      %dma_start3A_194 = arith.constant 0 : i32
      %dma_start3A_195 = tpu.memref_slice %arg7[%dma_start3A_193, %dma_start3A_194] : memref<16x80xi32, #tpu.memory_space<vmem>> -> memref<1x80xi32, #tpu.memory_space<vmem>>
      %dma_start3A_196 = tpu.memref_squeeze %dma_start3A_195 : memref<1x80xi32, #tpu.memory_space<vmem>> -> memref<80xi32, #tpu.memory_space<vmem>>
      %dma_start3A_197 = arith.constant 0 : i32
      %dma_start3A_198 = arith.constant 0 : i32
      %dma_start3A_199 = tpu.memref_slice %arg2[%dma_start3A_197, %dma_start3A_198] : memref<80000x128xf32, #tpu.memory_space<hbm>> -> memref<80000x128xf32, #tpu.memory_space<hbm>>
      tpu.enqueue_indirect_dma source(%dma_start3A_199 : memref<80000x128xf32, #tpu.memory_space<hbm>>) target(%arg13 : memref<80x128xf32, #tpu.memory_space<vmem>>) offsets(%dma_start3A_196 : memref<80xi32, #tpu.memory_space<vmem>>) semaphore(%arg18 : memref<!tpu.dma_semaphore, #tpu.memory_space<semaphore_mem>>)
      %dma_wait3A_200 = arith.constant 0 : i32
      %dma_wait3A_201 = arith.constant 0 : i32
      %dma_wait3A_202 = tpu.memref_slice %arg7[%dma_wait3A_200, %dma_wait3A_201] : memref<16x80xi32, #tpu.memory_space<vmem>> -> memref<1x80xi32, #tpu.memory_space<vmem>>
      %dma_wait3A_203 = tpu.memref_squeeze %dma_wait3A_202 : memref<1x80xi32, #tpu.memory_space<vmem>> -> memref<80xi32, #tpu.memory_space<vmem>>
      %dma_wait3A_204 = arith.constant 0 : i32
      %dma_wait3A_205 = arith.constant 0 : i32
      %dma_wait3A_206 = tpu.memref_slice %arg2[%dma_wait3A_204, %dma_wait3A_205] : memref<80000x128xf32, #tpu.memory_space<hbm>> -> memref<80000x128xf32, #tpu.memory_space<hbm>>
      tpu.wait_indirect_dma semaphore(%arg15 : memref<!tpu.dma_semaphore, #tpu.memory_space<semaphore_mem>>) src(%dma_wait3A_206 : memref<80000x128xf32, #tpu.memory_space<hbm>>) dst(%arg10 : memref<80x128xf32, #tpu.memory_space<vmem>>)
      %dma_start3A_207 = arith.constant 4 : i32
      %dma_start3A_208 = arith.constant 0 : i32
      %dma_start3A_209 = tpu.memref_slice %arg9[%dma_start3A_207, %dma_start3A_208] : memref<16x80xi32, #tpu.memory_space<vmem>> -> memref<1x80xi32, #tpu.memory_space<vmem>>
      %dma_start3A_210 = tpu.memref_squeeze %dma_start3A_209 : memref<1x80xi32, #tpu.memory_space<vmem>> -> memref<80xi32, #tpu.memory_space<vmem>>
      %dma_start3A_211 = arith.constant 0 : i32
      %dma_start3A_212 = arith.constant 0 : i32
      %dma_start3A_213 = tpu.memref_slice %arg14[%dma_start3A_211, %dma_start3A_212] : memref<10240x128xf32, #tpu.memory_space<vmem_shared>> -> memref<10240x128xf32, #tpu.memory_space<vmem_shared>>
      tpu.enqueue_indirect_dma source(%arg10 : memref<80x128xf32, #tpu.memory_space<vmem>>) target(%dma_start3A_213 : memref<10240x128xf32, #tpu.memory_space<vmem_shared>>) offsets(%dma_start3A_210 : memref<80xi32, #tpu.memory_space<vmem>>) semaphore(%arg19 : memref<!tpu.dma_semaphore, #tpu.memory_space<semaphore_mem>>) {add = true}
      %dma_wait3A_214 = arith.constant 0 : i32
      %dma_wait3A_215 = arith.constant 0 : i32
      %dma_wait3A_216 = tpu.memref_slice %arg7[%dma_wait3A_214, %dma_wait3A_215] : memref<16x80xi32, #tpu.memory_space<vmem>> -> memref<1x80xi32, #tpu.memory_space<vmem>>
      %dma_wait3A_217 = tpu.memref_squeeze %dma_wait3A_216 : memref<1x80xi32, #tpu.memory_space<vmem>> -> memref<80xi32, #tpu.memory_space<vmem>>
      %dma_wait3A_218 = arith.constant 0 : i32
      %dma_wait3A_219 = arith.constant 0 : i32
      %dma_wait3A_220 = tpu.memref_slice %arg2[%dma_wait3A_218, %dma_wait3A_219] : memref<80000x128xf32, #tpu.memory_space<hbm>> -> memref<80000x128xf32, #tpu.memory_space<hbm>>
      tpu.wait_indirect_dma semaphore(%arg16 : memref<!tpu.dma_semaphore, #tpu.memory_space<semaphore_mem>>) src(%dma_wait3A_220 : memref<80000x128xf32, #tpu.memory_space<hbm>>) dst(%arg11 : memref<80x128xf32, #tpu.memory_space<vmem>>)
      %dma_start3A_221 = arith.constant 5 : i32
      %dma_start3A_222 = arith.constant 0 : i32
      %dma_start3A_223 = tpu.memref_slice %arg9[%dma_start3A_221, %dma_start3A_222] : memref<16x80xi32, #tpu.memory_space<vmem>> -> memref<1x80xi32, #tpu.memory_space<vmem>>
      %dma_start3A_224 = tpu.memref_squeeze %dma_start3A_223 : memref<1x80xi32, #tpu.memory_space<vmem>> -> memref<80xi32, #tpu.memory_space<vmem>>
      %dma_start3A_225 = arith.constant 0 : i32
      %dma_start3A_226 = arith.constant 0 : i32
      %dma_start3A_227 = tpu.memref_slice %arg14[%dma_start3A_225, %dma_start3A_226] : memref<10240x128xf32, #tpu.memory_space<vmem_shared>> -> memref<10240x128xf32, #tpu.memory_space<vmem_shared>>
      tpu.enqueue_indirect_dma source(%arg11 : memref<80x128xf32, #tpu.memory_space<vmem>>) target(%dma_start3A_227 : memref<10240x128xf32, #tpu.memory_space<vmem_shared>>) offsets(%dma_start3A_224 : memref<80xi32, #tpu.memory_space<vmem>>) semaphore(%arg20 : memref<!tpu.dma_semaphore, #tpu.memory_space<semaphore_mem>>) {add = true}
      %dma_wait3A_228 = arith.constant 0 : i32
      %dma_wait3A_229 = arith.constant 0 : i32
      %dma_wait3A_230 = tpu.memref_slice %arg7[%dma_wait3A_228, %dma_wait3A_229] : memref<16x80xi32, #tpu.memory_space<vmem>> -> memref<1x80xi32, #tpu.memory_space<vmem>>
      %dma_wait3A_231 = tpu.memref_squeeze %dma_wait3A_230 : memref<1x80xi32, #tpu.memory_space<vmem>> -> memref<80xi32, #tpu.memory_space<vmem>>
      %dma_wait3A_232 = arith.constant 0 : i32
      %dma_wait3A_233 = arith.constant 0 : i32
      %dma_wait3A_234 = tpu.memref_slice %arg2[%dma_wait3A_232, %dma_wait3A_233] : memref<80000x128xf32, #tpu.memory_space<hbm>> -> memref<80000x128xf32, #tpu.memory_space<hbm>>
      tpu.wait_indirect_dma semaphore(%arg17 : memref<!tpu.dma_semaphore, #tpu.memory_space<semaphore_mem>>) src(%dma_wait3A_234 : memref<80000x128xf32, #tpu.memory_space<hbm>>) dst(%arg12 : memref<80x128xf32, #tpu.memory_space<vmem>>)
      %dma_start3A_235 = arith.constant 6 : i32
      %dma_start3A_236 = arith.constant 0 : i32
      %dma_start3A_237 = tpu.memref_slice %arg9[%dma_start3A_235, %dma_start3A_236] : memref<16x80xi32, #tpu.memory_space<vmem>> -> memref<1x80xi32, #tpu.memory_space<vmem>>
      %dma_start3A_238 = tpu.memref_squeeze %dma_start3A_237 : memref<1x80xi32, #tpu.memory_space<vmem>> -> memref<80xi32, #tpu.memory_space<vmem>>
      %dma_start3A_239 = arith.constant 0 : i32
      %dma_start3A_240 = arith.constant 0 : i32
      %dma_start3A_241 = tpu.memref_slice %arg14[%dma_start3A_239, %dma_start3A_240] : memref<10240x128xf32, #tpu.memory_space<vmem_shared>> -> memref<10240x128xf32, #tpu.memory_space<vmem_shared>>
      tpu.enqueue_indirect_dma source(%arg12 : memref<80x128xf32, #tpu.memory_space<vmem>>) target(%dma_start3A_241 : memref<10240x128xf32, #tpu.memory_space<vmem_shared>>) offsets(%dma_start3A_238 : memref<80xi32, #tpu.memory_space<vmem>>) semaphore(%arg21 : memref<!tpu.dma_semaphore, #tpu.memory_space<semaphore_mem>>) {add = true}
      %dma_wait3A_242 = arith.constant 0 : i32
      %dma_wait3A_243 = arith.constant 0 : i32
      %dma_wait3A_244 = tpu.memref_slice %arg7[%dma_wait3A_242, %dma_wait3A_243] : memref<16x80xi32, #tpu.memory_space<vmem>> -> memref<1x80xi32, #tpu.memory_space<vmem>>
      %dma_wait3A_245 = tpu.memref_squeeze %dma_wait3A_244 : memref<1x80xi32, #tpu.memory_space<vmem>> -> memref<80xi32, #tpu.memory_space<vmem>>
      %dma_wait3A_246 = arith.constant 0 : i32
      %dma_wait3A_247 = arith.constant 0 : i32
      %dma_wait3A_248 = tpu.memref_slice %arg2[%dma_wait3A_246, %dma_wait3A_247] : memref<80000x128xf32, #tpu.memory_space<hbm>> -> memref<80000x128xf32, #tpu.memory_space<hbm>>
      tpu.wait_indirect_dma semaphore(%arg18 : memref<!tpu.dma_semaphore, #tpu.memory_space<semaphore_mem>>) src(%dma_wait3A_248 : memref<80000x128xf32, #tpu.memory_space<hbm>>) dst(%arg13 : memref<80x128xf32, #tpu.memory_space<vmem>>)
      %dma_start3A_249 = arith.constant 7 : i32
      %dma_start3A_250 = arith.constant 0 : i32
      %dma_start3A_251 = tpu.memref_slice %arg9[%dma_start3A_249, %dma_start3A_250] : memref<16x80xi32, #tpu.memory_space<vmem>> -> memref<1x80xi32, #tpu.memory_space<vmem>>
      %dma_start3A_252 = tpu.memref_squeeze %dma_start3A_251 : memref<1x80xi32, #tpu.memory_space<vmem>> -> memref<80xi32, #tpu.memory_space<vmem>>
      %dma_start3A_253 = arith.constant 0 : i32
      %dma_start3A_254 = arith.constant 0 : i32
      %dma_start3A_255 = tpu.memref_slice %arg14[%dma_start3A_253, %dma_start3A_254] : memref<10240x128xf32, #tpu.memory_space<vmem_shared>> -> memref<10240x128xf32, #tpu.memory_space<vmem_shared>>
      tpu.enqueue_indirect_dma source(%arg13 : memref<80x128xf32, #tpu.memory_space<vmem>>) target(%dma_start3A_255 : memref<10240x128xf32, #tpu.memory_space<vmem_shared>>) offsets(%dma_start3A_252 : memref<80xi32, #tpu.memory_space<vmem>>) semaphore(%arg22 : memref<!tpu.dma_semaphore, #tpu.memory_space<semaphore_mem>>) {add = true}
      %dma_wait3A_256 = arith.constant 0 : i32
      %dma_wait3A_257 = arith.constant 0 : i32
      %dma_wait3A_258 = tpu.memref_slice %arg9[%dma_wait3A_256, %dma_wait3A_257] : memref<16x80xi32, #tpu.memory_space<vmem>> -> memref<1x80xi32, #tpu.memory_space<vmem>>
      %dma_wait3A_259 = tpu.memref_squeeze %dma_wait3A_258 : memref<1x80xi32, #tpu.memory_space<vmem>> -> memref<80xi32, #tpu.memory_space<vmem>>
      %dma_wait3A_260 = arith.constant 0 : i32
      %dma_wait3A_261 = arith.constant 0 : i32
      %dma_wait3A_262 = tpu.memref_slice %arg14[%dma_wait3A_260, %dma_wait3A_261] : memref<10240x128xf32, #tpu.memory_space<vmem_shared>> -> memref<10240x128xf32, #tpu.memory_space<vmem_shared>>
      tpu.wait_indirect_dma semaphore(%arg19 : memref<!tpu.dma_semaphore, #tpu.memory_space<semaphore_mem>>) src(%arg10 : memref<80x128xf32, #tpu.memory_space<vmem>>) dst(%dma_wait3A_262 : memref<10240x128xf32, #tpu.memory_space<vmem_shared>>)
      %dma_start3A_263 = arith.constant 8 : i32
      %dma_start3A_264 = arith.constant 0 : i32
      %dma_start3A_265 = tpu.memref_slice %arg7[%dma_start3A_263, %dma_start3A_264] : memref<16x80xi32, #tpu.memory_space<vmem>> -> memref<1x80xi32, #tpu.memory_space<vmem>>
      %dma_start3A_266 = tpu.memref_squeeze %dma_start3A_265 : memref<1x80xi32, #tpu.memory_space<vmem>> -> memref<80xi32, #tpu.memory_space<vmem>>
      %dma_start3A_267 = arith.constant 0 : i32
      %dma_start3A_268 = arith.constant 0 : i32
      %dma_start3A_269 = tpu.memref_slice %arg2[%dma_start3A_267, %dma_start3A_268] : memref<80000x128xf32, #tpu.memory_space<hbm>> -> memref<80000x128xf32, #tpu.memory_space<hbm>>
      tpu.enqueue_indirect_dma source(%dma_start3A_269 : memref<80000x128xf32, #tpu.memory_space<hbm>>) target(%arg10 : memref<80x128xf32, #tpu.memory_space<vmem>>) offsets(%dma_start3A_266 : memref<80xi32, #tpu.memory_space<vmem>>) semaphore(%arg15 : memref<!tpu.dma_semaphore, #tpu.memory_space<semaphore_mem>>)
      %dma_wait3A_270 = arith.constant 0 : i32
      %dma_wait3A_271 = arith.constant 0 : i32
      %dma_wait3A_272 = tpu.memref_slice %arg9[%dma_wait3A_270, %dma_wait3A_271] : memref<16x80xi32, #tpu.memory_space<vmem>> -> memref<1x80xi32, #tpu.memory_space<vmem>>
      %dma_wait3A_273 = tpu.memref_squeeze %dma_wait3A_272 : memref<1x80xi32, #tpu.memory_space<vmem>> -> memref<80xi32, #tpu.memory_space<vmem>>
      %dma_wait3A_274 = arith.constant 0 : i32
      %dma_wait3A_275 = arith.constant 0 : i32
      %dma_wait3A_276 = tpu.memref_slice %arg14[%dma_wait3A_274, %dma_wait3A_275] : memref<10240x128xf32, #tpu.memory_space<vmem_shared>> -> memref<10240x128xf32, #tpu.memory_space<vmem_shared>>
      tpu.wait_indirect_dma semaphore(%arg20 : memref<!tpu.dma_semaphore, #tpu.memory_space<semaphore_mem>>) src(%arg11 : memref<80x128xf32, #tpu.memory_space<vmem>>) dst(%dma_wait3A_276 : memref<10240x128xf32, #tpu.memory_space<vmem_shared>>)
      %dma_start3A_277 = arith.constant 9 : i32
      %dma_start3A_278 = arith.constant 0 : i32
      %dma_start3A_279 = tpu.memref_slice %arg7[%dma_start3A_277, %dma_start3A_278] : memref<16x80xi32, #tpu.memory_space<vmem>> -> memref<1x80xi32, #tpu.memory_space<vmem>>
      %dma_start3A_280 = tpu.memref_squeeze %dma_start3A_279 : memref<1x80xi32, #tpu.memory_space<vmem>> -> memref<80xi32, #tpu.memory_space<vmem>>
      %dma_start3A_281 = arith.constant 0 : i32
      %dma_start3A_282 = arith.constant 0 : i32
      %dma_start3A_283 = tpu.memref_slice %arg2[%dma_start3A_281, %dma_start3A_282] : memref<80000x128xf32, #tpu.memory_space<hbm>> -> memref<80000x128xf32, #tpu.memory_space<hbm>>
      tpu.enqueue_indirect_dma source(%dma_start3A_283 : memref<80000x128xf32, #tpu.memory_space<hbm>>) target(%arg11 : memref<80x128xf32, #tpu.memory_space<vmem>>) offsets(%dma_start3A_280 : memref<80xi32, #tpu.memory_space<vmem>>) semaphore(%arg16 : memref<!tpu.dma_semaphore, #tpu.memory_space<semaphore_mem>>)
      %dma_wait3A_284 = arith.constant 0 : i32
      %dma_wait3A_285 = arith.constant 0 : i32
      %dma_wait3A_286 = tpu.memref_slice %arg9[%dma_wait3A_284, %dma_wait3A_285] : memref<16x80xi32, #tpu.memory_space<vmem>> -> memref<1x80xi32, #tpu.memory_space<vmem>>
      %dma_wait3A_287 = tpu.memref_squeeze %dma_wait3A_286 : memref<1x80xi32, #tpu.memory_space<vmem>> -> memref<80xi32, #tpu.memory_space<vmem>>
      %dma_wait3A_288 = arith.constant 0 : i32
      %dma_wait3A_289 = arith.constant 0 : i32
      %dma_wait3A_290 = tpu.memref_slice %arg14[%dma_wait3A_288, %dma_wait3A_289] : memref<10240x128xf32, #tpu.memory_space<vmem_shared>> -> memref<10240x128xf32, #tpu.memory_space<vmem_shared>>
      tpu.wait_indirect_dma semaphore(%arg21 : memref<!tpu.dma_semaphore, #tpu.memory_space<semaphore_mem>>) src(%arg12 : memref<80x128xf32, #tpu.memory_space<vmem>>) dst(%dma_wait3A_290 : memref<10240x128xf32, #tpu.memory_space<vmem_shared>>)
      %dma_start3A_291 = arith.constant 10 : i32
      %dma_start3A_292 = arith.constant 0 : i32
      %dma_start3A_293 = tpu.memref_slice %arg7[%dma_start3A_291, %dma_start3A_292] : memref<16x80xi32, #tpu.memory_space<vmem>> -> memref<1x80xi32, #tpu.memory_space<vmem>>
      %dma_start3A_294 = tpu.memref_squeeze %dma_start3A_293 : memref<1x80xi32, #tpu.memory_space<vmem>> -> memref<80xi32, #tpu.memory_space<vmem>>
      %dma_start3A_295 = arith.constant 0 : i32
      %dma_start3A_296 = arith.constant 0 : i32
      %dma_start3A_297 = tpu.memref_slice %arg2[%dma_start3A_295, %dma_start3A_296] : memref<80000x128xf32, #tpu.memory_space<hbm>> -> memref<80000x128xf32, #tpu.memory_space<hbm>>
      tpu.enqueue_indirect_dma source(%dma_start3A_297 : memref<80000x128xf32, #tpu.memory_space<hbm>>) target(%arg12 : memref<80x128xf32, #tpu.memory_space<vmem>>) offsets(%dma_start3A_294 : memref<80xi32, #tpu.memory_space<vmem>>) semaphore(%arg17 : memref<!tpu.dma_semaphore, #tpu.memory_space<semaphore_mem>>)
      %dma_wait3A_298 = arith.constant 0 : i32
      %dma_wait3A_299 = arith.constant 0 : i32
      %dma_wait3A_300 = tpu.memref_slice %arg9[%dma_wait3A_298, %dma_wait3A_299] : memref<16x80xi32, #tpu.memory_space<vmem>> -> memref<1x80xi32, #tpu.memory_space<vmem>>
      %dma_wait3A_301 = tpu.memref_squeeze %dma_wait3A_300 : memref<1x80xi32, #tpu.memory_space<vmem>> -> memref<80xi32, #tpu.memory_space<vmem>>
      %dma_wait3A_302 = arith.constant 0 : i32
      %dma_wait3A_303 = arith.constant 0 : i32
      %dma_wait3A_304 = tpu.memref_slice %arg14[%dma_wait3A_302, %dma_wait3A_303] : memref<10240x128xf32, #tpu.memory_space<vmem_shared>> -> memref<10240x128xf32, #tpu.memory_space<vmem_shared>>
      tpu.wait_indirect_dma semaphore(%arg22 : memref<!tpu.dma_semaphore, #tpu.memory_space<semaphore_mem>>) src(%arg13 : memref<80x128xf32, #tpu.memory_space<vmem>>) dst(%dma_wait3A_304 : memref<10240x128xf32, #tpu.memory_space<vmem_shared>>)
      %dma_start3A_305 = arith.constant 11 : i32
      %dma_start3A_306 = arith.constant 0 : i32
      %dma_start3A_307 = tpu.memref_slice %arg7[%dma_start3A_305, %dma_start3A_306] : memref<16x80xi32, #tpu.memory_space<vmem>> -> memref<1x80xi32, #tpu.memory_space<vmem>>
      %dma_start3A_308 = tpu.memref_squeeze %dma_start3A_307 : memref<1x80xi32, #tpu.memory_space<vmem>> -> memref<80xi32, #tpu.memory_space<vmem>>
      %dma_start3A_309 = arith.constant 0 : i32
      %dma_start3A_310 = arith.constant 0 : i32
      %dma_start3A_311 = tpu.memref_slice %arg2[%dma_start3A_309, %dma_start3A_310] : memref<80000x128xf32, #tpu.memory_space<hbm>> -> memref<80000x128xf32, #tpu.memory_space<hbm>>
      tpu.enqueue_indirect_dma source(%dma_start3A_311 : memref<80000x128xf32, #tpu.memory_space<hbm>>) target(%arg13 : memref<80x128xf32, #tpu.memory_space<vmem>>) offsets(%dma_start3A_308 : memref<80xi32, #tpu.memory_space<vmem>>) semaphore(%arg18 : memref<!tpu.dma_semaphore, #tpu.memory_space<semaphore_mem>>)
      %dma_wait3A_312 = arith.constant 0 : i32
      %dma_wait3A_313 = arith.constant 0 : i32
      %dma_wait3A_314 = tpu.memref_slice %arg7[%dma_wait3A_312, %dma_wait3A_313] : memref<16x80xi32, #tpu.memory_space<vmem>> -> memref<1x80xi32, #tpu.memory_space<vmem>>
      %dma_wait3A_315 = tpu.memref_squeeze %dma_wait3A_314 : memref<1x80xi32, #tpu.memory_space<vmem>> -> memref<80xi32, #tpu.memory_space<vmem>>
      %dma_wait3A_316 = arith.constant 0 : i32
      %dma_wait3A_317 = arith.constant 0 : i32
      %dma_wait3A_318 = tpu.memref_slice %arg2[%dma_wait3A_316, %dma_wait3A_317] : memref<80000x128xf32, #tpu.memory_space<hbm>> -> memref<80000x128xf32, #tpu.memory_space<hbm>>
      tpu.wait_indirect_dma semaphore(%arg15 : memref<!tpu.dma_semaphore, #tpu.memory_space<semaphore_mem>>) src(%dma_wait3A_318 : memref<80000x128xf32, #tpu.memory_space<hbm>>) dst(%arg10 : memref<80x128xf32, #tpu.memory_space<vmem>>)
      %dma_start3A_319 = arith.constant 8 : i32
      %dma_start3A_320 = arith.constant 0 : i32
      %dma_start3A_321 = tpu.memref_slice %arg9[%dma_start3A_319, %dma_start3A_320] : memref<16x80xi32, #tpu.memory_space<vmem>> -> memref<1x80xi32, #tpu.memory_space<vmem>>
      %dma_start3A_322 = tpu.memref_squeeze %dma_start3A_321 : memref<1x80xi32, #tpu.memory_space<vmem>> -> memref<80xi32, #tpu.memory_space<vmem>>
      %dma_start3A_323 = arith.constant 0 : i32
      %dma_start3A_324 = arith.constant 0 : i32
      %dma_start3A_325 = tpu.memref_slice %arg14[%dma_start3A_323, %dma_start3A_324] : memref<10240x128xf32, #tpu.memory_space<vmem_shared>> -> memref<10240x128xf32, #tpu.memory_space<vmem_shared>>
      tpu.enqueue_indirect_dma source(%arg10 : memref<80x128xf32, #tpu.memory_space<vmem>>) target(%dma_start3A_325 : memref<10240x128xf32, #tpu.memory_space<vmem_shared>>) offsets(%dma_start3A_322 : memref<80xi32, #tpu.memory_space<vmem>>) semaphore(%arg19 : memref<!tpu.dma_semaphore, #tpu.memory_space<semaphore_mem>>) {add = true}
      %dma_wait3A_326 = arith.constant 0 : i32
      %dma_wait3A_327 = arith.constant 0 : i32
      %dma_wait3A_328 = tpu.memref_slice %arg7[%dma_wait3A_326, %dma_wait3A_327] : memref<16x80xi32, #tpu.memory_space<vmem>> -> memref<1x80xi32, #tpu.memory_space<vmem>>
      %dma_wait3A_329 = tpu.memref_squeeze %dma_wait3A_328 : memref<1x80xi32, #tpu.memory_space<vmem>> -> memref<80xi32, #tpu.memory_space<vmem>>
      %dma_wait3A_330 = arith.constant 0 : i32
      %dma_wait3A_331 = arith.constant 0 : i32
      %dma_wait3A_332 = tpu.memref_slice %arg2[%dma_wait3A_330, %dma_wait3A_331] : memref<80000x128xf32, #tpu.memory_space<hbm>> -> memref<80000x128xf32, #tpu.memory_space<hbm>>
      tpu.wait_indirect_dma semaphore(%arg16 : memref<!tpu.dma_semaphore, #tpu.memory_space<semaphore_mem>>) src(%dma_wait3A_332 : memref<80000x128xf32, #tpu.memory_space<hbm>>) dst(%arg11 : memref<80x128xf32, #tpu.memory_space<vmem>>)
      %dma_start3A_333 = arith.constant 9 : i32
      %dma_start3A_334 = arith.constant 0 : i32
      %dma_start3A_335 = tpu.memref_slice %arg9[%dma_start3A_333, %dma_start3A_334] : memref<16x80xi32, #tpu.memory_space<vmem>> -> memref<1x80xi32, #tpu.memory_space<vmem>>
      %dma_start3A_336 = tpu.memref_squeeze %dma_start3A_335 : memref<1x80xi32, #tpu.memory_space<vmem>> -> memref<80xi32, #tpu.memory_space<vmem>>
      %dma_start3A_337 = arith.constant 0 : i32
      %dma_start3A_338 = arith.constant 0 : i32
      %dma_start3A_339 = tpu.memref_slice %arg14[%dma_start3A_337, %dma_start3A_338] : memref<10240x128xf32, #tpu.memory_space<vmem_shared>> -> memref<10240x128xf32, #tpu.memory_space<vmem_shared>>
      tpu.enqueue_indirect_dma source(%arg11 : memref<80x128xf32, #tpu.memory_space<vmem>>) target(%dma_start3A_339 : memref<10240x128xf32, #tpu.memory_space<vmem_shared>>) offsets(%dma_start3A_336 : memref<80xi32, #tpu.memory_space<vmem>>) semaphore(%arg20 : memref<!tpu.dma_semaphore, #tpu.memory_space<semaphore_mem>>) {add = true}
      %dma_wait3A_340 = arith.constant 0 : i32
      %dma_wait3A_341 = arith.constant 0 : i32
      %dma_wait3A_342 = tpu.memref_slice %arg7[%dma_wait3A_340, %dma_wait3A_341] : memref<16x80xi32, #tpu.memory_space<vmem>> -> memref<1x80xi32, #tpu.memory_space<vmem>>
      %dma_wait3A_343 = tpu.memref_squeeze %dma_wait3A_342 : memref<1x80xi32, #tpu.memory_space<vmem>> -> memref<80xi32, #tpu.memory_space<vmem>>
      %dma_wait3A_344 = arith.constant 0 : i32
      %dma_wait3A_345 = arith.constant 0 : i32
      %dma_wait3A_346 = tpu.memref_slice %arg2[%dma_wait3A_344, %dma_wait3A_345] : memref<80000x128xf32, #tpu.memory_space<hbm>> -> memref<80000x128xf32, #tpu.memory_space<hbm>>
      tpu.wait_indirect_dma semaphore(%arg17 : memref<!tpu.dma_semaphore, #tpu.memory_space<semaphore_mem>>) src(%dma_wait3A_346 : memref<80000x128xf32, #tpu.memory_space<hbm>>) dst(%arg12 : memref<80x128xf32, #tpu.memory_space<vmem>>)
      %dma_start3A_347 = arith.constant 10 : i32
      %dma_start3A_348 = arith.constant 0 : i32
      %dma_start3A_349 = tpu.memref_slice %arg9[%dma_start3A_347, %dma_start3A_348] : memref<16x80xi32, #tpu.memory_space<vmem>> -> memref<1x80xi32, #tpu.memory_space<vmem>>
      %dma_start3A_350 = tpu.memref_squeeze %dma_start3A_349 : memref<1x80xi32, #tpu.memory_space<vmem>> -> memref<80xi32, #tpu.memory_space<vmem>>
      %dma_start3A_351 = arith.constant 0 : i32
      %dma_start3A_352 = arith.constant 0 : i32
      %dma_start3A_353 = tpu.memref_slice %arg14[%dma_start3A_351, %dma_start3A_352] : memref<10240x128xf32, #tpu.memory_space<vmem_shared>> -> memref<10240x128xf32, #tpu.memory_space<vmem_shared>>
      tpu.enqueue_indirect_dma source(%arg12 : memref<80x128xf32, #tpu.memory_space<vmem>>) target(%dma_start3A_353 : memref<10240x128xf32, #tpu.memory_space<vmem_shared>>) offsets(%dma_start3A_350 : memref<80xi32, #tpu.memory_space<vmem>>) semaphore(%arg21 : memref<!tpu.dma_semaphore, #tpu.memory_space<semaphore_mem>>) {add = true}
      %dma_wait3A_354 = arith.constant 0 : i32
      %dma_wait3A_355 = arith.constant 0 : i32
      %dma_wait3A_356 = tpu.memref_slice %arg7[%dma_wait3A_354, %dma_wait3A_355] : memref<16x80xi32, #tpu.memory_space<vmem>> -> memref<1x80xi32, #tpu.memory_space<vmem>>
      %dma_wait3A_357 = tpu.memref_squeeze %dma_wait3A_356 : memref<1x80xi32, #tpu.memory_space<vmem>> -> memref<80xi32, #tpu.memory_space<vmem>>
      %dma_wait3A_358 = arith.constant 0 : i32
      %dma_wait3A_359 = arith.constant 0 : i32
      %dma_wait3A_360 = tpu.memref_slice %arg2[%dma_wait3A_358, %dma_wait3A_359] : memref<80000x128xf32, #tpu.memory_space<hbm>> -> memref<80000x128xf32, #tpu.memory_space<hbm>>
      tpu.wait_indirect_dma semaphore(%arg18 : memref<!tpu.dma_semaphore, #tpu.memory_space<semaphore_mem>>) src(%dma_wait3A_360 : memref<80000x128xf32, #tpu.memory_space<hbm>>) dst(%arg13 : memref<80x128xf32, #tpu.memory_space<vmem>>)
      %dma_start3A_361 = arith.constant 11 : i32
      %dma_start3A_362 = arith.constant 0 : i32
      %dma_start3A_363 = tpu.memref_slice %arg9[%dma_start3A_361, %dma_start3A_362] : memref<16x80xi32, #tpu.memory_space<vmem>> -> memref<1x80xi32, #tpu.memory_space<vmem>>
      %dma_start3A_364 = tpu.memref_squeeze %dma_start3A_363 : memref<1x80xi32, #tpu.memory_space<vmem>> -> memref<80xi32, #tpu.memory_space<vmem>>
      %dma_start3A_365 = arith.constant 0 : i32
      %dma_start3A_366 = arith.constant 0 : i32
      %dma_start3A_367 = tpu.memref_slice %arg14[%dma_start3A_365, %dma_start3A_366] : memref<10240x128xf32, #tpu.memory_space<vmem_shared>> -> memref<10240x128xf32, #tpu.memory_space<vmem_shared>>
      tpu.enqueue_indirect_dma source(%arg13 : memref<80x128xf32, #tpu.memory_space<vmem>>) target(%dma_start3A_367 : memref<10240x128xf32, #tpu.memory_space<vmem_shared>>) offsets(%dma_start3A_364 : memref<80xi32, #tpu.memory_space<vmem>>) semaphore(%arg22 : memref<!tpu.dma_semaphore, #tpu.memory_space<semaphore_mem>>) {add = true}
      %dma_wait3A_368 = arith.constant 0 : i32
      %dma_wait3A_369 = arith.constant 0 : i32
      %dma_wait3A_370 = tpu.memref_slice %arg9[%dma_wait3A_368, %dma_wait3A_369] : memref<16x80xi32, #tpu.memory_space<vmem>> -> memref<1x80xi32, #tpu.memory_space<vmem>>
      %dma_wait3A_371 = tpu.memref_squeeze %dma_wait3A_370 : memref<1x80xi32, #tpu.memory_space<vmem>> -> memref<80xi32, #tpu.memory_space<vmem>>
      %dma_wait3A_372 = arith.constant 0 : i32
      %dma_wait3A_373 = arith.constant 0 : i32
      %dma_wait3A_374 = tpu.memref_slice %arg14[%dma_wait3A_372, %dma_wait3A_373] : memref<10240x128xf32, #tpu.memory_space<vmem_shared>> -> memref<10240x128xf32, #tpu.memory_space<vmem_shared>>
      tpu.wait_indirect_dma semaphore(%arg19 : memref<!tpu.dma_semaphore, #tpu.memory_space<semaphore_mem>>) src(%arg10 : memref<80x128xf32, #tpu.memory_space<vmem>>) dst(%dma_wait3A_374 : memref<10240x128xf32, #tpu.memory_space<vmem_shared>>)
      %dma_start3A_375 = arith.constant 12 : i32
      %dma_start3A_376 = arith.constant 0 : i32
      %dma_start3A_377 = tpu.memref_slice %arg7[%dma_start3A_375, %dma_start3A_376] : memref<16x80xi32, #tpu.memory_space<vmem>> -> memref<1x80xi32, #tpu.memory_space<vmem>>
      %dma_start3A_378 = tpu.memref_squeeze %dma_start3A_377 : memref<1x80xi32, #tpu.memory_space<vmem>> -> memref<80xi32, #tpu.memory_space<vmem>>
      %dma_start3A_379 = arith.constant 0 : i32
      %dma_start3A_380 = arith.constant 0 : i32
      %dma_start3A_381 = tpu.memref_slice %arg2[%dma_start3A_379, %dma_start3A_380] : memref<80000x128xf32, #tpu.memory_space<hbm>> -> memref<80000x128xf32, #tpu.memory_space<hbm>>
      tpu.enqueue_indirect_dma source(%dma_start3A_381 : memref<80000x128xf32, #tpu.memory_space<hbm>>) target(%arg10 : memref<80x128xf32, #tpu.memory_space<vmem>>) offsets(%dma_start3A_378 : memref<80xi32, #tpu.memory_space<vmem>>) semaphore(%arg15 : memref<!tpu.dma_semaphore, #tpu.memory_space<semaphore_mem>>)
      %dma_wait3A_382 = arith.constant 0 : i32
      %dma_wait3A_383 = arith.constant 0 : i32
      %dma_wait3A_384 = tpu.memref_slice %arg9[%dma_wait3A_382, %dma_wait3A_383] : memref<16x80xi32, #tpu.memory_space<vmem>> -> memref<1x80xi32, #tpu.memory_space<vmem>>
      %dma_wait3A_385 = tpu.memref_squeeze %dma_wait3A_384 : memref<1x80xi32, #tpu.memory_space<vmem>> -> memref<80xi32, #tpu.memory_space<vmem>>
      %dma_wait3A_386 = arith.constant 0 : i32
      %dma_wait3A_387 = arith.constant 0 : i32
      %dma_wait3A_388 = tpu.memref_slice %arg14[%dma_wait3A_386, %dma_wait3A_387] : memref<10240x128xf32, #tpu.memory_space<vmem_shared>> -> memref<10240x128xf32, #tpu.memory_space<vmem_shared>>
      tpu.wait_indirect_dma semaphore(%arg20 : memref<!tpu.dma_semaphore, #tpu.memory_space<semaphore_mem>>) src(%arg11 : memref<80x128xf32, #tpu.memory_space<vmem>>) dst(%dma_wait3A_388 : memref<10240x128xf32, #tpu.memory_space<vmem_shared>>)
      %dma_start3A_389 = arith.constant 13 : i32
      %dma_start3A_390 = arith.constant 0 : i32
      %dma_start3A_391 = tpu.memref_slice %arg7[%dma_start3A_389, %dma_start3A_390] : memref<16x80xi32, #tpu.memory_space<vmem>> -> memref<1x80xi32, #tpu.memory_space<vmem>>
      %dma_start3A_392 = tpu.memref_squeeze %dma_start3A_391 : memref<1x80xi32, #tpu.memory_space<vmem>> -> memref<80xi32, #tpu.memory_space<vmem>>
      %dma_start3A_393 = arith.constant 0 : i32
      %dma_start3A_394 = arith.constant 0 : i32
      %dma_start3A_395 = tpu.memref_slice %arg2[%dma_start3A_393, %dma_start3A_394] : memref<80000x128xf32, #tpu.memory_space<hbm>> -> memref<80000x128xf32, #tpu.memory_space<hbm>>
      tpu.enqueue_indirect_dma source(%dma_start3A_395 : memref<80000x128xf32, #tpu.memory_space<hbm>>) target(%arg11 : memref<80x128xf32, #tpu.memory_space<vmem>>) offsets(%dma_start3A_392 : memref<80xi32, #tpu.memory_space<vmem>>) semaphore(%arg16 : memref<!tpu.dma_semaphore, #tpu.memory_space<semaphore_mem>>)
      %dma_wait3A_396 = arith.constant 0 : i32
      %dma_wait3A_397 = arith.constant 0 : i32
      %dma_wait3A_398 = tpu.memref_slice %arg9[%dma_wait3A_396, %dma_wait3A_397] : memref<16x80xi32, #tpu.memory_space<vmem>> -> memref<1x80xi32, #tpu.memory_space<vmem>>
      %dma_wait3A_399 = tpu.memref_squeeze %dma_wait3A_398 : memref<1x80xi32, #tpu.memory_space<vmem>> -> memref<80xi32, #tpu.memory_space<vmem>>
      %dma_wait3A_400 = arith.constant 0 : i32
      %dma_wait3A_401 = arith.constant 0 : i32
      %dma_wait3A_402 = tpu.memref_slice %arg14[%dma_wait3A_400, %dma_wait3A_401] : memref<10240x128xf32, #tpu.memory_space<vmem_shared>> -> memref<10240x128xf32, #tpu.memory_space<vmem_shared>>
      tpu.wait_indirect_dma semaphore(%arg21 : memref<!tpu.dma_semaphore, #tpu.memory_space<semaphore_mem>>) src(%arg12 : memref<80x128xf32, #tpu.memory_space<vmem>>) dst(%dma_wait3A_402 : memref<10240x128xf32, #tpu.memory_space<vmem_shared>>)
      %dma_start3A_403 = arith.constant 14 : i32
      %dma_start3A_404 = arith.constant 0 : i32
      %dma_start3A_405 = tpu.memref_slice %arg7[%dma_start3A_403, %dma_start3A_404] : memref<16x80xi32, #tpu.memory_space<vmem>> -> memref<1x80xi32, #tpu.memory_space<vmem>>
      %dma_start3A_406 = tpu.memref_squeeze %dma_start3A_405 : memref<1x80xi32, #tpu.memory_space<vmem>> -> memref<80xi32, #tpu.memory_space<vmem>>
      %dma_start3A_407 = arith.constant 0 : i32
      %dma_start3A_408 = arith.constant 0 : i32
      %dma_start3A_409 = tpu.memref_slice %arg2[%dma_start3A_407, %dma_start3A_408] : memref<80000x128xf32, #tpu.memory_space<hbm>> -> memref<80000x128xf32, #tpu.memory_space<hbm>>
      tpu.enqueue_indirect_dma source(%dma_start3A_409 : memref<80000x128xf32, #tpu.memory_space<hbm>>) target(%arg12 : memref<80x128xf32, #tpu.memory_space<vmem>>) offsets(%dma_start3A_406 : memref<80xi32, #tpu.memory_space<vmem>>) semaphore(%arg17 : memref<!tpu.dma_semaphore, #tpu.memory_space<semaphore_mem>>)
      %dma_wait3A_410 = arith.constant 0 : i32
      %dma_wait3A_411 = arith.constant 0 : i32
      %dma_wait3A_412 = tpu.memref_slice %arg9[%dma_wait3A_410, %dma_wait3A_411] : memref<16x80xi32, #tpu.memory_space<vmem>> -> memref<1x80xi32, #tpu.memory_space<vmem>>
      %dma_wait3A_413 = tpu.memref_squeeze %dma_wait3A_412 : memref<1x80xi32, #tpu.memory_space<vmem>> -> memref<80xi32, #tpu.memory_space<vmem>>
      %dma_wait3A_414 = arith.constant 0 : i32
      %dma_wait3A_415 = arith.constant 0 : i32
      %dma_wait3A_416 = tpu.memref_slice %arg14[%dma_wait3A_414, %dma_wait3A_415] : memref<10240x128xf32, #tpu.memory_space<vmem_shared>> -> memref<10240x128xf32, #tpu.memory_space<vmem_shared>>
      tpu.wait_indirect_dma semaphore(%arg22 : memref<!tpu.dma_semaphore, #tpu.memory_space<semaphore_mem>>) src(%arg13 : memref<80x128xf32, #tpu.memory_space<vmem>>) dst(%dma_wait3A_416 : memref<10240x128xf32, #tpu.memory_space<vmem_shared>>)
      %dma_start3A_417 = arith.constant 15 : i32
      %dma_start3A_418 = arith.constant 0 : i32
      %dma_start3A_419 = tpu.memref_slice %arg7[%dma_start3A_417, %dma_start3A_418] : memref<16x80xi32, #tpu.memory_space<vmem>> -> memref<1x80xi32, #tpu.memory_space<vmem>>
      %dma_start3A_420 = tpu.memref_squeeze %dma_start3A_419 : memref<1x80xi32, #tpu.memory_space<vmem>> -> memref<80xi32, #tpu.memory_space<vmem>>
      %dma_start3A_421 = arith.constant 0 : i32
      %dma_start3A_422 = arith.constant 0 : i32
      %dma_start3A_423 = tpu.memref_slice %arg2[%dma_start3A_421, %dma_start3A_422] : memref<80000x128xf32, #tpu.memory_space<hbm>> -> memref<80000x128xf32, #tpu.memory_space<hbm>>
      tpu.enqueue_indirect_dma source(%dma_start3A_423 : memref<80000x128xf32, #tpu.memory_space<hbm>>) target(%arg13 : memref<80x128xf32, #tpu.memory_space<vmem>>) offsets(%dma_start3A_420 : memref<80xi32, #tpu.memory_space<vmem>>) semaphore(%arg18 : memref<!tpu.dma_semaphore, #tpu.memory_space<semaphore_mem>>)
      %dma_wait3A_424 = arith.constant 0 : i32
      %dma_wait3A_425 = arith.constant 0 : i32
      %dma_wait3A_426 = tpu.memref_slice %arg7[%dma_wait3A_424, %dma_wait3A_425] : memref<16x80xi32, #tpu.memory_space<vmem>> -> memref<1x80xi32, #tpu.memory_space<vmem>>
      %dma_wait3A_427 = tpu.memref_squeeze %dma_wait3A_426 : memref<1x80xi32, #tpu.memory_space<vmem>> -> memref<80xi32, #tpu.memory_space<vmem>>
      %dma_wait3A_428 = arith.constant 0 : i32
      %dma_wait3A_429 = arith.constant 0 : i32
      %dma_wait3A_430 = tpu.memref_slice %arg2[%dma_wait3A_428, %dma_wait3A_429] : memref<80000x128xf32, #tpu.memory_space<hbm>> -> memref<80000x128xf32, #tpu.memory_space<hbm>>
      tpu.wait_indirect_dma semaphore(%arg15 : memref<!tpu.dma_semaphore, #tpu.memory_space<semaphore_mem>>) src(%dma_wait3A_430 : memref<80000x128xf32, #tpu.memory_space<hbm>>) dst(%arg10 : memref<80x128xf32, #tpu.memory_space<vmem>>)
      %dma_start3A_431 = arith.constant 12 : i32
      %dma_start3A_432 = arith.constant 0 : i32
      %dma_start3A_433 = tpu.memref_slice %arg9[%dma_start3A_431, %dma_start3A_432] : memref<16x80xi32, #tpu.memory_space<vmem>> -> memref<1x80xi32, #tpu.memory_space<vmem>>
      %dma_start3A_434 = tpu.memref_squeeze %dma_start3A_433 : memref<1x80xi32, #tpu.memory_space<vmem>> -> memref<80xi32, #tpu.memory_space<vmem>>
      %dma_start3A_435 = arith.constant 0 : i32
      %dma_start3A_436 = arith.constant 0 : i32
      %dma_start3A_437 = tpu.memref_slice %arg14[%dma_start3A_435, %dma_start3A_436] : memref<10240x128xf32, #tpu.memory_space<vmem_shared>> -> memref<10240x128xf32, #tpu.memory_space<vmem_shared>>
      tpu.enqueue_indirect_dma source(%arg10 : memref<80x128xf32, #tpu.memory_space<vmem>>) target(%dma_start3A_437 : memref<10240x128xf32, #tpu.memory_space<vmem_shared>>) offsets(%dma_start3A_434 : memref<80xi32, #tpu.memory_space<vmem>>) semaphore(%arg19 : memref<!tpu.dma_semaphore, #tpu.memory_space<semaphore_mem>>) {add = true}
      %dma_wait3A_438 = arith.constant 0 : i32
      %dma_wait3A_439 = arith.constant 0 : i32
      %dma_wait3A_440 = tpu.memref_slice %arg7[%dma_wait3A_438, %dma_wait3A_439] : memref<16x80xi32, #tpu.memory_space<vmem>> -> memref<1x80xi32, #tpu.memory_space<vmem>>
      %dma_wait3A_441 = tpu.memref_squeeze %dma_wait3A_440 : memref<1x80xi32, #tpu.memory_space<vmem>> -> memref<80xi32, #tpu.memory_space<vmem>>
      %dma_wait3A_442 = arith.constant 0 : i32
      %dma_wait3A_443 = arith.constant 0 : i32
      %dma_wait3A_444 = tpu.memref_slice %arg2[%dma_wait3A_442, %dma_wait3A_443] : memref<80000x128xf32, #tpu.memory_space<hbm>> -> memref<80000x128xf32, #tpu.memory_space<hbm>>
      tpu.wait_indirect_dma semaphore(%arg16 : memref<!tpu.dma_semaphore, #tpu.memory_space<semaphore_mem>>) src(%dma_wait3A_444 : memref<80000x128xf32, #tpu.memory_space<hbm>>) dst(%arg11 : memref<80x128xf32, #tpu.memory_space<vmem>>)
      %dma_start3A_445 = arith.constant 13 : i32
      %dma_start3A_446 = arith.constant 0 : i32
      %dma_start3A_447 = tpu.memref_slice %arg9[%dma_start3A_445, %dma_start3A_446] : memref<16x80xi32, #tpu.memory_space<vmem>> -> memref<1x80xi32, #tpu.memory_space<vmem>>
      %dma_start3A_448 = tpu.memref_squeeze %dma_start3A_447 : memref<1x80xi32, #tpu.memory_space<vmem>> -> memref<80xi32, #tpu.memory_space<vmem>>
      %dma_start3A_449 = arith.constant 0 : i32
      %dma_start3A_450 = arith.constant 0 : i32
      %dma_start3A_451 = tpu.memref_slice %arg14[%dma_start3A_449, %dma_start3A_450] : memref<10240x128xf32, #tpu.memory_space<vmem_shared>> -> memref<10240x128xf32, #tpu.memory_space<vmem_shared>>
      tpu.enqueue_indirect_dma source(%arg11 : memref<80x128xf32, #tpu.memory_space<vmem>>) target(%dma_start3A_451 : memref<10240x128xf32, #tpu.memory_space<vmem_shared>>) offsets(%dma_start3A_448 : memref<80xi32, #tpu.memory_space<vmem>>) semaphore(%arg20 : memref<!tpu.dma_semaphore, #tpu.memory_space<semaphore_mem>>) {add = true}
      %dma_wait3A_452 = arith.constant 0 : i32
      %dma_wait3A_453 = arith.constant 0 : i32
      %dma_wait3A_454 = tpu.memref_slice %arg7[%dma_wait3A_452, %dma_wait3A_453] : memref<16x80xi32, #tpu.memory_space<vmem>> -> memref<1x80xi32, #tpu.memory_space<vmem>>
      %dma_wait3A_455 = tpu.memref_squeeze %dma_wait3A_454 : memref<1x80xi32, #tpu.memory_space<vmem>> -> memref<80xi32, #tpu.memory_space<vmem>>
      %dma_wait3A_456 = arith.constant 0 : i32
      %dma_wait3A_457 = arith.constant 0 : i32
      %dma_wait3A_458 = tpu.memref_slice %arg2[%dma_wait3A_456, %dma_wait3A_457] : memref<80000x128xf32, #tpu.memory_space<hbm>> -> memref<80000x128xf32, #tpu.memory_space<hbm>>
      tpu.wait_indirect_dma semaphore(%arg17 : memref<!tpu.dma_semaphore, #tpu.memory_space<semaphore_mem>>) src(%dma_wait3A_458 : memref<80000x128xf32, #tpu.memory_space<hbm>>) dst(%arg12 : memref<80x128xf32, #tpu.memory_space<vmem>>)
      %dma_start3A_459 = arith.constant 14 : i32
      %dma_start3A_460 = arith.constant 0 : i32
      %dma_start3A_461 = tpu.memref_slice %arg9[%dma_start3A_459, %dma_start3A_460] : memref<16x80xi32, #tpu.memory_space<vmem>> -> memref<1x80xi32, #tpu.memory_space<vmem>>
      %dma_start3A_462 = tpu.memref_squeeze %dma_start3A_461 : memref<1x80xi32, #tpu.memory_space<vmem>> -> memref<80xi32, #tpu.memory_space<vmem>>
      %dma_start3A_463 = arith.constant 0 : i32
      %dma_start3A_464 = arith.constant 0 : i32
      %dma_start3A_465 = tpu.memref_slice %arg14[%dma_start3A_463, %dma_start3A_464] : memref<10240x128xf32, #tpu.memory_space<vmem_shared>> -> memref<10240x128xf32, #tpu.memory_space<vmem_shared>>
      tpu.enqueue_indirect_dma source(%arg12 : memref<80x128xf32, #tpu.memory_space<vmem>>) target(%dma_start3A_465 : memref<10240x128xf32, #tpu.memory_space<vmem_shared>>) offsets(%dma_start3A_462 : memref<80xi32, #tpu.memory_space<vmem>>) semaphore(%arg21 : memref<!tpu.dma_semaphore, #tpu.memory_space<semaphore_mem>>) {add = true}
      %dma_wait3A_466 = arith.constant 0 : i32
      %dma_wait3A_467 = arith.constant 0 : i32
      %dma_wait3A_468 = tpu.memref_slice %arg7[%dma_wait3A_466, %dma_wait3A_467] : memref<16x80xi32, #tpu.memory_space<vmem>> -> memref<1x80xi32, #tpu.memory_space<vmem>>
      %dma_wait3A_469 = tpu.memref_squeeze %dma_wait3A_468 : memref<1x80xi32, #tpu.memory_space<vmem>> -> memref<80xi32, #tpu.memory_space<vmem>>
      %dma_wait3A_470 = arith.constant 0 : i32
      %dma_wait3A_471 = arith.constant 0 : i32
      %dma_wait3A_472 = tpu.memref_slice %arg2[%dma_wait3A_470, %dma_wait3A_471] : memref<80000x128xf32, #tpu.memory_space<hbm>> -> memref<80000x128xf32, #tpu.memory_space<hbm>>
      tpu.wait_indirect_dma semaphore(%arg18 : memref<!tpu.dma_semaphore, #tpu.memory_space<semaphore_mem>>) src(%dma_wait3A_472 : memref<80000x128xf32, #tpu.memory_space<hbm>>) dst(%arg13 : memref<80x128xf32, #tpu.memory_space<vmem>>)
      %dma_start3A_473 = arith.constant 15 : i32
      %dma_start3A_474 = arith.constant 0 : i32
      %dma_start3A_475 = tpu.memref_slice %arg9[%dma_start3A_473, %dma_start3A_474] : memref<16x80xi32, #tpu.memory_space<vmem>> -> memref<1x80xi32, #tpu.memory_space<vmem>>
      %dma_start3A_476 = tpu.memref_squeeze %dma_start3A_475 : memref<1x80xi32, #tpu.memory_space<vmem>> -> memref<80xi32, #tpu.memory_space<vmem>>
      %dma_start3A_477 = arith.constant 0 : i32
      %dma_start3A_478 = arith.constant 0 : i32
      %dma_start3A_479 = tpu.memref_slice %arg14[%dma_start3A_477, %dma_start3A_478] : memref<10240x128xf32, #tpu.memory_space<vmem_shared>> -> memref<10240x128xf32, #tpu.memory_space<vmem_shared>>
      tpu.enqueue_indirect_dma source(%arg13 : memref<80x128xf32, #tpu.memory_space<vmem>>) target(%dma_start3A_479 : memref<10240x128xf32, #tpu.memory_space<vmem_shared>>) offsets(%dma_start3A_476 : memref<80xi32, #tpu.memory_space<vmem>>) semaphore(%arg22 : memref<!tpu.dma_semaphore, #tpu.memory_space<semaphore_mem>>) {add = true}
      %dma_wait3A_480 = arith.constant 0 : i32
      %dma_wait3A_481 = arith.constant 0 : i32
      %dma_wait3A_482 = tpu.memref_slice %arg9[%dma_wait3A_480, %dma_wait3A_481] : memref<16x80xi32, #tpu.memory_space<vmem>> -> memref<1x80xi32, #tpu.memory_space<vmem>>
      %dma_wait3A_483 = tpu.memref_squeeze %dma_wait3A_482 : memref<1x80xi32, #tpu.memory_space<vmem>> -> memref<80xi32, #tpu.memory_space<vmem>>
      %dma_wait3A_484 = arith.constant 0 : i32
      %dma_wait3A_485 = arith.constant 0 : i32
      %dma_wait3A_486 = tpu.memref_slice %arg14[%dma_wait3A_484, %dma_wait3A_485] : memref<10240x128xf32, #tpu.memory_space<vmem_shared>> -> memref<10240x128xf32, #tpu.memory_space<vmem_shared>>
      tpu.wait_indirect_dma semaphore(%arg19 : memref<!tpu.dma_semaphore, #tpu.memory_space<semaphore_mem>>) src(%arg10 : memref<80x128xf32, #tpu.memory_space<vmem>>) dst(%dma_wait3A_486 : memref<10240x128xf32, #tpu.memory_space<vmem_shared>>)
      %dma_wait3A_487 = arith.constant 0 : i32
      %dma_wait3A_488 = arith.constant 0 : i32
      %dma_wait3A_489 = tpu.memref_slice %arg9[%dma_wait3A_487, %dma_wait3A_488] : memref<16x80xi32, #tpu.memory_space<vmem>> -> memref<1x80xi32, #tpu.memory_space<vmem>>
      %dma_wait3A_490 = tpu.memref_squeeze %dma_wait3A_489 : memref<1x80xi32, #tpu.memory_space<vmem>> -> memref<80xi32, #tpu.memory_space<vmem>>
      %dma_wait3A_491 = arith.constant 0 : i32
      %dma_wait3A_492 = arith.constant 0 : i32
      %dma_wait3A_493 = tpu.memref_slice %arg14[%dma_wait3A_491, %dma_wait3A_492] : memref<10240x128xf32, #tpu.memory_space<vmem_shared>> -> memref<10240x128xf32, #tpu.memory_space<vmem_shared>>
      tpu.wait_indirect_dma semaphore(%arg20 : memref<!tpu.dma_semaphore, #tpu.memory_space<semaphore_mem>>) src(%arg11 : memref<80x128xf32, #tpu.memory_space<vmem>>) dst(%dma_wait3A_493 : memref<10240x128xf32, #tpu.memory_space<vmem_shared>>)
      %dma_wait3A_494 = arith.constant 0 : i32
      %dma_wait3A_495 = arith.constant 0 : i32
      %dma_wait3A_496 = tpu.memref_slice %arg9[%dma_wait3A_494, %dma_wait3A_495] : memref<16x80xi32, #tpu.memory_space<vmem>> -> memref<1x80xi32, #tpu.memory_space<vmem>>
      %dma_wait3A_497 = tpu.memref_squeeze %dma_wait3A_496 : memref<1x80xi32, #tpu.memory_space<vmem>> -> memref<80xi32, #tpu.memory_space<vmem>>
      %dma_wait3A_498 = arith.constant 0 : i32
      %dma_wait3A_499 = arith.constant 0 : i32
      %dma_wait3A_500 = tpu.memref_slice %arg14[%dma_wait3A_498, %dma_wait3A_499] : memref<10240x128xf32, #tpu.memory_space<vmem_shared>> -> memref<10240x128xf32, #tpu.memory_space<vmem_shared>>
      tpu.wait_indirect_dma semaphore(%arg21 : memref<!tpu.dma_semaphore, #tpu.memory_space<semaphore_mem>>) src(%arg12 : memref<80x128xf32, #tpu.memory_space<vmem>>) dst(%dma_wait3A_500 : memref<10240x128xf32, #tpu.memory_space<vmem_shared>>)
      %dma_wait3A_501 = arith.constant 0 : i32
      %dma_wait3A_502 = arith.constant 0 : i32
      %dma_wait3A_503 = tpu.memref_slice %arg9[%dma_wait3A_501, %dma_wait3A_502] : memref<16x80xi32, #tpu.memory_space<vmem>> -> memref<1x80xi32, #tpu.memory_space<vmem>>
      %dma_wait3A_504 = tpu.memref_squeeze %dma_wait3A_503 : memref<1x80xi32, #tpu.memory_space<vmem>> -> memref<80xi32, #tpu.memory_space<vmem>>
      %dma_wait3A_505 = arith.constant 0 : i32
      %dma_wait3A_506 = arith.constant 0 : i32
      %dma_wait3A_507 = tpu.memref_slice %arg14[%dma_wait3A_505, %dma_wait3A_506] : memref<10240x128xf32, #tpu.memory_space<vmem_shared>> -> memref<10240x128xf32, #tpu.memory_space<vmem_shared>>
      tpu.wait_indirect_dma semaphore(%arg22 : memref<!tpu.dma_semaphore, #tpu.memory_space<semaphore_mem>>) src(%arg13 : memref<80x128xf32, #tpu.memory_space<vmem>>) dst(%dma_wait3A_507 : memref<10240x128xf32, #tpu.memory_space<vmem_shared>>)
      "tpu.trace_stop"() : () -> ()
    }
    %scan3A_45 = arith.constant 8 : i32
    %barrier3A_46 = arith.constant 0 : index
    tpu.barrier barrier_id(%barrier3A_46)
    %mul3A_47 = arith.constant 640 : i32
    %mul3A_48 = arith.muli %arg1, %mul3A_47 : i32
    "tpu.region"() ({
      %run_scoped3A = tpu.sem_alloc : memref<!tpu.dma_semaphore, #tpu.memory_space<semaphore_mem>>
      %dma_start3A = arith.constant 0 : i32
      %dma_start3A_49 = tpu.memref_slice %arg6[%arg0, %mul3A_48, %dma_start3A] : memref<2x10240x128xf32, #tpu.memory_space<hbm>> -> memref<1x640x128xf32, #tpu.memory_space<hbm>>
      %dma_start3A_50 = tpu.memref_squeeze %dma_start3A_49 : memref<1x640x128xf32, #tpu.memory_space<hbm>> -> memref<640x128xf32, #tpu.memory_space<hbm>>
      %dma_start3A_51 = arith.constant 0 : i32
      %dma_start3A_52 = tpu.memref_slice %arg14[%mul3A_48, %dma_start3A_51] : memref<10240x128xf32, #tpu.memory_space<vmem_shared>> -> memref<640x128xf32, #tpu.memory_space<vmem_shared>>
      tpu.enqueue_dma source(%dma_start3A_52 : memref<640x128xf32, #tpu.memory_space<vmem_shared>>) target(%dma_start3A_50 : memref<640x128xf32, #tpu.memory_space<hbm>>) target_semaphore(%run_scoped3A : memref<!tpu.dma_semaphore, #tpu.memory_space<semaphore_mem>>)
      %dma_wait3A = arith.constant 0 : i32
      %dma_wait3A_53 = tpu.memref_slice %arg6[%arg0, %mul3A_48, %dma_wait3A] : memref<2x10240x128xf32, #tpu.memory_space<hbm>> -> memref<1x640x128xf32, #tpu.memory_space<hbm>>
      %dma_wait3A_54 = tpu.memref_squeeze %dma_wait3A_53 : memref<1x640x128xf32, #tpu.memory_space<hbm>> -> memref<640x128xf32, #tpu.memory_space<hbm>>
      %dma_wait3A_55 = arith.constant 0 : i32
      %dma_wait3A_56 = tpu.memref_slice %arg14[%mul3A_48, %dma_wait3A_55] : memref<10240x128xf32, #tpu.memory_space<vmem_shared>> -> memref<640x128xf32, #tpu.memory_space<vmem_shared>>
      tpu.wait_dma2 semaphore(%run_scoped3A : memref<!tpu.dma_semaphore, #tpu.memory_space<semaphore_mem>>) src(%dma_wait3A_56 : memref<640x128xf32, #tpu.memory_space<vmem_shared>>) dst(%dma_wait3A_54 : memref<640x128xf32, #tpu.memory_space<hbm>>)
      tpu.yield
    }) : () -> ()
    return
  }
}

#map = affine_map<(d0, d1) -> (0, 0)>
#map1 = affine_map<(d0, d1) -> (0, 0, 0)>
module attributes {stable_mosaic.version = 14 : i64} {
  func.func @_sc_agg_body(%arg0: i32, %arg1: i32, %arg2: memref<80000x128xf32, #tpu.memory_space<hbm>>, %arg3: memref<32x128x80xi32, #tpu.memory_space<hbm>>, %arg4: memref<32x128x80xi32, #tpu.memory_space<hbm>>, %arg5: memref<32x128x80xi32, #tpu.memory_space<hbm>>, %arg6: memref<2x10240x128xf32, #tpu.memory_space<hbm>>, %arg7: memref<16x80xi32, #tpu.memory_space<vmem>>, %arg8: memref<16x80xi32, #tpu.memory_space<vmem>>, %arg9: memref<16x80xi32, #tpu.memory_space<vmem>>, %arg10: memref<80x128xf32, #tpu.memory_space<vmem>>, %arg11: memref<80x128xf32, #tpu.memory_space<vmem>>, %arg12: memref<80x128xf32, #tpu.memory_space<vmem>>, %arg13: memref<80x128xf32, #tpu.memory_space<vmem>>, %arg14: memref<10240x128xf32, #tpu.memory_space<vmem_shared>>, %arg15: memref<!tpu.dma_semaphore, #tpu.memory_space<semaphore_mem>>, %arg16: memref<!tpu.dma_semaphore, #tpu.memory_space<semaphore_mem>>, %arg17: memref<!tpu.dma_semaphore, #tpu.memory_space<semaphore_mem>>, %arg18: memref<!tpu.dma_semaphore, #tpu.memory_space<semaphore_mem>>, %arg19: memref<!tpu.dma_semaphore, #tpu.memory_space<semaphore_mem>>, %arg20: memref<!tpu.dma_semaphore, #tpu.memory_space<semaphore_mem>>, %arg21: memref<!tpu.dma_semaphore, #tpu.memory_space<semaphore_mem>>, %arg22: memref<!tpu.dma_semaphore, #tpu.memory_space<semaphore_mem>>) attributes {dimension_semantics = [#tpu.dimension_semantics<core_parallel>, #tpu.dimension_semantics<subcore_parallel>], iteration_bounds = array<i64: 2, 16>, scalar_prefetch = 0 : i64, scratch_operands = 16 : i64, tpu.core_type = #tpu.core_type<sc_vector_subcore>, window_params = [{transform_indices = #map}, {transform_indices = #map1}, {transform_indices = #map1}, {transform_indices = #map1}, {transform_indices = #map1}]} {
    %mul3A = arith.constant 2 : i32
    %mul3A_0 = arith.muli %arg1, %mul3A : i32
    %sub3A = arith.constant 1 : i32
    %sub3A_1 = arith.subi %sub3A, %arg0 : i32
    %add3A = arith.addi %mul3A_0, %sub3A_1 : i32
    %broadcast_in_dim3A = arith.constant 0.000000e+00 : f32
    %broadcast_in_dim3A_2 = vector.broadcast %broadcast_in_dim3A : f32 to vector<16xf32>
    %scan3A = arith.constant 0 : i32
    %scan3A_3 = arith.constant 0 : i32
    %scan3A_4 = arith.constant 640 : i32
    %scan3A_5 = arith.addi %scan3A_3, %scan3A_4 : i32
    %scan3A_6 = arith.constant 1 : i32
    scf.for %scan3A_49 = %scan3A_3 to %scan3A_5 step %scan3A_6  : i32 {
      %jit3A = arith.constant 8 : i32
      %div3A = arith.divsi %scan3A_49, %jit3A : i32
      %sign3A = arith.constant 0 : i32
      %sign3A_50 = arith.cmpi sgt, %scan3A_49, %sign3A : i32
      %sign3A_51 = arith.extui %sign3A_50 : i1 to i32
      %sign3A_52 = arith.constant 0 : i32
      %sign3A_53 = arith.cmpi slt, %scan3A_49, %sign3A_52 : i32
      %sign3A_54 = arith.extui %sign3A_53 : i1 to i32
      %sign3A_55 = arith.subi %sign3A_51, %sign3A_54 : i32
      %sign3A_56 = arith.constant 0 : i32
      %sign3A_57 = arith.cmpi sgt, %jit3A, %sign3A_56 : i32
      %sign3A_58 = arith.extui %sign3A_57 : i1 to i32
      %sign3A_59 = arith.constant 0 : i32
      %sign3A_60 = arith.cmpi slt, %jit3A, %sign3A_59 : i32
      %sign3A_61 = arith.extui %sign3A_60 : i1 to i32
      %sign3A_62 = arith.subi %sign3A_58, %sign3A_61 : i32
      %ne3A = arith.cmpi ne, %sign3A_55, %sign3A_62 : i32
      %rem3A = arith.remsi %scan3A_49, %jit3A : i32
      %ne3A_63 = arith.constant 0 : i32
      %ne3A_64 = arith.cmpi ne, %rem3A, %ne3A_63 : i32
      %and3A = arith.andi %ne3A, %ne3A_64 : i1
      %sub3A_65 = arith.constant 1 : i32
      %sub3A_66 = arith.subi %div3A, %sub3A_65 : i32
      %select_n3A = arith.select %and3A, %sub3A_66, %div3A : i32
      %jit3A_67 = arith.constant 8 : i32
      %eq3A = arith.constant 0 : i32
      %eq3A_68 = arith.cmpi eq, %jit3A_67, %eq3A : i32
      %jit3A_69 = arith.constant 1 : i32
      %select_n3A_70 = arith.select %eq3A_68, %jit3A_69, %jit3A_67 : i32
      %rem3A_71 = arith.remsi %scan3A_49, %select_n3A_70 : i32
      %ne3A_72 = arith.constant 0 : i32
      %ne3A_73 = arith.cmpi ne, %rem3A_71, %ne3A_72 : i32
      %lt3A = arith.constant 0 : i32
      %lt3A_74 = arith.cmpi slt, %rem3A_71, %lt3A : i32
      %lt3A_75 = arith.constant 0 : i32
      %lt3A_76 = arith.cmpi slt, %select_n3A_70, %lt3A_75 : i32
      %ne3A_77 = arith.xori %lt3A_74, %lt3A_76 : i1
      %and3A_78 = arith.andi %ne3A_77, %ne3A_73 : i1
      %add3A_79 = arith.addi %rem3A_71, %select_n3A_70 : i32
      %select_n3A_80 = arith.select %and3A_78, %add3A_79, %rem3A_71 : i32
      %mul3A_81 = arith.constant 16 : i32
      %mul3A_82 = arith.muli %select_n3A_80, %mul3A_81 : i32
      %swap3A = arith.index_cast %select_n3A : i32 to index
      %swap3A_83 = arith.index_cast %mul3A_82 : i32 to index
      %swap3A_84 = tpu.vector_load %arg10[%swap3A, %swap3A_83] {strides = array<i32>} : memref<80x128xf32, #tpu.memory_space<vmem>>, vector<1x16xf32>,
      %swap3A_85 = vector.shape_cast %swap3A_84 : vector<1x16xf32> to vector<16xf32>
      %swap3A_86 = vector.shape_cast %broadcast_in_dim3A_2 : vector<16xf32> to vector<1x16xf32>
      tpu.vector_store %arg10[%swap3A, %swap3A_83], %swap3A_86 {strides = array<i32>} : memref<80x128xf32, #tpu.memory_space<vmem>>, vector<1x16xf32>,
    }
    %scan3A_7 = arith.constant 640 : i32
    %mul3A_8 = arith.constant 640 : i32
    %mul3A_9 = arith.muli %arg1, %mul3A_8 : i32
    %add3A_10 = arith.constant 0 : i32
    %add3A_11 = arith.addi %mul3A_9, %add3A_10 : i32
    "tpu.region"() ({
      %run_scoped3A = tpu.sem_alloc : memref<!tpu.dma_semaphore, #tpu.memory_space<semaphore_mem>>
      %dma_start3A = arith.constant 0 : i32
      %dma_start3A_49 = tpu.memref_slice %arg14[%add3A_11, %dma_start3A] : memref<10240x128xf32, #tpu.memory_space<vmem_shared>> -> memref<80x128xf32, #tpu.memory_space<vmem_shared>>
      %dma_start3A_50 = arith.constant 0 : i32
      %dma_start3A_51 = tpu.memref_slice %arg14[%add3A_11, %dma_start3A_50] : memref<10240x128xf32, #tpu.memory_space<vmem_shared>> -> memref<80x128xf32, #tpu.memory_space<vmem_shared>>
      tpu.enqueue_dma source(%arg10 : memref<80x128xf32, #tpu.memory_space<vmem>>) target(%dma_start3A_51 : memref<80x128xf32, #tpu.memory_space<vmem_shared>>) target_semaphore(%run_scoped3A : memref<!tpu.dma_semaphore, #tpu.memory_space<semaphore_mem>>)
      %dma_wait3A = arith.constant 0 : i32
      %dma_wait3A_52 = tpu.memref_slice %arg14[%add3A_11, %dma_wait3A] : memref<10240x128xf32, #tpu.memory_space<vmem_shared>> -> memref<80x128xf32, #tpu.memory_space<vmem_shared>>
      %dma_wait3A_53 = arith.constant 0 : i32
      %dma_wait3A_54 = tpu.memref_slice %arg14[%add3A_11, %dma_wait3A_53] : memref<10240x128xf32, #tpu.memory_space<vmem_shared>> -> memref<80x128xf32, #tpu.memory_space<vmem_shared>>
      tpu.wait_dma2 semaphore(%run_scoped3A : memref<!tpu.dma_semaphore, #tpu.memory_space<semaphore_mem>>) src(%arg10 : memref<80x128xf32, #tpu.memory_space<vmem>>) dst(%dma_wait3A_54 : memref<80x128xf32, #tpu.memory_space<vmem_shared>>)
      tpu.yield
    }) : () -> ()
    %mul3A_12 = arith.constant 640 : i32
    %mul3A_13 = arith.muli %arg1, %mul3A_12 : i32
    %add3A_14 = arith.constant 80 : i32
    %add3A_15 = arith.addi %mul3A_13, %add3A_14 : i32
    "tpu.region"() ({
      %run_scoped3A = tpu.sem_alloc : memref<!tpu.dma_semaphore, #tpu.memory_space<semaphore_mem>>
      %dma_start3A = arith.constant 0 : i32
      %dma_start3A_49 = tpu.memref_slice %arg14[%add3A_15, %dma_start3A] : memref<10240x128xf32, #tpu.memory_space<vmem_shared>> -> memref<80x128xf32, #tpu.memory_space<vmem_shared>>
      %dma_start3A_50 = arith.constant 0 : i32
      %dma_start3A_51 = tpu.memref_slice %arg14[%add3A_15, %dma_start3A_50] : memref<10240x128xf32, #tpu.memory_space<vmem_shared>> -> memref<80x128xf32, #tpu.memory_space<vmem_shared>>
      tpu.enqueue_dma source(%arg10 : memref<80x128xf32, #tpu.memory_space<vmem>>) target(%dma_start3A_51 : memref<80x128xf32, #tpu.memory_space<vmem_shared>>) target_semaphore(%run_scoped3A : memref<!tpu.dma_semaphore, #tpu.memory_space<semaphore_mem>>)
      %dma_wait3A = arith.constant 0 : i32
      %dma_wait3A_52 = tpu.memref_slice %arg14[%add3A_15, %dma_wait3A] : memref<10240x128xf32, #tpu.memory_space<vmem_shared>> -> memref<80x128xf32, #tpu.memory_space<vmem_shared>>
      %dma_wait3A_53 = arith.constant 0 : i32
      %dma_wait3A_54 = tpu.memref_slice %arg14[%add3A_15, %dma_wait3A_53] : memref<10240x128xf32, #tpu.memory_space<vmem_shared>> -> memref<80x128xf32, #tpu.memory_space<vmem_shared>>
      tpu.wait_dma2 semaphore(%run_scoped3A : memref<!tpu.dma_semaphore, #tpu.memory_space<semaphore_mem>>) src(%arg10 : memref<80x128xf32, #tpu.memory_space<vmem>>) dst(%dma_wait3A_54 : memref<80x128xf32, #tpu.memory_space<vmem_shared>>)
      tpu.yield
    }) : () -> ()
    %mul3A_16 = arith.constant 640 : i32
    %mul3A_17 = arith.muli %arg1, %mul3A_16 : i32
    %add3A_18 = arith.constant 160 : i32
    %add3A_19 = arith.addi %mul3A_17, %add3A_18 : i32
    "tpu.region"() ({
      %run_scoped3A = tpu.sem_alloc : memref<!tpu.dma_semaphore, #tpu.memory_space<semaphore_mem>>
      %dma_start3A = arith.constant 0 : i32
      %dma_start3A_49 = tpu.memref_slice %arg14[%add3A_19, %dma_start3A] : memref<10240x128xf32, #tpu.memory_space<vmem_shared>> -> memref<80x128xf32, #tpu.memory_space<vmem_shared>>
      %dma_start3A_50 = arith.constant 0 : i32
      %dma_start3A_51 = tpu.memref_slice %arg14[%add3A_19, %dma_start3A_50] : memref<10240x128xf32, #tpu.memory_space<vmem_shared>> -> memref<80x128xf32, #tpu.memory_space<vmem_shared>>
      tpu.enqueue_dma source(%arg10 : memref<80x128xf32, #tpu.memory_space<vmem>>) target(%dma_start3A_51 : memref<80x128xf32, #tpu.memory_space<vmem_shared>>) target_semaphore(%run_scoped3A : memref<!tpu.dma_semaphore, #tpu.memory_space<semaphore_mem>>)
      %dma_wait3A = arith.constant 0 : i32
      %dma_wait3A_52 = tpu.memref_slice %arg14[%add3A_19, %dma_wait3A] : memref<10240x128xf32, #tpu.memory_space<vmem_shared>> -> memref<80x128xf32, #tpu.memory_space<vmem_shared>>
      %dma_wait3A_53 = arith.constant 0 : i32
      %dma_wait3A_54 = tpu.memref_slice %arg14[%add3A_19, %dma_wait3A_53] : memref<10240x128xf32, #tpu.memory_space<vmem_shared>> -> memref<80x128xf32, #tpu.memory_space<vmem_shared>>
      tpu.wait_dma2 semaphore(%run_scoped3A : memref<!tpu.dma_semaphore, #tpu.memory_space<semaphore_mem>>) src(%arg10 : memref<80x128xf32, #tpu.memory_space<vmem>>) dst(%dma_wait3A_54 : memref<80x128xf32, #tpu.memory_space<vmem_shared>>)
      tpu.yield
    }) : () -> ()
    %mul3A_20 = arith.constant 640 : i32
    %mul3A_21 = arith.muli %arg1, %mul3A_20 : i32
    %add3A_22 = arith.constant 240 : i32
    %add3A_23 = arith.addi %mul3A_21, %add3A_22 : i32
    "tpu.region"() ({
      %run_scoped3A = tpu.sem_alloc : memref<!tpu.dma_semaphore, #tpu.memory_space<semaphore_mem>>
      %dma_start3A = arith.constant 0 : i32
      %dma_start3A_49 = tpu.memref_slice %arg14[%add3A_23, %dma_start3A] : memref<10240x128xf32, #tpu.memory_space<vmem_shared>> -> memref<80x128xf32, #tpu.memory_space<vmem_shared>>
      %dma_start3A_50 = arith.constant 0 : i32
      %dma_start3A_51 = tpu.memref_slice %arg14[%add3A_23, %dma_start3A_50] : memref<10240x128xf32, #tpu.memory_space<vmem_shared>> -> memref<80x128xf32, #tpu.memory_space<vmem_shared>>
      tpu.enqueue_dma source(%arg10 : memref<80x128xf32, #tpu.memory_space<vmem>>) target(%dma_start3A_51 : memref<80x128xf32, #tpu.memory_space<vmem_shared>>) target_semaphore(%run_scoped3A : memref<!tpu.dma_semaphore, #tpu.memory_space<semaphore_mem>>)
      %dma_wait3A = arith.constant 0 : i32
      %dma_wait3A_52 = tpu.memref_slice %arg14[%add3A_23, %dma_wait3A] : memref<10240x128xf32, #tpu.memory_space<vmem_shared>> -> memref<80x128xf32, #tpu.memory_space<vmem_shared>>
      %dma_wait3A_53 = arith.constant 0 : i32
      %dma_wait3A_54 = tpu.memref_slice %arg14[%add3A_23, %dma_wait3A_53] : memref<10240x128xf32, #tpu.memory_space<vmem_shared>> -> memref<80x128xf32, #tpu.memory_space<vmem_shared>>
      tpu.wait_dma2 semaphore(%run_scoped3A : memref<!tpu.dma_semaphore, #tpu.memory_space<semaphore_mem>>) src(%arg10 : memref<80x128xf32, #tpu.memory_space<vmem>>) dst(%dma_wait3A_54 : memref<80x128xf32, #tpu.memory_space<vmem_shared>>)
      tpu.yield
    }) : () -> ()
    %mul3A_24 = arith.constant 640 : i32
    %mul3A_25 = arith.muli %arg1, %mul3A_24 : i32
    %add3A_26 = arith.constant 320 : i32
    %add3A_27 = arith.addi %mul3A_25, %add3A_26 : i32
    "tpu.region"() ({
      %run_scoped3A = tpu.sem_alloc : memref<!tpu.dma_semaphore, #tpu.memory_space<semaphore_mem>>
      %dma_start3A = arith.constant 0 : i32
      %dma_start3A_49 = tpu.memref_slice %arg14[%add3A_27, %dma_start3A] : memref<10240x128xf32, #tpu.memory_space<vmem_shared>> -> memref<80x128xf32, #tpu.memory_space<vmem_shared>>
      %dma_start3A_50 = arith.constant 0 : i32
      %dma_start3A_51 = tpu.memref_slice %arg14[%add3A_27, %dma_start3A_50] : memref<10240x128xf32, #tpu.memory_space<vmem_shared>> -> memref<80x128xf32, #tpu.memory_space<vmem_shared>>
      tpu.enqueue_dma source(%arg10 : memref<80x128xf32, #tpu.memory_space<vmem>>) target(%dma_start3A_51 : memref<80x128xf32, #tpu.memory_space<vmem_shared>>) target_semaphore(%run_scoped3A : memref<!tpu.dma_semaphore, #tpu.memory_space<semaphore_mem>>)
      %dma_wait3A = arith.constant 0 : i32
      %dma_wait3A_52 = tpu.memref_slice %arg14[%add3A_27, %dma_wait3A] : memref<10240x128xf32, #tpu.memory_space<vmem_shared>> -> memref<80x128xf32, #tpu.memory_space<vmem_shared>>
      %dma_wait3A_53 = arith.constant 0 : i32
      %dma_wait3A_54 = tpu.memref_slice %arg14[%add3A_27, %dma_wait3A_53] : memref<10240x128xf32, #tpu.memory_space<vmem_shared>> -> memref<80x128xf32, #tpu.memory_space<vmem_shared>>
      tpu.wait_dma2 semaphore(%run_scoped3A : memref<!tpu.dma_semaphore, #tpu.memory_space<semaphore_mem>>) src(%arg10 : memref<80x128xf32, #tpu.memory_space<vmem>>) dst(%dma_wait3A_54 : memref<80x128xf32, #tpu.memory_space<vmem_shared>>)
      tpu.yield
    }) : () -> ()
    %mul3A_28 = arith.constant 640 : i32
    %mul3A_29 = arith.muli %arg1, %mul3A_28 : i32
    %add3A_30 = arith.constant 400 : i32
    %add3A_31 = arith.addi %mul3A_29, %add3A_30 : i32
    "tpu.region"() ({
      %run_scoped3A = tpu.sem_alloc : memref<!tpu.dma_semaphore, #tpu.memory_space<semaphore_mem>>
      %dma_start3A = arith.constant 0 : i32
      %dma_start3A_49 = tpu.memref_slice %arg14[%add3A_31, %dma_start3A] : memref<10240x128xf32, #tpu.memory_space<vmem_shared>> -> memref<80x128xf32, #tpu.memory_space<vmem_shared>>
      %dma_start3A_50 = arith.constant 0 : i32
      %dma_start3A_51 = tpu.memref_slice %arg14[%add3A_31, %dma_start3A_50] : memref<10240x128xf32, #tpu.memory_space<vmem_shared>> -> memref<80x128xf32, #tpu.memory_space<vmem_shared>>
      tpu.enqueue_dma source(%arg10 : memref<80x128xf32, #tpu.memory_space<vmem>>) target(%dma_start3A_51 : memref<80x128xf32, #tpu.memory_space<vmem_shared>>) target_semaphore(%run_scoped3A : memref<!tpu.dma_semaphore, #tpu.memory_space<semaphore_mem>>)
      %dma_wait3A = arith.constant 0 : i32
      %dma_wait3A_52 = tpu.memref_slice %arg14[%add3A_31, %dma_wait3A] : memref<10240x128xf32, #tpu.memory_space<vmem_shared>> -> memref<80x128xf32, #tpu.memory_space<vmem_shared>>
      %dma_wait3A_53 = arith.constant 0 : i32
      %dma_wait3A_54 = tpu.memref_slice %arg14[%add3A_31, %dma_wait3A_53] : memref<10240x128xf32, #tpu.memory_space<vmem_shared>> -> memref<80x128xf32, #tpu.memory_space<vmem_shared>>
      tpu.wait_dma2 semaphore(%run_scoped3A : memref<!tpu.dma_semaphore, #tpu.memory_space<semaphore_mem>>) src(%arg10 : memref<80x128xf32, #tpu.memory_space<vmem>>) dst(%dma_wait3A_54 : memref<80x128xf32, #tpu.memory_space<vmem_shared>>)
      tpu.yield
    }) : () -> ()
    %mul3A_32 = arith.constant 640 : i32
    %mul3A_33 = arith.muli %arg1, %mul3A_32 : i32
    %add3A_34 = arith.constant 480 : i32
    %add3A_35 = arith.addi %mul3A_33, %add3A_34 : i32
    "tpu.region"() ({
      %run_scoped3A = tpu.sem_alloc : memref<!tpu.dma_semaphore, #tpu.memory_space<semaphore_mem>>
      %dma_start3A = arith.constant 0 : i32
      %dma_start3A_49 = tpu.memref_slice %arg14[%add3A_35, %dma_start3A] : memref<10240x128xf32, #tpu.memory_space<vmem_shared>> -> memref<80x128xf32, #tpu.memory_space<vmem_shared>>
      %dma_start3A_50 = arith.constant 0 : i32
      %dma_start3A_51 = tpu.memref_slice %arg14[%add3A_35, %dma_start3A_50] : memref<10240x128xf32, #tpu.memory_space<vmem_shared>> -> memref<80x128xf32, #tpu.memory_space<vmem_shared>>
      tpu.enqueue_dma source(%arg10 : memref<80x128xf32, #tpu.memory_space<vmem>>) target(%dma_start3A_51 : memref<80x128xf32, #tpu.memory_space<vmem_shared>>) target_semaphore(%run_scoped3A : memref<!tpu.dma_semaphore, #tpu.memory_space<semaphore_mem>>)
      %dma_wait3A = arith.constant 0 : i32
      %dma_wait3A_52 = tpu.memref_slice %arg14[%add3A_35, %dma_wait3A] : memref<10240x128xf32, #tpu.memory_space<vmem_shared>> -> memref<80x128xf32, #tpu.memory_space<vmem_shared>>
      %dma_wait3A_53 = arith.constant 0 : i32
      %dma_wait3A_54 = tpu.memref_slice %arg14[%add3A_35, %dma_wait3A_53] : memref<10240x128xf32, #tpu.memory_space<vmem_shared>> -> memref<80x128xf32, #tpu.memory_space<vmem_shared>>
      tpu.wait_dma2 semaphore(%run_scoped3A : memref<!tpu.dma_semaphore, #tpu.memory_space<semaphore_mem>>) src(%arg10 : memref<80x128xf32, #tpu.memory_space<vmem>>) dst(%dma_wait3A_54 : memref<80x128xf32, #tpu.memory_space<vmem_shared>>)
      tpu.yield
    }) : () -> ()
    %mul3A_36 = arith.constant 640 : i32
    %mul3A_37 = arith.muli %arg1, %mul3A_36 : i32
    %add3A_38 = arith.constant 560 : i32
    %add3A_39 = arith.addi %mul3A_37, %add3A_38 : i32
    "tpu.region"() ({
      %run_scoped3A = tpu.sem_alloc : memref<!tpu.dma_semaphore, #tpu.memory_space<semaphore_mem>>
      %dma_start3A = arith.constant 0 : i32
      %dma_start3A_49 = tpu.memref_slice %arg14[%add3A_39, %dma_start3A] : memref<10240x128xf32, #tpu.memory_space<vmem_shared>> -> memref<80x128xf32, #tpu.memory_space<vmem_shared>>
      %dma_start3A_50 = arith.constant 0 : i32
      %dma_start3A_51 = tpu.memref_slice %arg14[%add3A_39, %dma_start3A_50] : memref<10240x128xf32, #tpu.memory_space<vmem_shared>> -> memref<80x128xf32, #tpu.memory_space<vmem_shared>>
      tpu.enqueue_dma source(%arg10 : memref<80x128xf32, #tpu.memory_space<vmem>>) target(%dma_start3A_51 : memref<80x128xf32, #tpu.memory_space<vmem_shared>>) target_semaphore(%run_scoped3A : memref<!tpu.dma_semaphore, #tpu.memory_space<semaphore_mem>>)
      %dma_wait3A = arith.constant 0 : i32
      %dma_wait3A_52 = tpu.memref_slice %arg14[%add3A_39, %dma_wait3A] : memref<10240x128xf32, #tpu.memory_space<vmem_shared>> -> memref<80x128xf32, #tpu.memory_space<vmem_shared>>
      %dma_wait3A_53 = arith.constant 0 : i32
      %dma_wait3A_54 = tpu.memref_slice %arg14[%add3A_39, %dma_wait3A_53] : memref<10240x128xf32, #tpu.memory_space<vmem_shared>> -> memref<80x128xf32, #tpu.memory_space<vmem_shared>>
      tpu.wait_dma2 semaphore(%run_scoped3A : memref<!tpu.dma_semaphore, #tpu.memory_space<semaphore_mem>>) src(%arg10 : memref<80x128xf32, #tpu.memory_space<vmem>>) dst(%dma_wait3A_54 : memref<80x128xf32, #tpu.memory_space<vmem_shared>>)
      tpu.yield
    }) : () -> ()
    %barrier3A = arith.constant 0 : index
    tpu.barrier barrier_id(%barrier3A)
    %scan3A_40 = arith.constant 0 : i32
    %scan3A_41 = arith.constant 0 : i32
    %scan3A_42 = arith.constant 8 : i32
    %scan3A_43 = arith.addi %scan3A_41, %scan3A_42 : i32
    %scan3A_44 = arith.constant 1 : i32
    scf.for %scan3A_49 = %scan3A_41 to %scan3A_43 step %scan3A_44  : i32 {
      "tpu.trace_start"() <{level = 10 : i32, message = "stage_idx"}> : () -> ()
      %mul3A_50 = arith.constant 16 : i32
      %mul3A_51 = arith.muli %scan3A_49, %mul3A_50 : i32
      "tpu.region"() ({
        %run_scoped3A = tpu.sem_alloc : memref<!tpu.dma_semaphore, #tpu.memory_space<semaphore_mem>>
        %dma_start3A_508 = arith.constant 0 : i32
        %dma_start3A_509 = tpu.memref_slice %arg3[%add3A, %mul3A_51, %dma_start3A_508] : memref<32x128x80xi32, #tpu.memory_space<hbm>> -> memref<1x16x80xi32, #tpu.memory_space<hbm>>
        %dma_start3A_510 = tpu.memref_squeeze %dma_start3A_509 : memref<1x16x80xi32, #tpu.memory_space<hbm>> -> memref<16x80xi32, #tpu.memory_space<hbm>>
        %dma_start3A_511 = arith.constant 0 : i32
        %dma_start3A_512 = tpu.memref_slice %arg3[%add3A, %mul3A_51, %dma_start3A_511] : memref<32x128x80xi32, #tpu.memory_space<hbm>> -> memref<1x16x80xi32, #tpu.memory_space<hbm>>
        %dma_start3A_513 = tpu.memref_squeeze %dma_start3A_512 : memref<1x16x80xi32, #tpu.memory_space<hbm>> -> memref<16x80xi32, #tpu.memory_space<hbm>>
        tpu.enqueue_dma source(%dma_start3A_513 : memref<16x80xi32, #tpu.memory_space<hbm>>) target(%arg7 : memref<16x80xi32, #tpu.memory_space<vmem>>) target_semaphore(%run_scoped3A : memref<!tpu.dma_semaphore, #tpu.memory_space<semaphore_mem>>)
        %dma_wait3A_514 = arith.constant 0 : i32
        %dma_wait3A_515 = tpu.memref_slice %arg3[%add3A, %mul3A_51, %dma_wait3A_514] : memref<32x128x80xi32, #tpu.memory_space<hbm>> -> memref<1x16x80xi32, #tpu.memory_space<hbm>>
        %dma_wait3A_516 = tpu.memref_squeeze %dma_wait3A_515 : memref<1x16x80xi32, #tpu.memory_space<hbm>> -> memref<16x80xi32, #tpu.memory_space<hbm>>
        %dma_wait3A_517 = arith.constant 0 : i32
        %dma_wait3A_518 = tpu.memref_slice %arg3[%add3A, %mul3A_51, %dma_wait3A_517] : memref<32x128x80xi32, #tpu.memory_space<hbm>> -> memref<1x16x80xi32, #tpu.memory_space<hbm>>
        %dma_wait3A_519 = tpu.memref_squeeze %dma_wait3A_518 : memref<1x16x80xi32, #tpu.memory_space<hbm>> -> memref<16x80xi32, #tpu.memory_space<hbm>>
        tpu.wait_dma2 semaphore(%run_scoped3A : memref<!tpu.dma_semaphore, #tpu.memory_space<semaphore_mem>>) src(%dma_wait3A_519 : memref<16x80xi32, #tpu.memory_space<hbm>>) dst(%arg7 : memref<16x80xi32, #tpu.memory_space<vmem>>)
        tpu.yield
      }) : () -> ()
      %mul3A_52 = arith.constant 16 : i32
      %mul3A_53 = arith.muli %scan3A_49, %mul3A_52 : i32
      "tpu.region"() ({
        %run_scoped3A = tpu.sem_alloc : memref<!tpu.dma_semaphore, #tpu.memory_space<semaphore_mem>>
        %dma_start3A_508 = arith.constant 0 : i32
        %dma_start3A_509 = tpu.memref_slice %arg4[%add3A, %mul3A_53, %dma_start3A_508] : memref<32x128x80xi32, #tpu.memory_space<hbm>> -> memref<1x16x80xi32, #tpu.memory_space<hbm>>
        %dma_start3A_510 = tpu.memref_squeeze %dma_start3A_509 : memref<1x16x80xi32, #tpu.memory_space<hbm>> -> memref<16x80xi32, #tpu.memory_space<hbm>>
        %dma_start3A_511 = arith.constant 0 : i32
        %dma_start3A_512 = tpu.memref_slice %arg4[%add3A, %mul3A_53, %dma_start3A_511] : memref<32x128x80xi32, #tpu.memory_space<hbm>> -> memref<1x16x80xi32, #tpu.memory_space<hbm>>
        %dma_start3A_513 = tpu.memref_squeeze %dma_start3A_512 : memref<1x16x80xi32, #tpu.memory_space<hbm>> -> memref<16x80xi32, #tpu.memory_space<hbm>>
        tpu.enqueue_dma source(%dma_start3A_513 : memref<16x80xi32, #tpu.memory_space<hbm>>) target(%arg8 : memref<16x80xi32, #tpu.memory_space<vmem>>) target_semaphore(%run_scoped3A : memref<!tpu.dma_semaphore, #tpu.memory_space<semaphore_mem>>)
        %dma_wait3A_514 = arith.constant 0 : i32
        %dma_wait3A_515 = tpu.memref_slice %arg4[%add3A, %mul3A_53, %dma_wait3A_514] : memref<32x128x80xi32, #tpu.memory_space<hbm>> -> memref<1x16x80xi32, #tpu.memory_space<hbm>>
        %dma_wait3A_516 = tpu.memref_squeeze %dma_wait3A_515 : memref<1x16x80xi32, #tpu.memory_space<hbm>> -> memref<16x80xi32, #tpu.memory_space<hbm>>
        %dma_wait3A_517 = arith.constant 0 : i32
        %dma_wait3A_518 = tpu.memref_slice %arg4[%add3A, %mul3A_53, %dma_wait3A_517] : memref<32x128x80xi32, #tpu.memory_space<hbm>> -> memref<1x16x80xi32, #tpu.memory_space<hbm>>
        %dma_wait3A_519 = tpu.memref_squeeze %dma_wait3A_518 : memref<1x16x80xi32, #tpu.memory_space<hbm>> -> memref<16x80xi32, #tpu.memory_space<hbm>>
        tpu.wait_dma2 semaphore(%run_scoped3A : memref<!tpu.dma_semaphore, #tpu.memory_space<semaphore_mem>>) src(%dma_wait3A_519 : memref<16x80xi32, #tpu.memory_space<hbm>>) dst(%arg8 : memref<16x80xi32, #tpu.memory_space<vmem>>)
        tpu.yield
      }) : () -> ()
      %mul3A_54 = arith.constant 16 : i32
      %mul3A_55 = arith.muli %scan3A_49, %mul3A_54 : i32
      "tpu.region"() ({
        %run_scoped3A = tpu.sem_alloc : memref<!tpu.dma_semaphore, #tpu.memory_space<semaphore_mem>>
        %dma_start3A_508 = arith.constant 0 : i32
        %dma_start3A_509 = tpu.memref_slice %arg5[%add3A, %mul3A_55, %dma_start3A_508] : memref<32x128x80xi32, #tpu.memory_space<hbm>> -> memref<1x16x80xi32, #tpu.memory_space<hbm>>
        %dma_start3A_510 = tpu.memref_squeeze %dma_start3A_509 : memref<1x16x80xi32, #tpu.memory_space<hbm>> -> memref<16x80xi32, #tpu.memory_space<hbm>>
        %dma_start3A_511 = arith.constant 0 : i32
        %dma_start3A_512 = tpu.memref_slice %arg5[%add3A, %mul3A_55, %dma_start3A_511] : memref<32x128x80xi32, #tpu.memory_space<hbm>> -> memref<1x16x80xi32, #tpu.memory_space<hbm>>
        %dma_start3A_513 = tpu.memref_squeeze %dma_start3A_512 : memref<1x16x80xi32, #tpu.memory_space<hbm>> -> memref<16x80xi32, #tpu.memory_space<hbm>>
        tpu.enqueue_dma source(%dma_start3A_513 : memref<16x80xi32, #tpu.memory_space<hbm>>) target(%arg9 : memref<16x80xi32, #tpu.memory_space<vmem>>) target_semaphore(%run_scoped3A : memref<!tpu.dma_semaphore, #tpu.memory_space<semaphore_mem>>)
        %dma_wait3A_514 = arith.constant 0 : i32
        %dma_wait3A_515 = tpu.memref_slice %arg5[%add3A, %mul3A_55, %dma_wait3A_514] : memref<32x128x80xi32, #tpu.memory_space<hbm>> -> memref<1x16x80xi32, #tpu.memory_space<hbm>>
        %dma_wait3A_516 = tpu.memref_squeeze %dma_wait3A_515 : memref<1x16x80xi32, #tpu.memory_space<hbm>> -> memref<16x80xi32, #tpu.memory_space<hbm>>
        %dma_wait3A_517 = arith.constant 0 : i32
        %dma_wait3A_518 = tpu.memref_slice %arg5[%add3A, %mul3A_55, %dma_wait3A_517] : memref<32x128x80xi32, #tpu.memory_space<hbm>> -> memref<1x16x80xi32, #tpu.memory_space<hbm>>
        %dma_wait3A_519 = tpu.memref_squeeze %dma_wait3A_518 : memref<1x16x80xi32, #tpu.memory_space<hbm>> -> memref<16x80xi32, #tpu.memory_space<hbm>>
        tpu.wait_dma2 semaphore(%run_scoped3A : memref<!tpu.dma_semaphore, #tpu.memory_space<semaphore_mem>>) src(%dma_wait3A_519 : memref<16x80xi32, #tpu.memory_space<hbm>>) dst(%arg9 : memref<16x80xi32, #tpu.memory_space<vmem>>)
        tpu.yield
      }) : () -> ()
      "tpu.trace_stop"() : () -> ()
      "tpu.trace_start"() <{level = 10 : i32, message = "gix"}> : () -> ()
      %scan3A_56 = arith.constant 0 : i32
      %scan3A_57 = arith.constant 0 : i32
      %scan3A_58 = arith.constant 16 : i32
      %scan3A_59 = arith.addi %scan3A_57, %scan3A_58 : i32
      %scan3A_60 = arith.constant 1 : i32
      scf.for %scan3A_508 = %scan3A_57 to %scan3A_59 step %scan3A_60  : i32 {
        %get3A = arith.index_cast %scan3A_508 : i32 to index
        %get3A_509 = arith.constant 0 : index
        %get3A_510 = tpu.vector_load %arg8[%get3A, %get3A_509] {strides = array<i32>} : memref<16x80xi32, #tpu.memory_space<vmem>>, vector<1x16xi32>,
        %get3A_511 = vector.shape_cast %get3A_510 : vector<1x16xi32> to vector<16xi32>
        %mul3A_512 = arith.constant 10000 : i32
        %mul3A_513 = vector.broadcast %mul3A_512 : i32 to vector<16xi32>
        %mul3A_514 = arith.muli %get3A_511, %mul3A_513 : vector<16xi32>
        %get3A_515 = arith.index_cast %scan3A_508 : i32 to index
        %get3A_516 = arith.constant 0 : index
        %get3A_517 = tpu.vector_load %arg7[%get3A_515, %get3A_516] {strides = array<i32>} : memref<16x80xi32, #tpu.memory_space<vmem>>, vector<1x16xi32>,
        %get3A_518 = vector.shape_cast %get3A_517 : vector<1x16xi32> to vector<16xi32>
        %add3A_519 = arith.addi %mul3A_514, %get3A_518 : vector<16xi32>
        %swap3A = arith.index_cast %scan3A_508 : i32 to index
        %swap3A_520 = arith.constant 0 : index
        %swap3A_521 = tpu.vector_load %arg7[%swap3A, %swap3A_520] {strides = array<i32>} : memref<16x80xi32, #tpu.memory_space<vmem>>, vector<1x16xi32>,
        %swap3A_522 = vector.shape_cast %swap3A_521 : vector<1x16xi32> to vector<16xi32>
        %swap3A_523 = vector.shape_cast %add3A_519 : vector<16xi32> to vector<1x16xi32>
        tpu.vector_store %arg7[%swap3A, %swap3A_520], %swap3A_523 {strides = array<i32>} : memref<16x80xi32, #tpu.memory_space<vmem>>, vector<1x16xi32>,
        %get3A_524 = arith.index_cast %scan3A_508 : i32 to index
        %get3A_525 = arith.constant 16 : index
        %get3A_526 = tpu.vector_load %arg8[%get3A_524, %get3A_525] {strides = array<i32>} : memref<16x80xi32, #tpu.memory_space<vmem>>, vector<1x16xi32>,
        %get3A_527 = vector.shape_cast %get3A_526 : vector<1x16xi32> to vector<16xi32>
        %mul3A_528 = arith.constant 10000 : i32
        %mul3A_529 = vector.broadcast %mul3A_528 : i32 to vector<16xi32>
        %mul3A_530 = arith.muli %get3A_527, %mul3A_529 : vector<16xi32>
        %get3A_531 = arith.index_cast %scan3A_508 : i32 to index
        %get3A_532 = arith.constant 16 : index
        %get3A_533 = tpu.vector_load %arg7[%get3A_531, %get3A_532] {strides = array<i32>} : memref<16x80xi32, #tpu.memory_space<vmem>>, vector<1x16xi32>,
        %get3A_534 = vector.shape_cast %get3A_533 : vector<1x16xi32> to vector<16xi32>
        %add3A_535 = arith.addi %mul3A_530, %get3A_534 : vector<16xi32>
        %swap3A_536 = arith.index_cast %scan3A_508 : i32 to index
        %swap3A_537 = arith.constant 16 : index
        %swap3A_538 = tpu.vector_load %arg7[%swap3A_536, %swap3A_537] {strides = array<i32>} : memref<16x80xi32, #tpu.memory_space<vmem>>, vector<1x16xi32>,
        %swap3A_539 = vector.shape_cast %swap3A_538 : vector<1x16xi32> to vector<16xi32>
        %swap3A_540 = vector.shape_cast %add3A_535 : vector<16xi32> to vector<1x16xi32>
        tpu.vector_store %arg7[%swap3A_536, %swap3A_537], %swap3A_540 {strides = array<i32>} : memref<16x80xi32, #tpu.memory_space<vmem>>, vector<1x16xi32>,
        %get3A_541 = arith.index_cast %scan3A_508 : i32 to index
        %get3A_542 = arith.constant 32 : index
        %get3A_543 = tpu.vector_load %arg8[%get3A_541, %get3A_542] {strides = array<i32>} : memref<16x80xi32, #tpu.memory_space<vmem>>, vector<1x16xi32>,
        %get3A_544 = vector.shape_cast %get3A_543 : vector<1x16xi32> to vector<16xi32>
        %mul3A_545 = arith.constant 10000 : i32
        %mul3A_546 = vector.broadcast %mul3A_545 : i32 to vector<16xi32>
        %mul3A_547 = arith.muli %get3A_544, %mul3A_546 : vector<16xi32>
        %get3A_548 = arith.index_cast %scan3A_508 : i32 to index
        %get3A_549 = arith.constant 32 : index
        %get3A_550 = tpu.vector_load %arg7[%get3A_548, %get3A_549] {strides = array<i32>} : memref<16x80xi32, #tpu.memory_space<vmem>>, vector<1x16xi32>,
        %get3A_551 = vector.shape_cast %get3A_550 : vector<1x16xi32> to vector<16xi32>
        %add3A_552 = arith.addi %mul3A_547, %get3A_551 : vector<16xi32>
        %swap3A_553 = arith.index_cast %scan3A_508 : i32 to index
        %swap3A_554 = arith.constant 32 : index
        %swap3A_555 = tpu.vector_load %arg7[%swap3A_553, %swap3A_554] {strides = array<i32>} : memref<16x80xi32, #tpu.memory_space<vmem>>, vector<1x16xi32>,
        %swap3A_556 = vector.shape_cast %swap3A_555 : vector<1x16xi32> to vector<16xi32>
        %swap3A_557 = vector.shape_cast %add3A_552 : vector<16xi32> to vector<1x16xi32>
        tpu.vector_store %arg7[%swap3A_553, %swap3A_554], %swap3A_557 {strides = array<i32>} : memref<16x80xi32, #tpu.memory_space<vmem>>, vector<1x16xi32>,
        %get3A_558 = arith.index_cast %scan3A_508 : i32 to index
        %get3A_559 = arith.constant 48 : index
        %get3A_560 = tpu.vector_load %arg8[%get3A_558, %get3A_559] {strides = array<i32>} : memref<16x80xi32, #tpu.memory_space<vmem>>, vector<1x16xi32>,
        %get3A_561 = vector.shape_cast %get3A_560 : vector<1x16xi32> to vector<16xi32>
        %mul3A_562 = arith.constant 10000 : i32
        %mul3A_563 = vector.broadcast %mul3A_562 : i32 to vector<16xi32>
        %mul3A_564 = arith.muli %get3A_561, %mul3A_563 : vector<16xi32>
        %get3A_565 = arith.index_cast %scan3A_508 : i32 to index
        %get3A_566 = arith.constant 48 : index
        %get3A_567 = tpu.vector_load %arg7[%get3A_565, %get3A_566] {strides = array<i32>} : memref<16x80xi32, #tpu.memory_space<vmem>>, vector<1x16xi32>,
        %get3A_568 = vector.shape_cast %get3A_567 : vector<1x16xi32> to vector<16xi32>
        %add3A_569 = arith.addi %mul3A_564, %get3A_568 : vector<16xi32>
        %swap3A_570 = arith.index_cast %scan3A_508 : i32 to index
        %swap3A_571 = arith.constant 48 : index
        %swap3A_572 = tpu.vector_load %arg7[%swap3A_570, %swap3A_571] {strides = array<i32>} : memref<16x80xi32, #tpu.memory_space<vmem>>, vector<1x16xi32>,
        %swap3A_573 = vector.shape_cast %swap3A_572 : vector<1x16xi32> to vector<16xi32>
        %swap3A_574 = vector.shape_cast %add3A_569 : vector<16xi32> to vector<1x16xi32>
        tpu.vector_store %arg7[%swap3A_570, %swap3A_571], %swap3A_574 {strides = array<i32>} : memref<16x80xi32, #tpu.memory_space<vmem>>, vector<1x16xi32>,
        %get3A_575 = arith.index_cast %scan3A_508 : i32 to index
        %get3A_576 = arith.constant 64 : index
        %get3A_577 = tpu.vector_load %arg8[%get3A_575, %get3A_576] {strides = array<i32>} : memref<16x80xi32, #tpu.memory_space<vmem>>, vector<1x16xi32>,
        %get3A_578 = vector.shape_cast %get3A_577 : vector<1x16xi32> to vector<16xi32>
        %mul3A_579 = arith.constant 10000 : i32
        %mul3A_580 = vector.broadcast %mul3A_579 : i32 to vector<16xi32>
        %mul3A_581 = arith.muli %get3A_578, %mul3A_580 : vector<16xi32>
        %get3A_582 = arith.index_cast %scan3A_508 : i32 to index
        %get3A_583 = arith.constant 64 : index
        %get3A_584 = tpu.vector_load %arg7[%get3A_582, %get3A_583] {strides = array<i32>} : memref<16x80xi32, #tpu.memory_space<vmem>>, vector<1x16xi32>,
        %get3A_585 = vector.shape_cast %get3A_584 : vector<1x16xi32> to vector<16xi32>
        %add3A_586 = arith.addi %mul3A_581, %get3A_585 : vector<16xi32>
        %swap3A_587 = arith.index_cast %scan3A_508 : i32 to index
        %swap3A_588 = arith.constant 64 : index
        %swap3A_589 = tpu.vector_load %arg7[%swap3A_587, %swap3A_588] {strides = array<i32>} : memref<16x80xi32, #tpu.memory_space<vmem>>, vector<1x16xi32>,
        %swap3A_590 = vector.shape_cast %swap3A_589 : vector<1x16xi32> to vector<16xi32>
        %swap3A_591 = vector.shape_cast %add3A_586 : vector<16xi32> to vector<1x16xi32>
        tpu.vector_store %arg7[%swap3A_587, %swap3A_588], %swap3A_591 {strides = array<i32>} : memref<16x80xi32, #tpu.memory_space<vmem>>, vector<1x16xi32>,
      }
      %scan3A_61 = arith.constant 16 : i32
      %dma_start3A = arith.constant 0 : i32
      "tpu.trace_stop"() : () -> ()
      "tpu.trace_start"() <{level = 10 : i32, message = "gathers"}> : () -> ()
      %dma_start3A_62 = arith.constant 0 : i32
      %dma_start3A_63 = tpu.memref_slice %arg7[%dma_start3A, %dma_start3A_62] : memref<16x80xi32, #tpu.memory_space<vmem>> -> memref<1x80xi32, #tpu.memory_space<vmem>>
      %dma_start3A_64 = tpu.memref_squeeze %dma_start3A_63 : memref<1x80xi32, #tpu.memory_space<vmem>> -> memref<80xi32, #tpu.memory_space<vmem>>
      %dma_start3A_65 = arith.constant 0 : i32
      %dma_start3A_66 = arith.constant 0 : i32
      %dma_start3A_67 = tpu.memref_slice %arg2[%dma_start3A_65, %dma_start3A_66] : memref<80000x128xf32, #tpu.memory_space<hbm>> -> memref<80000x128xf32, #tpu.memory_space<hbm>>
      tpu.enqueue_indirect_dma source(%dma_start3A_67 : memref<80000x128xf32, #tpu.memory_space<hbm>>) target(%arg10 : memref<80x128xf32, #tpu.memory_space<vmem>>) offsets(%dma_start3A_64 : memref<80xi32, #tpu.memory_space<vmem>>) semaphore(%arg15 : memref<!tpu.dma_semaphore, #tpu.memory_space<semaphore_mem>>)
      %dma_start3A_68 = arith.constant 1 : i32
      %dma_start3A_69 = arith.constant 0 : i32
      %dma_start3A_70 = tpu.memref_slice %arg7[%dma_start3A_68, %dma_start3A_69] : memref<16x80xi32, #tpu.memory_space<vmem>> -> memref<1x80xi32, #tpu.memory_space<vmem>>
      %dma_start3A_71 = tpu.memref_squeeze %dma_start3A_70 : memref<1x80xi32, #tpu.memory_space<vmem>> -> memref<80xi32, #tpu.memory_space<vmem>>
      %dma_start3A_72 = arith.constant 0 : i32
      %dma_start3A_73 = arith.constant 0 : i32
      %dma_start3A_74 = tpu.memref_slice %arg2[%dma_start3A_72, %dma_start3A_73] : memref<80000x128xf32, #tpu.memory_space<hbm>> -> memref<80000x128xf32, #tpu.memory_space<hbm>>
      tpu.enqueue_indirect_dma source(%dma_start3A_74 : memref<80000x128xf32, #tpu.memory_space<hbm>>) target(%arg11 : memref<80x128xf32, #tpu.memory_space<vmem>>) offsets(%dma_start3A_71 : memref<80xi32, #tpu.memory_space<vmem>>) semaphore(%arg16 : memref<!tpu.dma_semaphore, #tpu.memory_space<semaphore_mem>>)
      %dma_start3A_75 = arith.constant 2 : i32
      %dma_start3A_76 = arith.constant 0 : i32
      %dma_start3A_77 = tpu.memref_slice %arg7[%dma_start3A_75, %dma_start3A_76] : memref<16x80xi32, #tpu.memory_space<vmem>> -> memref<1x80xi32, #tpu.memory_space<vmem>>
      %dma_start3A_78 = tpu.memref_squeeze %dma_start3A_77 : memref<1x80xi32, #tpu.memory_space<vmem>> -> memref<80xi32, #tpu.memory_space<vmem>>
      %dma_start3A_79 = arith.constant 0 : i32
      %dma_start3A_80 = arith.constant 0 : i32
      %dma_start3A_81 = tpu.memref_slice %arg2[%dma_start3A_79, %dma_start3A_80] : memref<80000x128xf32, #tpu.memory_space<hbm>> -> memref<80000x128xf32, #tpu.memory_space<hbm>>
      tpu.enqueue_indirect_dma source(%dma_start3A_81 : memref<80000x128xf32, #tpu.memory_space<hbm>>) target(%arg12 : memref<80x128xf32, #tpu.memory_space<vmem>>) offsets(%dma_start3A_78 : memref<80xi32, #tpu.memory_space<vmem>>) semaphore(%arg17 : memref<!tpu.dma_semaphore, #tpu.memory_space<semaphore_mem>>)
      %dma_start3A_82 = arith.constant 3 : i32
      %dma_start3A_83 = arith.constant 0 : i32
      %dma_start3A_84 = tpu.memref_slice %arg7[%dma_start3A_82, %dma_start3A_83] : memref<16x80xi32, #tpu.memory_space<vmem>> -> memref<1x80xi32, #tpu.memory_space<vmem>>
      %dma_start3A_85 = tpu.memref_squeeze %dma_start3A_84 : memref<1x80xi32, #tpu.memory_space<vmem>> -> memref<80xi32, #tpu.memory_space<vmem>>
      %dma_start3A_86 = arith.constant 0 : i32
      %dma_start3A_87 = arith.constant 0 : i32
      %dma_start3A_88 = tpu.memref_slice %arg2[%dma_start3A_86, %dma_start3A_87] : memref<80000x128xf32, #tpu.memory_space<hbm>> -> memref<80000x128xf32, #tpu.memory_space<hbm>>
      tpu.enqueue_indirect_dma source(%dma_start3A_88 : memref<80000x128xf32, #tpu.memory_space<hbm>>) target(%arg13 : memref<80x128xf32, #tpu.memory_space<vmem>>) offsets(%dma_start3A_85 : memref<80xi32, #tpu.memory_space<vmem>>) semaphore(%arg18 : memref<!tpu.dma_semaphore, #tpu.memory_space<semaphore_mem>>)
      %dma_wait3A = arith.constant 0 : i32
      %dma_wait3A_89 = arith.constant 0 : i32
      %dma_wait3A_90 = tpu.memref_slice %arg7[%dma_wait3A, %dma_wait3A_89] : memref<16x80xi32, #tpu.memory_space<vmem>> -> memref<1x80xi32, #tpu.memory_space<vmem>>
      %dma_wait3A_91 = tpu.memref_squeeze %dma_wait3A_90 : memref<1x80xi32, #tpu.memory_space<vmem>> -> memref<80xi32, #tpu.memory_space<vmem>>
      %dma_wait3A_92 = arith.constant 0 : i32
      %dma_wait3A_93 = arith.constant 0 : i32
      %dma_wait3A_94 = tpu.memref_slice %arg2[%dma_wait3A_92, %dma_wait3A_93] : memref<80000x128xf32, #tpu.memory_space<hbm>> -> memref<80000x128xf32, #tpu.memory_space<hbm>>
      tpu.wait_indirect_dma semaphore(%arg15 : memref<!tpu.dma_semaphore, #tpu.memory_space<semaphore_mem>>) src(%dma_wait3A_94 : memref<80000x128xf32, #tpu.memory_space<hbm>>) dst(%arg10 : memref<80x128xf32, #tpu.memory_space<vmem>>)
      %dma_start3A_95 = arith.constant 0 : i32
      %dma_start3A_96 = arith.constant 0 : i32
      %dma_start3A_97 = tpu.memref_slice %arg9[%dma_start3A_95, %dma_start3A_96] : memref<16x80xi32, #tpu.memory_space<vmem>> -> memref<1x80xi32, #tpu.memory_space<vmem>>
      %dma_start3A_98 = tpu.memref_squeeze %dma_start3A_97 : memref<1x80xi32, #tpu.memory_space<vmem>> -> memref<80xi32, #tpu.memory_space<vmem>>
      %dma_start3A_99 = arith.constant 0 : i32
      %dma_start3A_100 = arith.constant 0 : i32
      %dma_start3A_101 = tpu.memref_slice %arg14[%dma_start3A_99, %dma_start3A_100] : memref<10240x128xf32, #tpu.memory_space<vmem_shared>> -> memref<10240x128xf32, #tpu.memory_space<vmem_shared>>
      tpu.enqueue_indirect_dma source(%arg10 : memref<80x128xf32, #tpu.memory_space<vmem>>) target(%dma_start3A_101 : memref<10240x128xf32, #tpu.memory_space<vmem_shared>>) offsets(%dma_start3A_98 : memref<80xi32, #tpu.memory_space<vmem>>) semaphore(%arg19 : memref<!tpu.dma_semaphore, #tpu.memory_space<semaphore_mem>>) {add = true}
      %dma_wait3A_102 = arith.constant 0 : i32
      %dma_wait3A_103 = arith.constant 0 : i32
      %dma_wait3A_104 = tpu.memref_slice %arg7[%dma_wait3A_102, %dma_wait3A_103] : memref<16x80xi32, #tpu.memory_space<vmem>> -> memref<1x80xi32, #tpu.memory_space<vmem>>
      %dma_wait3A_105 = tpu.memref_squeeze %dma_wait3A_104 : memref<1x80xi32, #tpu.memory_space<vmem>> -> memref<80xi32, #tpu.memory_space<vmem>>
      %dma_wait3A_106 = arith.constant 0 : i32
      %dma_wait3A_107 = arith.constant 0 : i32
      %dma_wait3A_108 = tpu.memref_slice %arg2[%dma_wait3A_106, %dma_wait3A_107] : memref<80000x128xf32, #tpu.memory_space<hbm>> -> memref<80000x128xf32, #tpu.memory_space<hbm>>
      tpu.wait_indirect_dma semaphore(%arg16 : memref<!tpu.dma_semaphore, #tpu.memory_space<semaphore_mem>>) src(%dma_wait3A_108 : memref<80000x128xf32, #tpu.memory_space<hbm>>) dst(%arg11 : memref<80x128xf32, #tpu.memory_space<vmem>>)
      %dma_start3A_109 = arith.constant 1 : i32
      %dma_start3A_110 = arith.constant 0 : i32
      %dma_start3A_111 = tpu.memref_slice %arg9[%dma_start3A_109, %dma_start3A_110] : memref<16x80xi32, #tpu.memory_space<vmem>> -> memref<1x80xi32, #tpu.memory_space<vmem>>
      %dma_start3A_112 = tpu.memref_squeeze %dma_start3A_111 : memref<1x80xi32, #tpu.memory_space<vmem>> -> memref<80xi32, #tpu.memory_space<vmem>>
      %dma_start3A_113 = arith.constant 0 : i32
      %dma_start3A_114 = arith.constant 0 : i32
      %dma_start3A_115 = tpu.memref_slice %arg14[%dma_start3A_113, %dma_start3A_114] : memref<10240x128xf32, #tpu.memory_space<vmem_shared>> -> memref<10240x128xf32, #tpu.memory_space<vmem_shared>>
      tpu.enqueue_indirect_dma source(%arg11 : memref<80x128xf32, #tpu.memory_space<vmem>>) target(%dma_start3A_115 : memref<10240x128xf32, #tpu.memory_space<vmem_shared>>) offsets(%dma_start3A_112 : memref<80xi32, #tpu.memory_space<vmem>>) semaphore(%arg20 : memref<!tpu.dma_semaphore, #tpu.memory_space<semaphore_mem>>) {add = true}
      %dma_wait3A_116 = arith.constant 0 : i32
      %dma_wait3A_117 = arith.constant 0 : i32
      %dma_wait3A_118 = tpu.memref_slice %arg7[%dma_wait3A_116, %dma_wait3A_117] : memref<16x80xi32, #tpu.memory_space<vmem>> -> memref<1x80xi32, #tpu.memory_space<vmem>>
      %dma_wait3A_119 = tpu.memref_squeeze %dma_wait3A_118 : memref<1x80xi32, #tpu.memory_space<vmem>> -> memref<80xi32, #tpu.memory_space<vmem>>
      %dma_wait3A_120 = arith.constant 0 : i32
      %dma_wait3A_121 = arith.constant 0 : i32
      %dma_wait3A_122 = tpu.memref_slice %arg2[%dma_wait3A_120, %dma_wait3A_121] : memref<80000x128xf32, #tpu.memory_space<hbm>> -> memref<80000x128xf32, #tpu.memory_space<hbm>>
      tpu.wait_indirect_dma semaphore(%arg17 : memref<!tpu.dma_semaphore, #tpu.memory_space<semaphore_mem>>) src(%dma_wait3A_122 : memref<80000x128xf32, #tpu.memory_space<hbm>>) dst(%arg12 : memref<80x128xf32, #tpu.memory_space<vmem>>)
      %dma_start3A_123 = arith.constant 2 : i32
      %dma_start3A_124 = arith.constant 0 : i32
      %dma_start3A_125 = tpu.memref_slice %arg9[%dma_start3A_123, %dma_start3A_124] : memref<16x80xi32, #tpu.memory_space<vmem>> -> memref<1x80xi32, #tpu.memory_space<vmem>>
      %dma_start3A_126 = tpu.memref_squeeze %dma_start3A_125 : memref<1x80xi32, #tpu.memory_space<vmem>> -> memref<80xi32, #tpu.memory_space<vmem>>
      %dma_start3A_127 = arith.constant 0 : i32
      %dma_start3A_128 = arith.constant 0 : i32
      %dma_start3A_129 = tpu.memref_slice %arg14[%dma_start3A_127, %dma_start3A_128] : memref<10240x128xf32, #tpu.memory_space<vmem_shared>> -> memref<10240x128xf32, #tpu.memory_space<vmem_shared>>
      tpu.enqueue_indirect_dma source(%arg12 : memref<80x128xf32, #tpu.memory_space<vmem>>) target(%dma_start3A_129 : memref<10240x128xf32, #tpu.memory_space<vmem_shared>>) offsets(%dma_start3A_126 : memref<80xi32, #tpu.memory_space<vmem>>) semaphore(%arg21 : memref<!tpu.dma_semaphore, #tpu.memory_space<semaphore_mem>>) {add = true}
      %dma_wait3A_130 = arith.constant 0 : i32
      %dma_wait3A_131 = arith.constant 0 : i32
      %dma_wait3A_132 = tpu.memref_slice %arg7[%dma_wait3A_130, %dma_wait3A_131] : memref<16x80xi32, #tpu.memory_space<vmem>> -> memref<1x80xi32, #tpu.memory_space<vmem>>
      %dma_wait3A_133 = tpu.memref_squeeze %dma_wait3A_132 : memref<1x80xi32, #tpu.memory_space<vmem>> -> memref<80xi32, #tpu.memory_space<vmem>>
      %dma_wait3A_134 = arith.constant 0 : i32
      %dma_wait3A_135 = arith.constant 0 : i32
      %dma_wait3A_136 = tpu.memref_slice %arg2[%dma_wait3A_134, %dma_wait3A_135] : memref<80000x128xf32, #tpu.memory_space<hbm>> -> memref<80000x128xf32, #tpu.memory_space<hbm>>
      tpu.wait_indirect_dma semaphore(%arg18 : memref<!tpu.dma_semaphore, #tpu.memory_space<semaphore_mem>>) src(%dma_wait3A_136 : memref<80000x128xf32, #tpu.memory_space<hbm>>) dst(%arg13 : memref<80x128xf32, #tpu.memory_space<vmem>>)
      %dma_start3A_137 = arith.constant 3 : i32
      %dma_start3A_138 = arith.constant 0 : i32
      %dma_start3A_139 = tpu.memref_slice %arg9[%dma_start3A_137, %dma_start3A_138] : memref<16x80xi32, #tpu.memory_space<vmem>> -> memref<1x80xi32, #tpu.memory_space<vmem>>
      %dma_start3A_140 = tpu.memref_squeeze %dma_start3A_139 : memref<1x80xi32, #tpu.memory_space<vmem>> -> memref<80xi32, #tpu.memory_space<vmem>>
      %dma_start3A_141 = arith.constant 0 : i32
      %dma_start3A_142 = arith.constant 0 : i32
      %dma_start3A_143 = tpu.memref_slice %arg14[%dma_start3A_141, %dma_start3A_142] : memref<10240x128xf32, #tpu.memory_space<vmem_shared>> -> memref<10240x128xf32, #tpu.memory_space<vmem_shared>>
      tpu.enqueue_indirect_dma source(%arg13 : memref<80x128xf32, #tpu.memory_space<vmem>>) target(%dma_start3A_143 : memref<10240x128xf32, #tpu.memory_space<vmem_shared>>) offsets(%dma_start3A_140 : memref<80xi32, #tpu.memory_space<vmem>>) semaphore(%arg22 : memref<!tpu.dma_semaphore, #tpu.memory_space<semaphore_mem>>) {add = true}
      %dma_wait3A_144 = arith.constant 0 : i32
      %dma_wait3A_145 = arith.constant 0 : i32
      %dma_wait3A_146 = tpu.memref_slice %arg9[%dma_wait3A_144, %dma_wait3A_145] : memref<16x80xi32, #tpu.memory_space<vmem>> -> memref<1x80xi32, #tpu.memory_space<vmem>>
      %dma_wait3A_147 = tpu.memref_squeeze %dma_wait3A_146 : memref<1x80xi32, #tpu.memory_space<vmem>> -> memref<80xi32, #tpu.memory_space<vmem>>
      %dma_wait3A_148 = arith.constant 0 : i32
      %dma_wait3A_149 = arith.constant 0 : i32
      %dma_wait3A_150 = tpu.memref_slice %arg14[%dma_wait3A_148, %dma_wait3A_149] : memref<10240x128xf32, #tpu.memory_space<vmem_shared>> -> memref<10240x128xf32, #tpu.memory_space<vmem_shared>>
      tpu.wait_indirect_dma semaphore(%arg19 : memref<!tpu.dma_semaphore, #tpu.memory_space<semaphore_mem>>) src(%arg10 : memref<80x128xf32, #tpu.memory_space<vmem>>) dst(%dma_wait3A_150 : memref<10240x128xf32, #tpu.memory_space<vmem_shared>>)
      %dma_start3A_151 = arith.constant 4 : i32
      %dma_start3A_152 = arith.constant 0 : i32
      %dma_start3A_153 = tpu.memref_slice %arg7[%dma_start3A_151, %dma_start3A_152] : memref<16x80xi32, #tpu.memory_space<vmem>> -> memref<1x80xi32, #tpu.memory_space<vmem>>
      %dma_start3A_154 = tpu.memref_squeeze %dma_start3A_153 : memref<1x80xi32, #tpu.memory_space<vmem>> -> memref<80xi32, #tpu.memory_space<vmem>>
      %dma_start3A_155 = arith.constant 0 : i32
      %dma_start3A_156 = arith.constant 0 : i32
      %dma_start3A_157 = tpu.memref_slice %arg2[%dma_start3A_155, %dma_start3A_156] : memref<80000x128xf32, #tpu.memory_space<hbm>> -> memref<80000x128xf32, #tpu.memory_space<hbm>>
      tpu.enqueue_indirect_dma source(%dma_start3A_157 : memref<80000x128xf32, #tpu.memory_space<hbm>>) target(%arg10 : memref<80x128xf32, #tpu.memory_space<vmem>>) offsets(%dma_start3A_154 : memref<80xi32, #tpu.memory_space<vmem>>) semaphore(%arg15 : memref<!tpu.dma_semaphore, #tpu.memory_space<semaphore_mem>>)
      %dma_wait3A_158 = arith.constant 0 : i32
      %dma_wait3A_159 = arith.constant 0 : i32
      %dma_wait3A_160 = tpu.memref_slice %arg9[%dma_wait3A_158, %dma_wait3A_159] : memref<16x80xi32, #tpu.memory_space<vmem>> -> memref<1x80xi32, #tpu.memory_space<vmem>>
      %dma_wait3A_161 = tpu.memref_squeeze %dma_wait3A_160 : memref<1x80xi32, #tpu.memory_space<vmem>> -> memref<80xi32, #tpu.memory_space<vmem>>
      %dma_wait3A_162 = arith.constant 0 : i32
      %dma_wait3A_163 = arith.constant 0 : i32
      %dma_wait3A_164 = tpu.memref_slice %arg14[%dma_wait3A_162, %dma_wait3A_163] : memref<10240x128xf32, #tpu.memory_space<vmem_shared>> -> memref<10240x128xf32, #tpu.memory_space<vmem_shared>>
      tpu.wait_indirect_dma semaphore(%arg20 : memref<!tpu.dma_semaphore, #tpu.memory_space<semaphore_mem>>) src(%arg11 : memref<80x128xf32, #tpu.memory_space<vmem>>) dst(%dma_wait3A_164 : memref<10240x128xf32, #tpu.memory_space<vmem_shared>>)
      %dma_start3A_165 = arith.constant 5 : i32
      %dma_start3A_166 = arith.constant 0 : i32
      %dma_start3A_167 = tpu.memref_slice %arg7[%dma_start3A_165, %dma_start3A_166] : memref<16x80xi32, #tpu.memory_space<vmem>> -> memref<1x80xi32, #tpu.memory_space<vmem>>
      %dma_start3A_168 = tpu.memref_squeeze %dma_start3A_167 : memref<1x80xi32, #tpu.memory_space<vmem>> -> memref<80xi32, #tpu.memory_space<vmem>>
      %dma_start3A_169 = arith.constant 0 : i32
      %dma_start3A_170 = arith.constant 0 : i32
      %dma_start3A_171 = tpu.memref_slice %arg2[%dma_start3A_169, %dma_start3A_170] : memref<80000x128xf32, #tpu.memory_space<hbm>> -> memref<80000x128xf32, #tpu.memory_space<hbm>>
      tpu.enqueue_indirect_dma source(%dma_start3A_171 : memref<80000x128xf32, #tpu.memory_space<hbm>>) target(%arg11 : memref<80x128xf32, #tpu.memory_space<vmem>>) offsets(%dma_start3A_168 : memref<80xi32, #tpu.memory_space<vmem>>) semaphore(%arg16 : memref<!tpu.dma_semaphore, #tpu.memory_space<semaphore_mem>>)
      %dma_wait3A_172 = arith.constant 0 : i32
      %dma_wait3A_173 = arith.constant 0 : i32
      %dma_wait3A_174 = tpu.memref_slice %arg9[%dma_wait3A_172, %dma_wait3A_173] : memref<16x80xi32, #tpu.memory_space<vmem>> -> memref<1x80xi32, #tpu.memory_space<vmem>>
      %dma_wait3A_175 = tpu.memref_squeeze %dma_wait3A_174 : memref<1x80xi32, #tpu.memory_space<vmem>> -> memref<80xi32, #tpu.memory_space<vmem>>
      %dma_wait3A_176 = arith.constant 0 : i32
      %dma_wait3A_177 = arith.constant 0 : i32
      %dma_wait3A_178 = tpu.memref_slice %arg14[%dma_wait3A_176, %dma_wait3A_177] : memref<10240x128xf32, #tpu.memory_space<vmem_shared>> -> memref<10240x128xf32, #tpu.memory_space<vmem_shared>>
      tpu.wait_indirect_dma semaphore(%arg21 : memref<!tpu.dma_semaphore, #tpu.memory_space<semaphore_mem>>) src(%arg12 : memref<80x128xf32, #tpu.memory_space<vmem>>) dst(%dma_wait3A_178 : memref<10240x128xf32, #tpu.memory_space<vmem_shared>>)
      %dma_start3A_179 = arith.constant 6 : i32
      %dma_start3A_180 = arith.constant 0 : i32
      %dma_start3A_181 = tpu.memref_slice %arg7[%dma_start3A_179, %dma_start3A_180] : memref<16x80xi32, #tpu.memory_space<vmem>> -> memref<1x80xi32, #tpu.memory_space<vmem>>
      %dma_start3A_182 = tpu.memref_squeeze %dma_start3A_181 : memref<1x80xi32, #tpu.memory_space<vmem>> -> memref<80xi32, #tpu.memory_space<vmem>>
      %dma_start3A_183 = arith.constant 0 : i32
      %dma_start3A_184 = arith.constant 0 : i32
      %dma_start3A_185 = tpu.memref_slice %arg2[%dma_start3A_183, %dma_start3A_184] : memref<80000x128xf32, #tpu.memory_space<hbm>> -> memref<80000x128xf32, #tpu.memory_space<hbm>>
      tpu.enqueue_indirect_dma source(%dma_start3A_185 : memref<80000x128xf32, #tpu.memory_space<hbm>>) target(%arg12 : memref<80x128xf32, #tpu.memory_space<vmem>>) offsets(%dma_start3A_182 : memref<80xi32, #tpu.memory_space<vmem>>) semaphore(%arg17 : memref<!tpu.dma_semaphore, #tpu.memory_space<semaphore_mem>>)
      %dma_wait3A_186 = arith.constant 0 : i32
      %dma_wait3A_187 = arith.constant 0 : i32
      %dma_wait3A_188 = tpu.memref_slice %arg9[%dma_wait3A_186, %dma_wait3A_187] : memref<16x80xi32, #tpu.memory_space<vmem>> -> memref<1x80xi32, #tpu.memory_space<vmem>>
      %dma_wait3A_189 = tpu.memref_squeeze %dma_wait3A_188 : memref<1x80xi32, #tpu.memory_space<vmem>> -> memref<80xi32, #tpu.memory_space<vmem>>
      %dma_wait3A_190 = arith.constant 0 : i32
      %dma_wait3A_191 = arith.constant 0 : i32
      %dma_wait3A_192 = tpu.memref_slice %arg14[%dma_wait3A_190, %dma_wait3A_191] : memref<10240x128xf32, #tpu.memory_space<vmem_shared>> -> memref<10240x128xf32, #tpu.memory_space<vmem_shared>>
      tpu.wait_indirect_dma semaphore(%arg22 : memref<!tpu.dma_semaphore, #tpu.memory_space<semaphore_mem>>) src(%arg13 : memref<80x128xf32, #tpu.memory_space<vmem>>) dst(%dma_wait3A_192 : memref<10240x128xf32, #tpu.memory_space<vmem_shared>>)
      %dma_start3A_193 = arith.constant 7 : i32
      %dma_start3A_194 = arith.constant 0 : i32
      %dma_start3A_195 = tpu.memref_slice %arg7[%dma_start3A_193, %dma_start3A_194] : memref<16x80xi32, #tpu.memory_space<vmem>> -> memref<1x80xi32, #tpu.memory_space<vmem>>
      %dma_start3A_196 = tpu.memref_squeeze %dma_start3A_195 : memref<1x80xi32, #tpu.memory_space<vmem>> -> memref<80xi32, #tpu.memory_space<vmem>>
      %dma_start3A_197 = arith.constant 0 : i32
      %dma_start3A_198 = arith.constant 0 : i32
      %dma_start3A_199 = tpu.memref_slice %arg2[%dma_start3A_197, %dma_start3A_198] : memref<80000x128xf32, #tpu.memory_space<hbm>> -> memref<80000x128xf32, #tpu.memory_space<hbm>>
      tpu.enqueue_indirect_dma source(%dma_start3A_199 : memref<80000x128xf32, #tpu.memory_space<hbm>>) target(%arg13 : memref<80x128xf32, #tpu.memory_space<vmem>>) offsets(%dma_start3A_196 : memref<80xi32, #tpu.memory_space<vmem>>) semaphore(%arg18 : memref<!tpu.dma_semaphore, #tpu.memory_space<semaphore_mem>>)
      %dma_wait3A_200 = arith.constant 0 : i32
      %dma_wait3A_201 = arith.constant 0 : i32
      %dma_wait3A_202 = tpu.memref_slice %arg7[%dma_wait3A_200, %dma_wait3A_201] : memref<16x80xi32, #tpu.memory_space<vmem>> -> memref<1x80xi32, #tpu.memory_space<vmem>>
      %dma_wait3A_203 = tpu.memref_squeeze %dma_wait3A_202 : memref<1x80xi32, #tpu.memory_space<vmem>> -> memref<80xi32, #tpu.memory_space<vmem>>
      %dma_wait3A_204 = arith.constant 0 : i32
      %dma_wait3A_205 = arith.constant 0 : i32
      %dma_wait3A_206 = tpu.memref_slice %arg2[%dma_wait3A_204, %dma_wait3A_205] : memref<80000x128xf32, #tpu.memory_space<hbm>> -> memref<80000x128xf32, #tpu.memory_space<hbm>>
      tpu.wait_indirect_dma semaphore(%arg15 : memref<!tpu.dma_semaphore, #tpu.memory_space<semaphore_mem>>) src(%dma_wait3A_206 : memref<80000x128xf32, #tpu.memory_space<hbm>>) dst(%arg10 : memref<80x128xf32, #tpu.memory_space<vmem>>)
      %dma_start3A_207 = arith.constant 4 : i32
      %dma_start3A_208 = arith.constant 0 : i32
      %dma_start3A_209 = tpu.memref_slice %arg9[%dma_start3A_207, %dma_start3A_208] : memref<16x80xi32, #tpu.memory_space<vmem>> -> memref<1x80xi32, #tpu.memory_space<vmem>>
      %dma_start3A_210 = tpu.memref_squeeze %dma_start3A_209 : memref<1x80xi32, #tpu.memory_space<vmem>> -> memref<80xi32, #tpu.memory_space<vmem>>
      %dma_start3A_211 = arith.constant 0 : i32
      %dma_start3A_212 = arith.constant 0 : i32
      %dma_start3A_213 = tpu.memref_slice %arg14[%dma_start3A_211, %dma_start3A_212] : memref<10240x128xf32, #tpu.memory_space<vmem_shared>> -> memref<10240x128xf32, #tpu.memory_space<vmem_shared>>
      tpu.enqueue_indirect_dma source(%arg10 : memref<80x128xf32, #tpu.memory_space<vmem>>) target(%dma_start3A_213 : memref<10240x128xf32, #tpu.memory_space<vmem_shared>>) offsets(%dma_start3A_210 : memref<80xi32, #tpu.memory_space<vmem>>) semaphore(%arg19 : memref<!tpu.dma_semaphore, #tpu.memory_space<semaphore_mem>>) {add = true}
      %dma_wait3A_214 = arith.constant 0 : i32
      %dma_wait3A_215 = arith.constant 0 : i32
      %dma_wait3A_216 = tpu.memref_slice %arg7[%dma_wait3A_214, %dma_wait3A_215] : memref<16x80xi32, #tpu.memory_space<vmem>> -> memref<1x80xi32, #tpu.memory_space<vmem>>
      %dma_wait3A_217 = tpu.memref_squeeze %dma_wait3A_216 : memref<1x80xi32, #tpu.memory_space<vmem>> -> memref<80xi32, #tpu.memory_space<vmem>>
      %dma_wait3A_218 = arith.constant 0 : i32
      %dma_wait3A_219 = arith.constant 0 : i32
      %dma_wait3A_220 = tpu.memref_slice %arg2[%dma_wait3A_218, %dma_wait3A_219] : memref<80000x128xf32, #tpu.memory_space<hbm>> -> memref<80000x128xf32, #tpu.memory_space<hbm>>
      tpu.wait_indirect_dma semaphore(%arg16 : memref<!tpu.dma_semaphore, #tpu.memory_space<semaphore_mem>>) src(%dma_wait3A_220 : memref<80000x128xf32, #tpu.memory_space<hbm>>) dst(%arg11 : memref<80x128xf32, #tpu.memory_space<vmem>>)
      %dma_start3A_221 = arith.constant 5 : i32
      %dma_start3A_222 = arith.constant 0 : i32
      %dma_start3A_223 = tpu.memref_slice %arg9[%dma_start3A_221, %dma_start3A_222] : memref<16x80xi32, #tpu.memory_space<vmem>> -> memref<1x80xi32, #tpu.memory_space<vmem>>
      %dma_start3A_224 = tpu.memref_squeeze %dma_start3A_223 : memref<1x80xi32, #tpu.memory_space<vmem>> -> memref<80xi32, #tpu.memory_space<vmem>>
      %dma_start3A_225 = arith.constant 0 : i32
      %dma_start3A_226 = arith.constant 0 : i32
      %dma_start3A_227 = tpu.memref_slice %arg14[%dma_start3A_225, %dma_start3A_226] : memref<10240x128xf32, #tpu.memory_space<vmem_shared>> -> memref<10240x128xf32, #tpu.memory_space<vmem_shared>>
      tpu.enqueue_indirect_dma source(%arg11 : memref<80x128xf32, #tpu.memory_space<vmem>>) target(%dma_start3A_227 : memref<10240x128xf32, #tpu.memory_space<vmem_shared>>) offsets(%dma_start3A_224 : memref<80xi32, #tpu.memory_space<vmem>>) semaphore(%arg20 : memref<!tpu.dma_semaphore, #tpu.memory_space<semaphore_mem>>) {add = true}
      %dma_wait3A_228 = arith.constant 0 : i32
      %dma_wait3A_229 = arith.constant 0 : i32
      %dma_wait3A_230 = tpu.memref_slice %arg7[%dma_wait3A_228, %dma_wait3A_229] : memref<16x80xi32, #tpu.memory_space<vmem>> -> memref<1x80xi32, #tpu.memory_space<vmem>>
      %dma_wait3A_231 = tpu.memref_squeeze %dma_wait3A_230 : memref<1x80xi32, #tpu.memory_space<vmem>> -> memref<80xi32, #tpu.memory_space<vmem>>
      %dma_wait3A_232 = arith.constant 0 : i32
      %dma_wait3A_233 = arith.constant 0 : i32
      %dma_wait3A_234 = tpu.memref_slice %arg2[%dma_wait3A_232, %dma_wait3A_233] : memref<80000x128xf32, #tpu.memory_space<hbm>> -> memref<80000x128xf32, #tpu.memory_space<hbm>>
      tpu.wait_indirect_dma semaphore(%arg17 : memref<!tpu.dma_semaphore, #tpu.memory_space<semaphore_mem>>) src(%dma_wait3A_234 : memref<80000x128xf32, #tpu.memory_space<hbm>>) dst(%arg12 : memref<80x128xf32, #tpu.memory_space<vmem>>)
      %dma_start3A_235 = arith.constant 6 : i32
      %dma_start3A_236 = arith.constant 0 : i32
      %dma_start3A_237 = tpu.memref_slice %arg9[%dma_start3A_235, %dma_start3A_236] : memref<16x80xi32, #tpu.memory_space<vmem>> -> memref<1x80xi32, #tpu.memory_space<vmem>>
      %dma_start3A_238 = tpu.memref_squeeze %dma_start3A_237 : memref<1x80xi32, #tpu.memory_space<vmem>> -> memref<80xi32, #tpu.memory_space<vmem>>
      %dma_start3A_239 = arith.constant 0 : i32
      %dma_start3A_240 = arith.constant 0 : i32
      %dma_start3A_241 = tpu.memref_slice %arg14[%dma_start3A_239, %dma_start3A_240] : memref<10240x128xf32, #tpu.memory_space<vmem_shared>> -> memref<10240x128xf32, #tpu.memory_space<vmem_shared>>
      tpu.enqueue_indirect_dma source(%arg12 : memref<80x128xf32, #tpu.memory_space<vmem>>) target(%dma_start3A_241 : memref<10240x128xf32, #tpu.memory_space<vmem_shared>>) offsets(%dma_start3A_238 : memref<80xi32, #tpu.memory_space<vmem>>) semaphore(%arg21 : memref<!tpu.dma_semaphore, #tpu.memory_space<semaphore_mem>>) {add = true}
      %dma_wait3A_242 = arith.constant 0 : i32
      %dma_wait3A_243 = arith.constant 0 : i32
      %dma_wait3A_244 = tpu.memref_slice %arg7[%dma_wait3A_242, %dma_wait3A_243] : memref<16x80xi32, #tpu.memory_space<vmem>> -> memref<1x80xi32, #tpu.memory_space<vmem>>
      %dma_wait3A_245 = tpu.memref_squeeze %dma_wait3A_244 : memref<1x80xi32, #tpu.memory_space<vmem>> -> memref<80xi32, #tpu.memory_space<vmem>>
      %dma_wait3A_246 = arith.constant 0 : i32
      %dma_wait3A_247 = arith.constant 0 : i32
      %dma_wait3A_248 = tpu.memref_slice %arg2[%dma_wait3A_246, %dma_wait3A_247] : memref<80000x128xf32, #tpu.memory_space<hbm>> -> memref<80000x128xf32, #tpu.memory_space<hbm>>
      tpu.wait_indirect_dma semaphore(%arg18 : memref<!tpu.dma_semaphore, #tpu.memory_space<semaphore_mem>>) src(%dma_wait3A_248 : memref<80000x128xf32, #tpu.memory_space<hbm>>) dst(%arg13 : memref<80x128xf32, #tpu.memory_space<vmem>>)
      %dma_start3A_249 = arith.constant 7 : i32
      %dma_start3A_250 = arith.constant 0 : i32
      %dma_start3A_251 = tpu.memref_slice %arg9[%dma_start3A_249, %dma_start3A_250] : memref<16x80xi32, #tpu.memory_space<vmem>> -> memref<1x80xi32, #tpu.memory_space<vmem>>
      %dma_start3A_252 = tpu.memref_squeeze %dma_start3A_251 : memref<1x80xi32, #tpu.memory_space<vmem>> -> memref<80xi32, #tpu.memory_space<vmem>>
      %dma_start3A_253 = arith.constant 0 : i32
      %dma_start3A_254 = arith.constant 0 : i32
      %dma_start3A_255 = tpu.memref_slice %arg14[%dma_start3A_253, %dma_start3A_254] : memref<10240x128xf32, #tpu.memory_space<vmem_shared>> -> memref<10240x128xf32, #tpu.memory_space<vmem_shared>>
      tpu.enqueue_indirect_dma source(%arg13 : memref<80x128xf32, #tpu.memory_space<vmem>>) target(%dma_start3A_255 : memref<10240x128xf32, #tpu.memory_space<vmem_shared>>) offsets(%dma_start3A_252 : memref<80xi32, #tpu.memory_space<vmem>>) semaphore(%arg22 : memref<!tpu.dma_semaphore, #tpu.memory_space<semaphore_mem>>) {add = true}
      %dma_wait3A_256 = arith.constant 0 : i32
      %dma_wait3A_257 = arith.constant 0 : i32
      %dma_wait3A_258 = tpu.memref_slice %arg9[%dma_wait3A_256, %dma_wait3A_257] : memref<16x80xi32, #tpu.memory_space<vmem>> -> memref<1x80xi32, #tpu.memory_space<vmem>>
      %dma_wait3A_259 = tpu.memref_squeeze %dma_wait3A_258 : memref<1x80xi32, #tpu.memory_space<vmem>> -> memref<80xi32, #tpu.memory_space<vmem>>
      %dma_wait3A_260 = arith.constant 0 : i32
      %dma_wait3A_261 = arith.constant 0 : i32
      %dma_wait3A_262 = tpu.memref_slice %arg14[%dma_wait3A_260, %dma_wait3A_261] : memref<10240x128xf32, #tpu.memory_space<vmem_shared>> -> memref<10240x128xf32, #tpu.memory_space<vmem_shared>>
      tpu.wait_indirect_dma semaphore(%arg19 : memref<!tpu.dma_semaphore, #tpu.memory_space<semaphore_mem>>) src(%arg10 : memref<80x128xf32, #tpu.memory_space<vmem>>) dst(%dma_wait3A_262 : memref<10240x128xf32, #tpu.memory_space<vmem_shared>>)
      %dma_start3A_263 = arith.constant 8 : i32
      %dma_start3A_264 = arith.constant 0 : i32
      %dma_start3A_265 = tpu.memref_slice %arg7[%dma_start3A_263, %dma_start3A_264] : memref<16x80xi32, #tpu.memory_space<vmem>> -> memref<1x80xi32, #tpu.memory_space<vmem>>
      %dma_start3A_266 = tpu.memref_squeeze %dma_start3A_265 : memref<1x80xi32, #tpu.memory_space<vmem>> -> memref<80xi32, #tpu.memory_space<vmem>>
      %dma_start3A_267 = arith.constant 0 : i32
      %dma_start3A_268 = arith.constant 0 : i32
      %dma_start3A_269 = tpu.memref_slice %arg2[%dma_start3A_267, %dma_start3A_268] : memref<80000x128xf32, #tpu.memory_space<hbm>> -> memref<80000x128xf32, #tpu.memory_space<hbm>>
      tpu.enqueue_indirect_dma source(%dma_start3A_269 : memref<80000x128xf32, #tpu.memory_space<hbm>>) target(%arg10 : memref<80x128xf32, #tpu.memory_space<vmem>>) offsets(%dma_start3A_266 : memref<80xi32, #tpu.memory_space<vmem>>) semaphore(%arg15 : memref<!tpu.dma_semaphore, #tpu.memory_space<semaphore_mem>>)
      %dma_wait3A_270 = arith.constant 0 : i32
      %dma_wait3A_271 = arith.constant 0 : i32
      %dma_wait3A_272 = tpu.memref_slice %arg9[%dma_wait3A_270, %dma_wait3A_271] : memref<16x80xi32, #tpu.memory_space<vmem>> -> memref<1x80xi32, #tpu.memory_space<vmem>>
      %dma_wait3A_273 = tpu.memref_squeeze %dma_wait3A_272 : memref<1x80xi32, #tpu.memory_space<vmem>> -> memref<80xi32, #tpu.memory_space<vmem>>
      %dma_wait3A_274 = arith.constant 0 : i32
      %dma_wait3A_275 = arith.constant 0 : i32
      %dma_wait3A_276 = tpu.memref_slice %arg14[%dma_wait3A_274, %dma_wait3A_275] : memref<10240x128xf32, #tpu.memory_space<vmem_shared>> -> memref<10240x128xf32, #tpu.memory_space<vmem_shared>>
      tpu.wait_indirect_dma semaphore(%arg20 : memref<!tpu.dma_semaphore, #tpu.memory_space<semaphore_mem>>) src(%arg11 : memref<80x128xf32, #tpu.memory_space<vmem>>) dst(%dma_wait3A_276 : memref<10240x128xf32, #tpu.memory_space<vmem_shared>>)
      %dma_start3A_277 = arith.constant 9 : i32
      %dma_start3A_278 = arith.constant 0 : i32
      %dma_start3A_279 = tpu.memref_slice %arg7[%dma_start3A_277, %dma_start3A_278] : memref<16x80xi32, #tpu.memory_space<vmem>> -> memref<1x80xi32, #tpu.memory_space<vmem>>
      %dma_start3A_280 = tpu.memref_squeeze %dma_start3A_279 : memref<1x80xi32, #tpu.memory_space<vmem>> -> memref<80xi32, #tpu.memory_space<vmem>>
      %dma_start3A_281 = arith.constant 0 : i32
      %dma_start3A_282 = arith.constant 0 : i32
      %dma_start3A_283 = tpu.memref_slice %arg2[%dma_start3A_281, %dma_start3A_282] : memref<80000x128xf32, #tpu.memory_space<hbm>> -> memref<80000x128xf32, #tpu.memory_space<hbm>>
      tpu.enqueue_indirect_dma source(%dma_start3A_283 : memref<80000x128xf32, #tpu.memory_space<hbm>>) target(%arg11 : memref<80x128xf32, #tpu.memory_space<vmem>>) offsets(%dma_start3A_280 : memref<80xi32, #tpu.memory_space<vmem>>) semaphore(%arg16 : memref<!tpu.dma_semaphore, #tpu.memory_space<semaphore_mem>>)
      %dma_wait3A_284 = arith.constant 0 : i32
      %dma_wait3A_285 = arith.constant 0 : i32
      %dma_wait3A_286 = tpu.memref_slice %arg9[%dma_wait3A_284, %dma_wait3A_285] : memref<16x80xi32, #tpu.memory_space<vmem>> -> memref<1x80xi32, #tpu.memory_space<vmem>>
      %dma_wait3A_287 = tpu.memref_squeeze %dma_wait3A_286 : memref<1x80xi32, #tpu.memory_space<vmem>> -> memref<80xi32, #tpu.memory_space<vmem>>
      %dma_wait3A_288 = arith.constant 0 : i32
      %dma_wait3A_289 = arith.constant 0 : i32
      %dma_wait3A_290 = tpu.memref_slice %arg14[%dma_wait3A_288, %dma_wait3A_289] : memref<10240x128xf32, #tpu.memory_space<vmem_shared>> -> memref<10240x128xf32, #tpu.memory_space<vmem_shared>>
      tpu.wait_indirect_dma semaphore(%arg21 : memref<!tpu.dma_semaphore, #tpu.memory_space<semaphore_mem>>) src(%arg12 : memref<80x128xf32, #tpu.memory_space<vmem>>) dst(%dma_wait3A_290 : memref<10240x128xf32, #tpu.memory_space<vmem_shared>>)
      %dma_start3A_291 = arith.constant 10 : i32
      %dma_start3A_292 = arith.constant 0 : i32
      %dma_start3A_293 = tpu.memref_slice %arg7[%dma_start3A_291, %dma_start3A_292] : memref<16x80xi32, #tpu.memory_space<vmem>> -> memref<1x80xi32, #tpu.memory_space<vmem>>
      %dma_start3A_294 = tpu.memref_squeeze %dma_start3A_293 : memref<1x80xi32, #tpu.memory_space<vmem>> -> memref<80xi32, #tpu.memory_space<vmem>>
      %dma_start3A_295 = arith.constant 0 : i32
      %dma_start3A_296 = arith.constant 0 : i32
      %dma_start3A_297 = tpu.memref_slice %arg2[%dma_start3A_295, %dma_start3A_296] : memref<80000x128xf32, #tpu.memory_space<hbm>> -> memref<80000x128xf32, #tpu.memory_space<hbm>>
      tpu.enqueue_indirect_dma source(%dma_start3A_297 : memref<80000x128xf32, #tpu.memory_space<hbm>>) target(%arg12 : memref<80x128xf32, #tpu.memory_space<vmem>>) offsets(%dma_start3A_294 : memref<80xi32, #tpu.memory_space<vmem>>) semaphore(%arg17 : memref<!tpu.dma_semaphore, #tpu.memory_space<semaphore_mem>>)
      %dma_wait3A_298 = arith.constant 0 : i32
      %dma_wait3A_299 = arith.constant 0 : i32
      %dma_wait3A_300 = tpu.memref_slice %arg9[%dma_wait3A_298, %dma_wait3A_299] : memref<16x80xi32, #tpu.memory_space<vmem>> -> memref<1x80xi32, #tpu.memory_space<vmem>>
      %dma_wait3A_301 = tpu.memref_squeeze %dma_wait3A_300 : memref<1x80xi32, #tpu.memory_space<vmem>> -> memref<80xi32, #tpu.memory_space<vmem>>
      %dma_wait3A_302 = arith.constant 0 : i32
      %dma_wait3A_303 = arith.constant 0 : i32
      %dma_wait3A_304 = tpu.memref_slice %arg14[%dma_wait3A_302, %dma_wait3A_303] : memref<10240x128xf32, #tpu.memory_space<vmem_shared>> -> memref<10240x128xf32, #tpu.memory_space<vmem_shared>>
      tpu.wait_indirect_dma semaphore(%arg22 : memref<!tpu.dma_semaphore, #tpu.memory_space<semaphore_mem>>) src(%arg13 : memref<80x128xf32, #tpu.memory_space<vmem>>) dst(%dma_wait3A_304 : memref<10240x128xf32, #tpu.memory_space<vmem_shared>>)
      %dma_start3A_305 = arith.constant 11 : i32
      %dma_start3A_306 = arith.constant 0 : i32
      %dma_start3A_307 = tpu.memref_slice %arg7[%dma_start3A_305, %dma_start3A_306] : memref<16x80xi32, #tpu.memory_space<vmem>> -> memref<1x80xi32, #tpu.memory_space<vmem>>
      %dma_start3A_308 = tpu.memref_squeeze %dma_start3A_307 : memref<1x80xi32, #tpu.memory_space<vmem>> -> memref<80xi32, #tpu.memory_space<vmem>>
      %dma_start3A_309 = arith.constant 0 : i32
      %dma_start3A_310 = arith.constant 0 : i32
      %dma_start3A_311 = tpu.memref_slice %arg2[%dma_start3A_309, %dma_start3A_310] : memref<80000x128xf32, #tpu.memory_space<hbm>> -> memref<80000x128xf32, #tpu.memory_space<hbm>>
      tpu.enqueue_indirect_dma source(%dma_start3A_311 : memref<80000x128xf32, #tpu.memory_space<hbm>>) target(%arg13 : memref<80x128xf32, #tpu.memory_space<vmem>>) offsets(%dma_start3A_308 : memref<80xi32, #tpu.memory_space<vmem>>) semaphore(%arg18 : memref<!tpu.dma_semaphore, #tpu.memory_space<semaphore_mem>>)
      %dma_wait3A_312 = arith.constant 0 : i32
      %dma_wait3A_313 = arith.constant 0 : i32
      %dma_wait3A_314 = tpu.memref_slice %arg7[%dma_wait3A_312, %dma_wait3A_313] : memref<16x80xi32, #tpu.memory_space<vmem>> -> memref<1x80xi32, #tpu.memory_space<vmem>>
      %dma_wait3A_315 = tpu.memref_squeeze %dma_wait3A_314 : memref<1x80xi32, #tpu.memory_space<vmem>> -> memref<80xi32, #tpu.memory_space<vmem>>
      %dma_wait3A_316 = arith.constant 0 : i32
      %dma_wait3A_317 = arith.constant 0 : i32
      %dma_wait3A_318 = tpu.memref_slice %arg2[%dma_wait3A_316, %dma_wait3A_317] : memref<80000x128xf32, #tpu.memory_space<hbm>> -> memref<80000x128xf32, #tpu.memory_space<hbm>>
      tpu.wait_indirect_dma semaphore(%arg15 : memref<!tpu.dma_semaphore, #tpu.memory_space<semaphore_mem>>) src(%dma_wait3A_318 : memref<80000x128xf32, #tpu.memory_space<hbm>>) dst(%arg10 : memref<80x128xf32, #tpu.memory_space<vmem>>)
      %dma_start3A_319 = arith.constant 8 : i32
      %dma_start3A_320 = arith.constant 0 : i32
      %dma_start3A_321 = tpu.memref_slice %arg9[%dma_start3A_319, %dma_start3A_320] : memref<16x80xi32, #tpu.memory_space<vmem>> -> memref<1x80xi32, #tpu.memory_space<vmem>>
      %dma_start3A_322 = tpu.memref_squeeze %dma_start3A_321 : memref<1x80xi32, #tpu.memory_space<vmem>> -> memref<80xi32, #tpu.memory_space<vmem>>
      %dma_start3A_323 = arith.constant 0 : i32
      %dma_start3A_324 = arith.constant 0 : i32
      %dma_start3A_325 = tpu.memref_slice %arg14[%dma_start3A_323, %dma_start3A_324] : memref<10240x128xf32, #tpu.memory_space<vmem_shared>> -> memref<10240x128xf32, #tpu.memory_space<vmem_shared>>
      tpu.enqueue_indirect_dma source(%arg10 : memref<80x128xf32, #tpu.memory_space<vmem>>) target(%dma_start3A_325 : memref<10240x128xf32, #tpu.memory_space<vmem_shared>>) offsets(%dma_start3A_322 : memref<80xi32, #tpu.memory_space<vmem>>) semaphore(%arg19 : memref<!tpu.dma_semaphore, #tpu.memory_space<semaphore_mem>>) {add = true}
      %dma_wait3A_326 = arith.constant 0 : i32
      %dma_wait3A_327 = arith.constant 0 : i32
      %dma_wait3A_328 = tpu.memref_slice %arg7[%dma_wait3A_326, %dma_wait3A_327] : memref<16x80xi32, #tpu.memory_space<vmem>> -> memref<1x80xi32, #tpu.memory_space<vmem>>
      %dma_wait3A_329 = tpu.memref_squeeze %dma_wait3A_328 : memref<1x80xi32, #tpu.memory_space<vmem>> -> memref<80xi32, #tpu.memory_space<vmem>>
      %dma_wait3A_330 = arith.constant 0 : i32
      %dma_wait3A_331 = arith.constant 0 : i32
      %dma_wait3A_332 = tpu.memref_slice %arg2[%dma_wait3A_330, %dma_wait3A_331] : memref<80000x128xf32, #tpu.memory_space<hbm>> -> memref<80000x128xf32, #tpu.memory_space<hbm>>
      tpu.wait_indirect_dma semaphore(%arg16 : memref<!tpu.dma_semaphore, #tpu.memory_space<semaphore_mem>>) src(%dma_wait3A_332 : memref<80000x128xf32, #tpu.memory_space<hbm>>) dst(%arg11 : memref<80x128xf32, #tpu.memory_space<vmem>>)
      %dma_start3A_333 = arith.constant 9 : i32
      %dma_start3A_334 = arith.constant 0 : i32
      %dma_start3A_335 = tpu.memref_slice %arg9[%dma_start3A_333, %dma_start3A_334] : memref<16x80xi32, #tpu.memory_space<vmem>> -> memref<1x80xi32, #tpu.memory_space<vmem>>
      %dma_start3A_336 = tpu.memref_squeeze %dma_start3A_335 : memref<1x80xi32, #tpu.memory_space<vmem>> -> memref<80xi32, #tpu.memory_space<vmem>>
      %dma_start3A_337 = arith.constant 0 : i32
      %dma_start3A_338 = arith.constant 0 : i32
      %dma_start3A_339 = tpu.memref_slice %arg14[%dma_start3A_337, %dma_start3A_338] : memref<10240x128xf32, #tpu.memory_space<vmem_shared>> -> memref<10240x128xf32, #tpu.memory_space<vmem_shared>>
      tpu.enqueue_indirect_dma source(%arg11 : memref<80x128xf32, #tpu.memory_space<vmem>>) target(%dma_start3A_339 : memref<10240x128xf32, #tpu.memory_space<vmem_shared>>) offsets(%dma_start3A_336 : memref<80xi32, #tpu.memory_space<vmem>>) semaphore(%arg20 : memref<!tpu.dma_semaphore, #tpu.memory_space<semaphore_mem>>) {add = true}
      %dma_wait3A_340 = arith.constant 0 : i32
      %dma_wait3A_341 = arith.constant 0 : i32
      %dma_wait3A_342 = tpu.memref_slice %arg7[%dma_wait3A_340, %dma_wait3A_341] : memref<16x80xi32, #tpu.memory_space<vmem>> -> memref<1x80xi32, #tpu.memory_space<vmem>>
      %dma_wait3A_343 = tpu.memref_squeeze %dma_wait3A_342 : memref<1x80xi32, #tpu.memory_space<vmem>> -> memref<80xi32, #tpu.memory_space<vmem>>
      %dma_wait3A_344 = arith.constant 0 : i32
      %dma_wait3A_345 = arith.constant 0 : i32
      %dma_wait3A_346 = tpu.memref_slice %arg2[%dma_wait3A_344, %dma_wait3A_345] : memref<80000x128xf32, #tpu.memory_space<hbm>> -> memref<80000x128xf32, #tpu.memory_space<hbm>>
      tpu.wait_indirect_dma semaphore(%arg17 : memref<!tpu.dma_semaphore, #tpu.memory_space<semaphore_mem>>) src(%dma_wait3A_346 : memref<80000x128xf32, #tpu.memory_space<hbm>>) dst(%arg12 : memref<80x128xf32, #tpu.memory_space<vmem>>)
      %dma_start3A_347 = arith.constant 10 : i32
      %dma_start3A_348 = arith.constant 0 : i32
      %dma_start3A_349 = tpu.memref_slice %arg9[%dma_start3A_347, %dma_start3A_348] : memref<16x80xi32, #tpu.memory_space<vmem>> -> memref<1x80xi32, #tpu.memory_space<vmem>>
      %dma_start3A_350 = tpu.memref_squeeze %dma_start3A_349 : memref<1x80xi32, #tpu.memory_space<vmem>> -> memref<80xi32, #tpu.memory_space<vmem>>
      %dma_start3A_351 = arith.constant 0 : i32
      %dma_start3A_352 = arith.constant 0 : i32
      %dma_start3A_353 = tpu.memref_slice %arg14[%dma_start3A_351, %dma_start3A_352] : memref<10240x128xf32, #tpu.memory_space<vmem_shared>> -> memref<10240x128xf32, #tpu.memory_space<vmem_shared>>
      tpu.enqueue_indirect_dma source(%arg12 : memref<80x128xf32, #tpu.memory_space<vmem>>) target(%dma_start3A_353 : memref<10240x128xf32, #tpu.memory_space<vmem_shared>>) offsets(%dma_start3A_350 : memref<80xi32, #tpu.memory_space<vmem>>) semaphore(%arg21 : memref<!tpu.dma_semaphore, #tpu.memory_space<semaphore_mem>>) {add = true}
      %dma_wait3A_354 = arith.constant 0 : i32
      %dma_wait3A_355 = arith.constant 0 : i32
      %dma_wait3A_356 = tpu.memref_slice %arg7[%dma_wait3A_354, %dma_wait3A_355] : memref<16x80xi32, #tpu.memory_space<vmem>> -> memref<1x80xi32, #tpu.memory_space<vmem>>
      %dma_wait3A_357 = tpu.memref_squeeze %dma_wait3A_356 : memref<1x80xi32, #tpu.memory_space<vmem>> -> memref<80xi32, #tpu.memory_space<vmem>>
      %dma_wait3A_358 = arith.constant 0 : i32
      %dma_wait3A_359 = arith.constant 0 : i32
      %dma_wait3A_360 = tpu.memref_slice %arg2[%dma_wait3A_358, %dma_wait3A_359] : memref<80000x128xf32, #tpu.memory_space<hbm>> -> memref<80000x128xf32, #tpu.memory_space<hbm>>
      tpu.wait_indirect_dma semaphore(%arg18 : memref<!tpu.dma_semaphore, #tpu.memory_space<semaphore_mem>>) src(%dma_wait3A_360 : memref<80000x128xf32, #tpu.memory_space<hbm>>) dst(%arg13 : memref<80x128xf32, #tpu.memory_space<vmem>>)
      %dma_start3A_361 = arith.constant 11 : i32
      %dma_start3A_362 = arith.constant 0 : i32
      %dma_start3A_363 = tpu.memref_slice %arg9[%dma_start3A_361, %dma_start3A_362] : memref<16x80xi32, #tpu.memory_space<vmem>> -> memref<1x80xi32, #tpu.memory_space<vmem>>
      %dma_start3A_364 = tpu.memref_squeeze %dma_start3A_363 : memref<1x80xi32, #tpu.memory_space<vmem>> -> memref<80xi32, #tpu.memory_space<vmem>>
      %dma_start3A_365 = arith.constant 0 : i32
      %dma_start3A_366 = arith.constant 0 : i32
      %dma_start3A_367 = tpu.memref_slice %arg14[%dma_start3A_365, %dma_start3A_366] : memref<10240x128xf32, #tpu.memory_space<vmem_shared>> -> memref<10240x128xf32, #tpu.memory_space<vmem_shared>>
      tpu.enqueue_indirect_dma source(%arg13 : memref<80x128xf32, #tpu.memory_space<vmem>>) target(%dma_start3A_367 : memref<10240x128xf32, #tpu.memory_space<vmem_shared>>) offsets(%dma_start3A_364 : memref<80xi32, #tpu.memory_space<vmem>>) semaphore(%arg22 : memref<!tpu.dma_semaphore, #tpu.memory_space<semaphore_mem>>) {add = true}
      %dma_wait3A_368 = arith.constant 0 : i32
      %dma_wait3A_369 = arith.constant 0 : i32
      %dma_wait3A_370 = tpu.memref_slice %arg9[%dma_wait3A_368, %dma_wait3A_369] : memref<16x80xi32, #tpu.memory_space<vmem>> -> memref<1x80xi32, #tpu.memory_space<vmem>>
      %dma_wait3A_371 = tpu.memref_squeeze %dma_wait3A_370 : memref<1x80xi32, #tpu.memory_space<vmem>> -> memref<80xi32, #tpu.memory_space<vmem>>
      %dma_wait3A_372 = arith.constant 0 : i32
      %dma_wait3A_373 = arith.constant 0 : i32
      %dma_wait3A_374 = tpu.memref_slice %arg14[%dma_wait3A_372, %dma_wait3A_373] : memref<10240x128xf32, #tpu.memory_space<vmem_shared>> -> memref<10240x128xf32, #tpu.memory_space<vmem_shared>>
      tpu.wait_indirect_dma semaphore(%arg19 : memref<!tpu.dma_semaphore, #tpu.memory_space<semaphore_mem>>) src(%arg10 : memref<80x128xf32, #tpu.memory_space<vmem>>) dst(%dma_wait3A_374 : memref<10240x128xf32, #tpu.memory_space<vmem_shared>>)
      %dma_start3A_375 = arith.constant 12 : i32
      %dma_start3A_376 = arith.constant 0 : i32
      %dma_start3A_377 = tpu.memref_slice %arg7[%dma_start3A_375, %dma_start3A_376] : memref<16x80xi32, #tpu.memory_space<vmem>> -> memref<1x80xi32, #tpu.memory_space<vmem>>
      %dma_start3A_378 = tpu.memref_squeeze %dma_start3A_377 : memref<1x80xi32, #tpu.memory_space<vmem>> -> memref<80xi32, #tpu.memory_space<vmem>>
      %dma_start3A_379 = arith.constant 0 : i32
      %dma_start3A_380 = arith.constant 0 : i32
      %dma_start3A_381 = tpu.memref_slice %arg2[%dma_start3A_379, %dma_start3A_380] : memref<80000x128xf32, #tpu.memory_space<hbm>> -> memref<80000x128xf32, #tpu.memory_space<hbm>>
      tpu.enqueue_indirect_dma source(%dma_start3A_381 : memref<80000x128xf32, #tpu.memory_space<hbm>>) target(%arg10 : memref<80x128xf32, #tpu.memory_space<vmem>>) offsets(%dma_start3A_378 : memref<80xi32, #tpu.memory_space<vmem>>) semaphore(%arg15 : memref<!tpu.dma_semaphore, #tpu.memory_space<semaphore_mem>>)
      %dma_wait3A_382 = arith.constant 0 : i32
      %dma_wait3A_383 = arith.constant 0 : i32
      %dma_wait3A_384 = tpu.memref_slice %arg9[%dma_wait3A_382, %dma_wait3A_383] : memref<16x80xi32, #tpu.memory_space<vmem>> -> memref<1x80xi32, #tpu.memory_space<vmem>>
      %dma_wait3A_385 = tpu.memref_squeeze %dma_wait3A_384 : memref<1x80xi32, #tpu.memory_space<vmem>> -> memref<80xi32, #tpu.memory_space<vmem>>
      %dma_wait3A_386 = arith.constant 0 : i32
      %dma_wait3A_387 = arith.constant 0 : i32
      %dma_wait3A_388 = tpu.memref_slice %arg14[%dma_wait3A_386, %dma_wait3A_387] : memref<10240x128xf32, #tpu.memory_space<vmem_shared>> -> memref<10240x128xf32, #tpu.memory_space<vmem_shared>>
      tpu.wait_indirect_dma semaphore(%arg20 : memref<!tpu.dma_semaphore, #tpu.memory_space<semaphore_mem>>) src(%arg11 : memref<80x128xf32, #tpu.memory_space<vmem>>) dst(%dma_wait3A_388 : memref<10240x128xf32, #tpu.memory_space<vmem_shared>>)
      %dma_start3A_389 = arith.constant 13 : i32
      %dma_start3A_390 = arith.constant 0 : i32
      %dma_start3A_391 = tpu.memref_slice %arg7[%dma_start3A_389, %dma_start3A_390] : memref<16x80xi32, #tpu.memory_space<vmem>> -> memref<1x80xi32, #tpu.memory_space<vmem>>
      %dma_start3A_392 = tpu.memref_squeeze %dma_start3A_391 : memref<1x80xi32, #tpu.memory_space<vmem>> -> memref<80xi32, #tpu.memory_space<vmem>>
      %dma_start3A_393 = arith.constant 0 : i32
      %dma_start3A_394 = arith.constant 0 : i32
      %dma_start3A_395 = tpu.memref_slice %arg2[%dma_start3A_393, %dma_start3A_394] : memref<80000x128xf32, #tpu.memory_space<hbm>> -> memref<80000x128xf32, #tpu.memory_space<hbm>>
      tpu.enqueue_indirect_dma source(%dma_start3A_395 : memref<80000x128xf32, #tpu.memory_space<hbm>>) target(%arg11 : memref<80x128xf32, #tpu.memory_space<vmem>>) offsets(%dma_start3A_392 : memref<80xi32, #tpu.memory_space<vmem>>) semaphore(%arg16 : memref<!tpu.dma_semaphore, #tpu.memory_space<semaphore_mem>>)
      %dma_wait3A_396 = arith.constant 0 : i32
      %dma_wait3A_397 = arith.constant 0 : i32
      %dma_wait3A_398 = tpu.memref_slice %arg9[%dma_wait3A_396, %dma_wait3A_397] : memref<16x80xi32, #tpu.memory_space<vmem>> -> memref<1x80xi32, #tpu.memory_space<vmem>>
      %dma_wait3A_399 = tpu.memref_squeeze %dma_wait3A_398 : memref<1x80xi32, #tpu.memory_space<vmem>> -> memref<80xi32, #tpu.memory_space<vmem>>
      %dma_wait3A_400 = arith.constant 0 : i32
      %dma_wait3A_401 = arith.constant 0 : i32
      %dma_wait3A_402 = tpu.memref_slice %arg14[%dma_wait3A_400, %dma_wait3A_401] : memref<10240x128xf32, #tpu.memory_space<vmem_shared>> -> memref<10240x128xf32, #tpu.memory_space<vmem_shared>>
      tpu.wait_indirect_dma semaphore(%arg21 : memref<!tpu.dma_semaphore, #tpu.memory_space<semaphore_mem>>) src(%arg12 : memref<80x128xf32, #tpu.memory_space<vmem>>) dst(%dma_wait3A_402 : memref<10240x128xf32, #tpu.memory_space<vmem_shared>>)
      %dma_start3A_403 = arith.constant 14 : i32
      %dma_start3A_404 = arith.constant 0 : i32
      %dma_start3A_405 = tpu.memref_slice %arg7[%dma_start3A_403, %dma_start3A_404] : memref<16x80xi32, #tpu.memory_space<vmem>> -> memref<1x80xi32, #tpu.memory_space<vmem>>
      %dma_start3A_406 = tpu.memref_squeeze %dma_start3A_405 : memref<1x80xi32, #tpu.memory_space<vmem>> -> memref<80xi32, #tpu.memory_space<vmem>>
      %dma_start3A_407 = arith.constant 0 : i32
      %dma_start3A_408 = arith.constant 0 : i32
      %dma_start3A_409 = tpu.memref_slice %arg2[%dma_start3A_407, %dma_start3A_408] : memref<80000x128xf32, #tpu.memory_space<hbm>> -> memref<80000x128xf32, #tpu.memory_space<hbm>>
      tpu.enqueue_indirect_dma source(%dma_start3A_409 : memref<80000x128xf32, #tpu.memory_space<hbm>>) target(%arg12 : memref<80x128xf32, #tpu.memory_space<vmem>>) offsets(%dma_start3A_406 : memref<80xi32, #tpu.memory_space<vmem>>) semaphore(%arg17 : memref<!tpu.dma_semaphore, #tpu.memory_space<semaphore_mem>>)
      %dma_wait3A_410 = arith.constant 0 : i32
      %dma_wait3A_411 = arith.constant 0 : i32
      %dma_wait3A_412 = tpu.memref_slice %arg9[%dma_wait3A_410, %dma_wait3A_411] : memref<16x80xi32, #tpu.memory_space<vmem>> -> memref<1x80xi32, #tpu.memory_space<vmem>>
      %dma_wait3A_413 = tpu.memref_squeeze %dma_wait3A_412 : memref<1x80xi32, #tpu.memory_space<vmem>> -> memref<80xi32, #tpu.memory_space<vmem>>
      %dma_wait3A_414 = arith.constant 0 : i32
      %dma_wait3A_415 = arith.constant 0 : i32
      %dma_wait3A_416 = tpu.memref_slice %arg14[%dma_wait3A_414, %dma_wait3A_415] : memref<10240x128xf32, #tpu.memory_space<vmem_shared>> -> memref<10240x128xf32, #tpu.memory_space<vmem_shared>>
      tpu.wait_indirect_dma semaphore(%arg22 : memref<!tpu.dma_semaphore, #tpu.memory_space<semaphore_mem>>) src(%arg13 : memref<80x128xf32, #tpu.memory_space<vmem>>) dst(%dma_wait3A_416 : memref<10240x128xf32, #tpu.memory_space<vmem_shared>>)
      %dma_start3A_417 = arith.constant 15 : i32
      %dma_start3A_418 = arith.constant 0 : i32
      %dma_start3A_419 = tpu.memref_slice %arg7[%dma_start3A_417, %dma_start3A_418] : memref<16x80xi32, #tpu.memory_space<vmem>> -> memref<1x80xi32, #tpu.memory_space<vmem>>
      %dma_start3A_420 = tpu.memref_squeeze %dma_start3A_419 : memref<1x80xi32, #tpu.memory_space<vmem>> -> memref<80xi32, #tpu.memory_space<vmem>>
      %dma_start3A_421 = arith.constant 0 : i32
      %dma_start3A_422 = arith.constant 0 : i32
      %dma_start3A_423 = tpu.memref_slice %arg2[%dma_start3A_421, %dma_start3A_422] : memref<80000x128xf32, #tpu.memory_space<hbm>> -> memref<80000x128xf32, #tpu.memory_space<hbm>>
      tpu.enqueue_indirect_dma source(%dma_start3A_423 : memref<80000x128xf32, #tpu.memory_space<hbm>>) target(%arg13 : memref<80x128xf32, #tpu.memory_space<vmem>>) offsets(%dma_start3A_420 : memref<80xi32, #tpu.memory_space<vmem>>) semaphore(%arg18 : memref<!tpu.dma_semaphore, #tpu.memory_space<semaphore_mem>>)
      %dma_wait3A_424 = arith.constant 0 : i32
      %dma_wait3A_425 = arith.constant 0 : i32
      %dma_wait3A_426 = tpu.memref_slice %arg7[%dma_wait3A_424, %dma_wait3A_425] : memref<16x80xi32, #tpu.memory_space<vmem>> -> memref<1x80xi32, #tpu.memory_space<vmem>>
      %dma_wait3A_427 = tpu.memref_squeeze %dma_wait3A_426 : memref<1x80xi32, #tpu.memory_space<vmem>> -> memref<80xi32, #tpu.memory_space<vmem>>
      %dma_wait3A_428 = arith.constant 0 : i32
      %dma_wait3A_429 = arith.constant 0 : i32
      %dma_wait3A_430 = tpu.memref_slice %arg2[%dma_wait3A_428, %dma_wait3A_429] : memref<80000x128xf32, #tpu.memory_space<hbm>> -> memref<80000x128xf32, #tpu.memory_space<hbm>>
      tpu.wait_indirect_dma semaphore(%arg15 : memref<!tpu.dma_semaphore, #tpu.memory_space<semaphore_mem>>) src(%dma_wait3A_430 : memref<80000x128xf32, #tpu.memory_space<hbm>>) dst(%arg10 : memref<80x128xf32, #tpu.memory_space<vmem>>)
      %dma_start3A_431 = arith.constant 12 : i32
      %dma_start3A_432 = arith.constant 0 : i32
      %dma_start3A_433 = tpu.memref_slice %arg9[%dma_start3A_431, %dma_start3A_432] : memref<16x80xi32, #tpu.memory_space<vmem>> -> memref<1x80xi32, #tpu.memory_space<vmem>>
      %dma_start3A_434 = tpu.memref_squeeze %dma_start3A_433 : memref<1x80xi32, #tpu.memory_space<vmem>> -> memref<80xi32, #tpu.memory_space<vmem>>
      %dma_start3A_435 = arith.constant 0 : i32
      %dma_start3A_436 = arith.constant 0 : i32
      %dma_start3A_437 = tpu.memref_slice %arg14[%dma_start3A_435, %dma_start3A_436] : memref<10240x128xf32, #tpu.memory_space<vmem_shared>> -> memref<10240x128xf32, #tpu.memory_space<vmem_shared>>
      tpu.enqueue_indirect_dma source(%arg10 : memref<80x128xf32, #tpu.memory_space<vmem>>) target(%dma_start3A_437 : memref<10240x128xf32, #tpu.memory_space<vmem_shared>>) offsets(%dma_start3A_434 : memref<80xi32, #tpu.memory_space<vmem>>) semaphore(%arg19 : memref<!tpu.dma_semaphore, #tpu.memory_space<semaphore_mem>>) {add = true}
      %dma_wait3A_438 = arith.constant 0 : i32
      %dma_wait3A_439 = arith.constant 0 : i32
      %dma_wait3A_440 = tpu.memref_slice %arg7[%dma_wait3A_438, %dma_wait3A_439] : memref<16x80xi32, #tpu.memory_space<vmem>> -> memref<1x80xi32, #tpu.memory_space<vmem>>
      %dma_wait3A_441 = tpu.memref_squeeze %dma_wait3A_440 : memref<1x80xi32, #tpu.memory_space<vmem>> -> memref<80xi32, #tpu.memory_space<vmem>>
      %dma_wait3A_442 = arith.constant 0 : i32
      %dma_wait3A_443 = arith.constant 0 : i32
      %dma_wait3A_444 = tpu.memref_slice %arg2[%dma_wait3A_442, %dma_wait3A_443] : memref<80000x128xf32, #tpu.memory_space<hbm>> -> memref<80000x128xf32, #tpu.memory_space<hbm>>
      tpu.wait_indirect_dma semaphore(%arg16 : memref<!tpu.dma_semaphore, #tpu.memory_space<semaphore_mem>>) src(%dma_wait3A_444 : memref<80000x128xf32, #tpu.memory_space<hbm>>) dst(%arg11 : memref<80x128xf32, #tpu.memory_space<vmem>>)
      %dma_start3A_445 = arith.constant 13 : i32
      %dma_start3A_446 = arith.constant 0 : i32
      %dma_start3A_447 = tpu.memref_slice %arg9[%dma_start3A_445, %dma_start3A_446] : memref<16x80xi32, #tpu.memory_space<vmem>> -> memref<1x80xi32, #tpu.memory_space<vmem>>
      %dma_start3A_448 = tpu.memref_squeeze %dma_start3A_447 : memref<1x80xi32, #tpu.memory_space<vmem>> -> memref<80xi32, #tpu.memory_space<vmem>>
      %dma_start3A_449 = arith.constant 0 : i32
      %dma_start3A_450 = arith.constant 0 : i32
      %dma_start3A_451 = tpu.memref_slice %arg14[%dma_start3A_449, %dma_start3A_450] : memref<10240x128xf32, #tpu.memory_space<vmem_shared>> -> memref<10240x128xf32, #tpu.memory_space<vmem_shared>>
      tpu.enqueue_indirect_dma source(%arg11 : memref<80x128xf32, #tpu.memory_space<vmem>>) target(%dma_start3A_451 : memref<10240x128xf32, #tpu.memory_space<vmem_shared>>) offsets(%dma_start3A_448 : memref<80xi32, #tpu.memory_space<vmem>>) semaphore(%arg20 : memref<!tpu.dma_semaphore, #tpu.memory_space<semaphore_mem>>) {add = true}
      %dma_wait3A_452 = arith.constant 0 : i32
      %dma_wait3A_453 = arith.constant 0 : i32
      %dma_wait3A_454 = tpu.memref_slice %arg7[%dma_wait3A_452, %dma_wait3A_453] : memref<16x80xi32, #tpu.memory_space<vmem>> -> memref<1x80xi32, #tpu.memory_space<vmem>>
      %dma_wait3A_455 = tpu.memref_squeeze %dma_wait3A_454 : memref<1x80xi32, #tpu.memory_space<vmem>> -> memref<80xi32, #tpu.memory_space<vmem>>
      %dma_wait3A_456 = arith.constant 0 : i32
      %dma_wait3A_457 = arith.constant 0 : i32
      %dma_wait3A_458 = tpu.memref_slice %arg2[%dma_wait3A_456, %dma_wait3A_457] : memref<80000x128xf32, #tpu.memory_space<hbm>> -> memref<80000x128xf32, #tpu.memory_space<hbm>>
      tpu.wait_indirect_dma semaphore(%arg17 : memref<!tpu.dma_semaphore, #tpu.memory_space<semaphore_mem>>) src(%dma_wait3A_458 : memref<80000x128xf32, #tpu.memory_space<hbm>>) dst(%arg12 : memref<80x128xf32, #tpu.memory_space<vmem>>)
      %dma_start3A_459 = arith.constant 14 : i32
      %dma_start3A_460 = arith.constant 0 : i32
      %dma_start3A_461 = tpu.memref_slice %arg9[%dma_start3A_459, %dma_start3A_460] : memref<16x80xi32, #tpu.memory_space<vmem>> -> memref<1x80xi32, #tpu.memory_space<vmem>>
      %dma_start3A_462 = tpu.memref_squeeze %dma_start3A_461 : memref<1x80xi32, #tpu.memory_space<vmem>> -> memref<80xi32, #tpu.memory_space<vmem>>
      %dma_start3A_463 = arith.constant 0 : i32
      %dma_start3A_464 = arith.constant 0 : i32
      %dma_start3A_465 = tpu.memref_slice %arg14[%dma_start3A_463, %dma_start3A_464] : memref<10240x128xf32, #tpu.memory_space<vmem_shared>> -> memref<10240x128xf32, #tpu.memory_space<vmem_shared>>
      tpu.enqueue_indirect_dma source(%arg12 : memref<80x128xf32, #tpu.memory_space<vmem>>) target(%dma_start3A_465 : memref<10240x128xf32, #tpu.memory_space<vmem_shared>>) offsets(%dma_start3A_462 : memref<80xi32, #tpu.memory_space<vmem>>) semaphore(%arg21 : memref<!tpu.dma_semaphore, #tpu.memory_space<semaphore_mem>>) {add = true}
      %dma_wait3A_466 = arith.constant 0 : i32
      %dma_wait3A_467 = arith.constant 0 : i32
      %dma_wait3A_468 = tpu.memref_slice %arg7[%dma_wait3A_466, %dma_wait3A_467] : memref<16x80xi32, #tpu.memory_space<vmem>> -> memref<1x80xi32, #tpu.memory_space<vmem>>
      %dma_wait3A_469 = tpu.memref_squeeze %dma_wait3A_468 : memref<1x80xi32, #tpu.memory_space<vmem>> -> memref<80xi32, #tpu.memory_space<vmem>>
      %dma_wait3A_470 = arith.constant 0 : i32
      %dma_wait3A_471 = arith.constant 0 : i32
      %dma_wait3A_472 = tpu.memref_slice %arg2[%dma_wait3A_470, %dma_wait3A_471] : memref<80000x128xf32, #tpu.memory_space<hbm>> -> memref<80000x128xf32, #tpu.memory_space<hbm>>
      tpu.wait_indirect_dma semaphore(%arg18 : memref<!tpu.dma_semaphore, #tpu.memory_space<semaphore_mem>>) src(%dma_wait3A_472 : memref<80000x128xf32, #tpu.memory_space<hbm>>) dst(%arg13 : memref<80x128xf32, #tpu.memory_space<vmem>>)
      %dma_start3A_473 = arith.constant 15 : i32
      %dma_start3A_474 = arith.constant 0 : i32
      %dma_start3A_475 = tpu.memref_slice %arg9[%dma_start3A_473, %dma_start3A_474] : memref<16x80xi32, #tpu.memory_space<vmem>> -> memref<1x80xi32, #tpu.memory_space<vmem>>
      %dma_start3A_476 = tpu.memref_squeeze %dma_start3A_475 : memref<1x80xi32, #tpu.memory_space<vmem>> -> memref<80xi32, #tpu.memory_space<vmem>>
      %dma_start3A_477 = arith.constant 0 : i32
      %dma_start3A_478 = arith.constant 0 : i32
      %dma_start3A_479 = tpu.memref_slice %arg14[%dma_start3A_477, %dma_start3A_478] : memref<10240x128xf32, #tpu.memory_space<vmem_shared>> -> memref<10240x128xf32, #tpu.memory_space<vmem_shared>>
      tpu.enqueue_indirect_dma source(%arg13 : memref<80x128xf32, #tpu.memory_space<vmem>>) target(%dma_start3A_479 : memref<10240x128xf32, #tpu.memory_space<vmem_shared>>) offsets(%dma_start3A_476 : memref<80xi32, #tpu.memory_space<vmem>>) semaphore(%arg22 : memref<!tpu.dma_semaphore, #tpu.memory_space<semaphore_mem>>) {add = true}
      %dma_wait3A_480 = arith.constant 0 : i32
      %dma_wait3A_481 = arith.constant 0 : i32
      %dma_wait3A_482 = tpu.memref_slice %arg9[%dma_wait3A_480, %dma_wait3A_481] : memref<16x80xi32, #tpu.memory_space<vmem>> -> memref<1x80xi32, #tpu.memory_space<vmem>>
      %dma_wait3A_483 = tpu.memref_squeeze %dma_wait3A_482 : memref<1x80xi32, #tpu.memory_space<vmem>> -> memref<80xi32, #tpu.memory_space<vmem>>
      %dma_wait3A_484 = arith.constant 0 : i32
      %dma_wait3A_485 = arith.constant 0 : i32
      %dma_wait3A_486 = tpu.memref_slice %arg14[%dma_wait3A_484, %dma_wait3A_485] : memref<10240x128xf32, #tpu.memory_space<vmem_shared>> -> memref<10240x128xf32, #tpu.memory_space<vmem_shared>>
      tpu.wait_indirect_dma semaphore(%arg19 : memref<!tpu.dma_semaphore, #tpu.memory_space<semaphore_mem>>) src(%arg10 : memref<80x128xf32, #tpu.memory_space<vmem>>) dst(%dma_wait3A_486 : memref<10240x128xf32, #tpu.memory_space<vmem_shared>>)
      %dma_wait3A_487 = arith.constant 0 : i32
      %dma_wait3A_488 = arith.constant 0 : i32
      %dma_wait3A_489 = tpu.memref_slice %arg9[%dma_wait3A_487, %dma_wait3A_488] : memref<16x80xi32, #tpu.memory_space<vmem>> -> memref<1x80xi32, #tpu.memory_space<vmem>>
      %dma_wait3A_490 = tpu.memref_squeeze %dma_wait3A_489 : memref<1x80xi32, #tpu.memory_space<vmem>> -> memref<80xi32, #tpu.memory_space<vmem>>
      %dma_wait3A_491 = arith.constant 0 : i32
      %dma_wait3A_492 = arith.constant 0 : i32
      %dma_wait3A_493 = tpu.memref_slice %arg14[%dma_wait3A_491, %dma_wait3A_492] : memref<10240x128xf32, #tpu.memory_space<vmem_shared>> -> memref<10240x128xf32, #tpu.memory_space<vmem_shared>>
      tpu.wait_indirect_dma semaphore(%arg20 : memref<!tpu.dma_semaphore, #tpu.memory_space<semaphore_mem>>) src(%arg11 : memref<80x128xf32, #tpu.memory_space<vmem>>) dst(%dma_wait3A_493 : memref<10240x128xf32, #tpu.memory_space<vmem_shared>>)
      %dma_wait3A_494 = arith.constant 0 : i32
      %dma_wait3A_495 = arith.constant 0 : i32
      %dma_wait3A_496 = tpu.memref_slice %arg9[%dma_wait3A_494, %dma_wait3A_495] : memref<16x80xi32, #tpu.memory_space<vmem>> -> memref<1x80xi32, #tpu.memory_space<vmem>>
      %dma_wait3A_497 = tpu.memref_squeeze %dma_wait3A_496 : memref<1x80xi32, #tpu.memory_space<vmem>> -> memref<80xi32, #tpu.memory_space<vmem>>
      %dma_wait3A_498 = arith.constant 0 : i32
      %dma_wait3A_499 = arith.constant 0 : i32
      %dma_wait3A_500 = tpu.memref_slice %arg14[%dma_wait3A_498, %dma_wait3A_499] : memref<10240x128xf32, #tpu.memory_space<vmem_shared>> -> memref<10240x128xf32, #tpu.memory_space<vmem_shared>>
      tpu.wait_indirect_dma semaphore(%arg21 : memref<!tpu.dma_semaphore, #tpu.memory_space<semaphore_mem>>) src(%arg12 : memref<80x128xf32, #tpu.memory_space<vmem>>) dst(%dma_wait3A_500 : memref<10240x128xf32, #tpu.memory_space<vmem_shared>>)
      %dma_wait3A_501 = arith.constant 0 : i32
      %dma_wait3A_502 = arith.constant 0 : i32
      %dma_wait3A_503 = tpu.memref_slice %arg9[%dma_wait3A_501, %dma_wait3A_502] : memref<16x80xi32, #tpu.memory_space<vmem>> -> memref<1x80xi32, #tpu.memory_space<vmem>>
      %dma_wait3A_504 = tpu.memref_squeeze %dma_wait3A_503 : memref<1x80xi32, #tpu.memory_space<vmem>> -> memref<80xi32, #tpu.memory_space<vmem>>
      %dma_wait3A_505 = arith.constant 0 : i32
      %dma_wait3A_506 = arith.constant 0 : i32
      %dma_wait3A_507 = tpu.memref_slice %arg14[%dma_wait3A_505, %dma_wait3A_506] : memref<10240x128xf32, #tpu.memory_space<vmem_shared>> -> memref<10240x128xf32, #tpu.memory_space<vmem_shared>>
      tpu.wait_indirect_dma semaphore(%arg22 : memref<!tpu.dma_semaphore, #tpu.memory_space<semaphore_mem>>) src(%arg13 : memref<80x128xf32, #tpu.memory_space<vmem>>) dst(%dma_wait3A_507 : memref<10240x128xf32, #tpu.memory_space<vmem_shared>>)
      "tpu.trace_stop"() : () -> ()
    }
    %scan3A_45 = arith.constant 8 : i32
    %barrier3A_46 = arith.constant 0 : index
    tpu.barrier barrier_id(%barrier3A_46)
    %mul3A_47 = arith.constant 640 : i32
    %mul3A_48 = arith.muli %arg1, %mul3A_47 : i32
    "tpu.region"() ({
      %run_scoped3A = tpu.sem_alloc : memref<!tpu.dma_semaphore, #tpu.memory_space<semaphore_mem>>
      %dma_start3A = arith.constant 0 : i32
      %dma_start3A_49 = tpu.memref_slice %arg6[%arg0, %mul3A_48, %dma_start3A] : memref<2x10240x128xf32, #tpu.memory_space<hbm>> -> memref<1x640x128xf32, #tpu.memory_space<hbm>>
      %dma_start3A_50 = tpu.memref_squeeze %dma_start3A_49 : memref<1x640x128xf32, #tpu.memory_space<hbm>> -> memref<640x128xf32, #tpu.memory_space<hbm>>
      %dma_start3A_51 = arith.constant 0 : i32
      %dma_start3A_52 = tpu.memref_slice %arg14[%mul3A_48, %dma_start3A_51] : memref<10240x128xf32, #tpu.memory_space<vmem_shared>> -> memref<640x128xf32, #tpu.memory_space<vmem_shared>>
      tpu.enqueue_dma source(%dma_start3A_52 : memref<640x128xf32, #tpu.memory_space<vmem_shared>>) target(%dma_start3A_50 : memref<640x128xf32, #tpu.memory_space<hbm>>) target_semaphore(%run_scoped3A : memref<!tpu.dma_semaphore, #tpu.memory_space<semaphore_mem>>)
      %dma_wait3A = arith.constant 0 : i32
      %dma_wait3A_53 = tpu.memref_slice %arg6[%arg0, %mul3A_48, %dma_wait3A] : memref<2x10240x128xf32, #tpu.memory_space<hbm>> -> memref<1x640x128xf32, #tpu.memory_space<hbm>>
      %dma_wait3A_54 = tpu.memref_squeeze %dma_wait3A_53 : memref<1x640x128xf32, #tpu.memory_space<hbm>> -> memref<640x128xf32, #tpu.memory_space<hbm>>
      %dma_wait3A_55 = arith.constant 0 : i32
      %dma_wait3A_56 = tpu.memref_slice %arg14[%mul3A_48, %dma_wait3A_55] : memref<10240x128xf32, #tpu.memory_space<vmem_shared>> -> memref<640x128xf32, #tpu.memory_space<vmem_shared>>
      tpu.wait_dma2 semaphore(%run_scoped3A : memref<!tpu.dma_semaphore, #tpu.memory_space<semaphore_mem>>) src(%dma_wait3A_56 : memref<640x128xf32, #tpu.memory_space<vmem_shared>>) dst(%dma_wait3A_54 : memref<640x128xf32, #tpu.memory_space<hbm>>)
      tpu.yield
    }) : () -> ()
    return
  }
}

module attributes {stable_mosaic.version = 14 : i64} {
  func.func @_transform_body(%arg0: i32, %arg1: i32, %arg2: memref<1000x128xf32, #tpu.memory_space<vmem>>, %arg3: memref<1x128x128xf32, #tpu.memory_space<vmem>>, %arg4: memref<1x1000x128xf32, #tpu.memory_space<vmem>>) attributes {dimension_semantics = [#tpu.dimension_semantics<arbitrary>, #tpu.dimension_semantics<arbitrary>], iteration_bounds = array<i64: 10, 8>, scalar_prefetch = 0 : i64, scratch_operands = 0 : i64, tpu.core_type = #tpu.core_type<tc>, window_params = [{transform_indices = @transform_0, window_bounds = array<i64: 1000, 128>}, {transform_indices = @transform_1, window_bounds = array<i64: 1, 128, 128>}, {transform_indices = @transform_2, window_bounds = array<i64: 1, 1000, 128>}]} {
    %get3A = arith.constant 0 : index
    %get3A_0 = arith.constant 0 : index
    %get3A_1 = vector.load %arg2[%get3A, %get3A_0] : memref<1000x128xf32, #tpu.memory_space<vmem>>, vector<1000x128xf32>
    %get3A_2 = arith.constant 0 : index
    %get3A_3 = arith.constant 0 : index
    %get3A_4 = arith.constant 0 : index
    %get3A_5 = vector.load %arg3[%get3A_2, %get3A_3, %get3A_4] : memref<1x128x128xf32, #tpu.memory_space<vmem>>, vector<1x128x128xf32>
    %get3A_6 = vector.shape_cast %get3A_5 : vector<1x128x128xf32> to vector<128x128xf32>
    %dot_general3A = arith.constant dense<0.000000e+00> : vector<1000x128xf32>
    %dot_general3A_7 = tpu.matmul %get3A_1, %get3A_6, %dot_general3A {dimension_numbers = #tpu.dot_dimension_numbers<[1], [0], [0], [1], [0, 0, 1, 1], [], []>, transpose_lhs_hint = false} : vector<1000x128xf32>, vector<128x128xf32>, vector<1000x128xf32> -> vector<1000x128xf32>
    %swap3A = arith.constant 0 : index
    %swap3A_8 = arith.constant 0 : index
    %swap3A_9 = arith.constant 0 : index
    %swap3A_10 = vector.load %arg4[%swap3A, %swap3A_8, %swap3A_9] : memref<1x1000x128xf32, #tpu.memory_space<vmem>>, vector<1x1000x128xf32>
    %swap3A_11 = vector.shape_cast %swap3A_10 : vector<1x1000x128xf32> to vector<1000x128xf32>
    %swap3A_12 = vector.shape_cast %dot_general3A_7 : vector<1000x128xf32> to vector<1x1000x128xf32>
    tpu.vector_store %arg4[%swap3A, %swap3A_8, %swap3A_9], %swap3A_12 {strides = array<i32>} : memref<1x1000x128xf32, #tpu.memory_space<vmem>>, vector<1x1000x128xf32>,
    return
  }
  func.func @transform_0(%arg0: i32, %arg1: i32) -> (i32, i32) {
    %c0_i32 = arith.constant 0 : i32
    %c0_i32_0 = arith.constant 0 : i32
    return %arg0, %c0_i32 : i32, i32
  }
  func.func @transform_1(%arg0: i32, %arg1: i32) -> (i32, i32, i32) {
    %c0_i32 = arith.constant 0 : i32
    %c0_i32_0 = arith.constant 0 : i32
    %c0_i32_1 = arith.constant 0 : i32
    return %arg1, %c0_i32, %c0_i32_0 : i32, i32, i32
  }
  func.func @transform_2(%arg0: i32, %arg1: i32) -> (i32, i32, i32) {
    %c0_i32 = arith.constant 0 : i32
    %c0_i32_0 = arith.constant 0 : i32
    return %arg1, %arg0, %c0_i32 : i32, i32, i32
  }
}

module attributes {stable_mosaic.version = 14 : i64} {
  func.func @_combine_body(%arg0: i32, %arg1: memref<2x1000x128xf32, #tpu.memory_space<vmem>>, %arg2: memref<1000x128xf32, #tpu.memory_space<vmem>>, %arg3: memref<128x128xf32, #tpu.memory_space<vmem>>, %arg4: memref<1x128xf32, #tpu.memory_space<vmem>>, %arg5: memref<1000x128xf32, #tpu.memory_space<vmem>>) attributes {dimension_semantics = [#tpu.dimension_semantics<arbitrary>], iteration_bounds = array<i64: 10>, scalar_prefetch = 0 : i64, scratch_operands = 0 : i64, tpu.core_type = #tpu.core_type<tc>, window_params = [{transform_indices = @transform_0, window_bounds = array<i64: 2, 1000, 128>}, {transform_indices = @transform_1, window_bounds = array<i64: 1000, 128>}, {pipeline_mode = #tpu.pipeline_mode<synchronous>, transform_indices = @transform_2, window_bounds = array<i64: 128, 128>}, {pipeline_mode = #tpu.pipeline_mode<synchronous>, transform_indices = @transform_3, window_bounds = array<i64: 1, 128>}, {transform_indices = @transform_4, window_bounds = array<i64: 1000, 128>}]} {
    %get3A = arith.constant 0 : index
    %get3A_0 = arith.constant 0 : index
    %get3A_1 = arith.constant 0 : index
    %get3A_2 = vector.load %arg1[%get3A, %get3A_0, %get3A_1] : memref<2x1000x128xf32, #tpu.memory_space<vmem>>, vector<1x1000x128xf32>
    %get3A_3 = vector.shape_cast %get3A_2 : vector<1x1000x128xf32> to vector<1000x128xf32>
    %get3A_4 = arith.constant 1 : index
    %get3A_5 = arith.constant 0 : index
    %get3A_6 = arith.constant 0 : index
    %get3A_7 = vector.load %arg1[%get3A_4, %get3A_5, %get3A_6] : memref<2x1000x128xf32, #tpu.memory_space<vmem>>, vector<1x1000x128xf32>
    %get3A_8 = vector.shape_cast %get3A_7 : vector<1x1000x128xf32> to vector<1000x128xf32>
    %add3A = arith.addf %get3A_3, %get3A_8 : vector<1000x128xf32>
    %get3A_9 = arith.constant 0 : index
    %get3A_10 = arith.constant 0 : index
    %get3A_11 = vector.load %arg2[%get3A_9, %get3A_10] : memref<1000x128xf32, #tpu.memory_space<vmem>>, vector<1000x128xf32>
    %get3A_12 = arith.constant 0 : index
    %get3A_13 = arith.constant 0 : index
    %get3A_14 = vector.load %arg3[%get3A_12, %get3A_13] : memref<128x128xf32, #tpu.memory_space<vmem>>, vector<128x128xf32>
    %dot_general3A = arith.constant dense<0.000000e+00> : vector<1000x128xf32>
    %dot_general3A_15 = tpu.matmul %get3A_11, %get3A_14, %dot_general3A {dimension_numbers = #tpu.dot_dimension_numbers<[1], [0], [0], [1], [0, 0, 1, 1], [], []>, transpose_lhs_hint = false} : vector<1000x128xf32>, vector<128x128xf32>, vector<1000x128xf32> -> vector<1000x128xf32>
    %add3A_16 = arith.addf %add3A, %dot_general3A_15 : vector<1000x128xf32>
    %get3A_17 = arith.constant 0 : index
    %get3A_18 = arith.constant 0 : index
    %get3A_19 = vector.load %arg4[%get3A_17, %get3A_18] : memref<1x128xf32, #tpu.memory_space<vmem>>, vector<1x128xf32>
    %add3A_20 = vector.broadcast %get3A_19 : vector<1x128xf32> to vector<1000x128xf32>
    %add3A_21 = arith.addf %add3A_16, %add3A_20 : vector<1000x128xf32>
    %max3A = arith.constant 0.000000e+00 : f32
    %max3A_22 = vector.broadcast %max3A : f32 to vector<1000x128xf32>
    %max3A_23 = arith.maximumf %add3A_21, %max3A_22 : vector<1000x128xf32>
    %swap3A = arith.constant 0 : index
    %swap3A_24 = arith.constant 0 : index
    %swap3A_25 = vector.load %arg5[%swap3A, %swap3A_24] : memref<1000x128xf32, #tpu.memory_space<vmem>>, vector<1000x128xf32>
    tpu.vector_store %arg5[%swap3A, %swap3A_24], %max3A_23 {strides = array<i32>} : memref<1000x128xf32, #tpu.memory_space<vmem>>, vector<1000x128xf32>,
    return
  }
  func.func @transform_0(%arg0: i32) -> (i32, i32, i32) {
    %c0_i32 = arith.constant 0 : i32
    %c0_i32_0 = arith.constant 0 : i32
    %c0_i32_1 = arith.constant 0 : i32
    return %c0_i32, %arg0, %c0_i32_0 : i32, i32, i32
  }
  func.func @transform_1(%arg0: i32) -> (i32, i32) {
    %c0_i32 = arith.constant 0 : i32
    %c0_i32_0 = arith.constant 0 : i32
    return %arg0, %c0_i32 : i32, i32
  }
  func.func @transform_2(%arg0: i32) -> (i32, i32) {
    %c0_i32 = arith.constant 0 : i32
    %c0_i32_0 = arith.constant 0 : i32
    %c0_i32_1 = arith.constant 0 : i32
    return %c0_i32, %c0_i32_0 : i32, i32
  }
  func.func @transform_3(%arg0: i32) -> (i32, i32) {
    %c0_i32 = arith.constant 0 : i32
    %c0_i32_0 = arith.constant 0 : i32
    %c0_i32_1 = arith.constant 0 : i32
    return %c0_i32, %c0_i32_0 : i32, i32
  }
  func.func @transform_4(%arg0: i32) -> (i32, i32) {
    %c0_i32 = arith.constant 0 : i32
    %c0_i32_0 = arith.constant 0 : i32
    return %arg0, %c0_i32 : i32, i32
  }
}

module attributes {stable_mosaic.version = 14 : i64} {
  func.func @_combine_body(%arg0: i32, %arg1: memref<2x1000x128xf32, #tpu.memory_space<vmem>>, %arg2: memref<1000x128xf32, #tpu.memory_space<vmem>>, %arg3: memref<128x128xf32, #tpu.memory_space<vmem>>, %arg4: memref<1x128xf32, #tpu.memory_space<vmem>>, %arg5: memref<1000x128xf32, #tpu.memory_space<vmem>>) attributes {dimension_semantics = [#tpu.dimension_semantics<arbitrary>], iteration_bounds = array<i64: 10>, scalar_prefetch = 0 : i64, scratch_operands = 0 : i64, tpu.core_type = #tpu.core_type<tc>, window_params = [{transform_indices = @transform_0, window_bounds = array<i64: 2, 1000, 128>}, {transform_indices = @transform_1, window_bounds = array<i64: 1000, 128>}, {pipeline_mode = #tpu.pipeline_mode<synchronous>, transform_indices = @transform_2, window_bounds = array<i64: 128, 128>}, {pipeline_mode = #tpu.pipeline_mode<synchronous>, transform_indices = @transform_3, window_bounds = array<i64: 1, 128>}, {transform_indices = @transform_4, window_bounds = array<i64: 1000, 128>}]} {
    %get3A = arith.constant 0 : index
    %get3A_0 = arith.constant 0 : index
    %get3A_1 = arith.constant 0 : index
    %get3A_2 = vector.load %arg1[%get3A, %get3A_0, %get3A_1] : memref<2x1000x128xf32, #tpu.memory_space<vmem>>, vector<1x1000x128xf32>
    %get3A_3 = vector.shape_cast %get3A_2 : vector<1x1000x128xf32> to vector<1000x128xf32>
    %get3A_4 = arith.constant 1 : index
    %get3A_5 = arith.constant 0 : index
    %get3A_6 = arith.constant 0 : index
    %get3A_7 = vector.load %arg1[%get3A_4, %get3A_5, %get3A_6] : memref<2x1000x128xf32, #tpu.memory_space<vmem>>, vector<1x1000x128xf32>
    %get3A_8 = vector.shape_cast %get3A_7 : vector<1x1000x128xf32> to vector<1000x128xf32>
    %add3A = arith.addf %get3A_3, %get3A_8 : vector<1000x128xf32>
    %get3A_9 = arith.constant 0 : index
    %get3A_10 = arith.constant 0 : index
    %get3A_11 = vector.load %arg2[%get3A_9, %get3A_10] : memref<1000x128xf32, #tpu.memory_space<vmem>>, vector<1000x128xf32>
    %get3A_12 = arith.constant 0 : index
    %get3A_13 = arith.constant 0 : index
    %get3A_14 = vector.load %arg3[%get3A_12, %get3A_13] : memref<128x128xf32, #tpu.memory_space<vmem>>, vector<128x128xf32>
    %dot_general3A = arith.constant dense<0.000000e+00> : vector<1000x128xf32>
    %dot_general3A_15 = tpu.matmul %get3A_11, %get3A_14, %dot_general3A {dimension_numbers = #tpu.dot_dimension_numbers<[1], [0], [0], [1], [0, 0, 1, 1], [], []>, transpose_lhs_hint = false} : vector<1000x128xf32>, vector<128x128xf32>, vector<1000x128xf32> -> vector<1000x128xf32>
    %add3A_16 = arith.addf %add3A, %dot_general3A_15 : vector<1000x128xf32>
    %get3A_17 = arith.constant 0 : index
    %get3A_18 = arith.constant 0 : index
    %get3A_19 = vector.load %arg4[%get3A_17, %get3A_18] : memref<1x128xf32, #tpu.memory_space<vmem>>, vector<1x128xf32>
    %add3A_20 = vector.broadcast %get3A_19 : vector<1x128xf32> to vector<1000x128xf32>
    %add3A_21 = arith.addf %add3A_16, %add3A_20 : vector<1000x128xf32>
    %swap3A = arith.constant 0 : index
    %swap3A_22 = arith.constant 0 : index
    %swap3A_23 = vector.load %arg5[%swap3A, %swap3A_22] : memref<1000x128xf32, #tpu.memory_space<vmem>>, vector<1000x128xf32>
    tpu.vector_store %arg5[%swap3A, %swap3A_22], %add3A_21 {strides = array<i32>} : memref<1000x128xf32, #tpu.memory_space<vmem>>, vector<1000x128xf32>,
    return
  }
  func.func @transform_0(%arg0: i32) -> (i32, i32, i32) {
    %c0_i32 = arith.constant 0 : i32
    %c0_i32_0 = arith.constant 0 : i32
    %c0_i32_1 = arith.constant 0 : i32
    return %c0_i32, %arg0, %c0_i32_0 : i32, i32, i32
  }
  func.func @transform_1(%arg0: i32) -> (i32, i32) {
    %c0_i32 = arith.constant 0 : i32
    %c0_i32_0 = arith.constant 0 : i32
    return %arg0, %c0_i32 : i32, i32
  }
  func.func @transform_2(%arg0: i32) -> (i32, i32) {
    %c0_i32 = arith.constant 0 : i32
    %c0_i32_0 = arith.constant 0 : i32
    %c0_i32_1 = arith.constant 0 : i32
    return %c0_i32, %c0_i32_0 : i32, i32
  }
  func.func @transform_3(%arg0: i32) -> (i32, i32) {
    %c0_i32 = arith.constant 0 : i32
    %c0_i32_0 = arith.constant 0 : i32
    %c0_i32_1 = arith.constant 0 : i32
    return %c0_i32, %c0_i32_0 : i32, i32
  }
  func.func @transform_4(%arg0: i32) -> (i32, i32) {
    %c0_i32 = arith.constant 0 : i32
    %c0_i32_0 = arith.constant 0 : i32
    return %arg0, %c0_i32 : i32, i32
  }
}

</mosaic_0001>

<sc_bundles>
// kernel: kernel.11.cloned.1.call-start
scs
__scs_entry_jumppad:
0x0: {  	(pc) =	sbr.rel $0x88, $3  }
0x1: {  	(tag) =	ssettag $0x0;
	lr =	simm.s32 $0x1  }
0x2: {  	[smem:$0x3F98] =	sst lr;
	_ =	strace $0xD0000000  }
0x3: {  	_ = 	snop  }
0x4: {  	_ = 	snop  }
0x5: {  	_ = 	snop  }
0x6: {  	_ = 	snop  }
0x7: {  	_ = 	snop  }
__scs_overlays_trampoline_lowered:
0x8: {  	[smem:$0x3FA7] =	sst s0  }
0x9: {  	[smem:$0x3FA8] =	sst s1  }
0xa: {  	[smem:$0x3FA9] =	sst s2  }
0xb: {  	[smem:$0x3FAA] =	sst s3  }
0xc: {  	[smem:$0x3FAB] =	sst s4  }
0xd: {  	[smem:$0x3FAC] =	sst s5  }
0xe: {  	[smem:$0x3FAD] =	sst s6  }
0xf: {  	[smem:$0x3FAE] =	sst s7  }
0x10: {  	[smem:$0x3FAF] =	sst s8  }
0x11: {  	[smem:$0x3FB0] =	sst s9;
	s0 =	simm.s32 @!p0 $0x0  }
0x12: {  	s1 =	sld [smem:$0x3F96];
	s0 =	simm.s32 @p0 $0x1  }
0x13: {  	[smem:$0x3FB1] =	sst s0;
	s0 =	simm.s32 @!p1 $0x0  }
0x14: {  	s2 =	sld [smem:$0x3F95];
	s0 =	simm.s32 @p1 $0x1  }
0x15: {  	[smem:$0x3FB2] =	sst s0;
	s0 =	simm.s32 @!p2 $0x0  }
0x16: {  	s3 =	sld [smem:$0x3FDB];
	s0 =	simm.s32 @p2 $0x1  }
0x17: {  	s4 =	simm.s32 $0x1BF5;
	[smem:$0x3FB4] =	sst s0  }
0x18: {  	s0 =	sld [smem:$0x3F97];
	_ =	swait.ge [sflag:s4], $0x0  }
0x19: {  	s7 =	sld [smem:$0x3F98]  }
0x1a: {  	s8 =	sadd.s32 $0xFFFFE003, lr  }
0x1b: {  	s9 =	sadd.s32 $0xFFFFFEF7, lr;
	s5 =	simm.s32 $0xFFFFFFFF;
	p2 =	slt.u32 s8, $0xFFFFF086  }
0x1c: {  	p1 =	slt.u32 s9, $0xF7A;
	s5 =	simm.s32 @!p2 $0x0  }
0x1d: {  	s5 =	simm.s32 @p1 $0x1;
	p0 =	seq.s32 s7, s2  }
0x1e: {  	s7 =	smul.u32 @!p0 $0xF7A, s2;
	p2 =	seq.s32 @!p0 s5, $0x0  }
0x1f: {  	s9 =	smul.u32 $0xF7A, s1;
	s8 =	simm.s32 @!p0 $0x1BF5;
	p2 =	por !p2, p0  }
0x20: {  	[sflag:s8] =	ssyncset.s32 @!p0 $0xFFFFF086;
	s6 =	sadd.s32 @!p0 s3, s7;
	s7 =	simm.s32 @!p0 $0x108  }
0x21: {  	s3 =	sadd.s32 s3, s9;
	s6 =	sadd.s32 @!p0 $0x88, s6;
	s7 =	simm.s32 @p2 $0x1082  }
0x22: {  	[simem:s7], [sflag:s8] =	dma.local @!p0 [hbm:s6], $0xF7A  }
0x23: {  	s9 =	sor.u32 $0xD0000000, s2;
	s6 =	simm.s32 $0x108;
	_ =	swait.ge @!p0 [sflag:s8], $0x0  }
0x24: {  	s3 =	sadd.s32 $0x88, s3;
	s6 =	simm.s32 @!p1 $0x1082;
	[sflag:s4] =	ssyncset.s32 $0xFFFFF086  }
0x25: {  	[simem:s6], [sflag:s4] =	dma.local [hbm:s3], $0xF7A  }
0x26: {  	[smem:$0x3F98] =	sst s1;
	(tag) =	ssettag s2;
	_ =	strace s9  }
0x27: {  	s1 =	sld [smem:$0x3FA8]  }
0x28: {  	s2 =	sld [smem:$0x3FA9]  }
0x29: {  	s4 =	sld [smem:$0x3FAB]  }
0x2a: {  	p0 =	seq.s32 s5, $0x0;
	s5 =	sld [smem:$0x3FAC]  }
0x2b: {  	s6 =	sld [smem:$0x3FAD]  }
0x2c: {  	s7 =	sld [smem:$0x3FAE]  }
0x2d: {  	s3 =	simm.s32 $0x108;
	s8 =	sld [smem:$0x3FAF]  }
0x2e: {  	s3 =	simm.s32 @!p0 $0x1082;
	s9 =	sld [smem:$0x3FB0]  }
0x2f: {  	lr =	sadd.s32 s0, s3;
	s0 =	sld [smem:$0x3FA7]  }
0x30: {  	s3 =	sld [smem:$0x3FAA]  }
0x31: {  	[smem:$0x3FB3] =	sst s10  }
0x32: {  	s10 =	sld [smem:$0x3FB1];
	_ =	sdelay $0x3  }
0x33: {  	p0 =	seq.s32 s10, $0x1;
	s10 =	sld [smem:$0x3FB3];
	_ =	sdelay $0x3  }
0x34: {  	[smem:$0x3FB3] =	sst s10  }
0x35: {  	s10 =	sld [smem:$0x3FB2];
	_ =	sdelay $0x3  }
0x36: {  	p1 =	seq.s32 s10, $0x1;
	s10 =	sld [smem:$0x3FB3];
	_ =	sdelay $0x3  }
0x37: {  	[smem:$0x3FB3] =	sst s10  }
0x38: {  	s10 =	sld [smem:$0x3FB4]  }
0x39: {  	_ = 	snop;
	(pc) =	sbr.ind lr, $3  }
0x3a: {  	_ = 	snop  }
0x3b: {  	_ = 	snop  }
0x3c: {  	p2 =	seq.s32 s10, $0x1;
	s10 =	sld [smem:$0x3FB3]  }
0x3d: {  	_ =	shalt  }
0x3e: {  	_ =	shalt  }
0x3f: {  	_ =	shalt  }
0x40: {  	_ =	shalt  }
0x41: {  	_ =	shalt  }
0x42: {  	_ =	shalt  }
0x43: {  	_ =	shalt  }
0x44: {  	_ =	shalt  }
0x45: {  	_ =	shalt  }
0x46: {  	_ =	shalt  }
0x47: {  	_ =	shalt  }
0x48: {  	_ =	shalt  }
0x49: {  	_ =	shalt  }
0x4a: {  	_ =	shalt  }
0x4b: {  	_ =	shalt  }
0x4c: {  	_ =	shalt  }
0x4d: {  	_ =	shalt  }
0x4e: {  	_ =	shalt  }
0x4f: {  	_ =	shalt  }
0x50: {  	_ =	shalt  }
0x51: {  	_ =	shalt  }
0x52: {  	_ =	shalt  }
0x53: {  	_ =	shalt  }
0x54: {  	_ =	shalt  }
0x55: {  	_ =	shalt  }
0x56: {  	_ =	shalt  }
0x57: {  	_ =	shalt  }
0x58: {  	_ =	shalt  }
0x59: {  	_ =	shalt  }
0x5a: {  	_ =	shalt  }
0x5b: {  	_ =	shalt  }
0x5c: {  	_ =	shalt  }
0x5d: {  	_ =	shalt  }
0x5e: {  	_ =	shalt  }
0x5f: {  	_ =	shalt  }
0x60: {  	_ =	shalt  }
0x61: {  	_ =	shalt  }
0x62: {  	_ =	shalt  }
0x63: {  	_ =	shalt  }
0x64: {  	_ =	shalt  }
0x65: {  	_ =	shalt  }
0x66: {  	_ =	shalt  }
0x67: {  	_ =	shalt  }
0x68: {  	_ =	shalt  }
0x69: {  	_ =	shalt  }
0x6a: {  	_ =	shalt  }
0x6b: {  	_ =	shalt  }
0x6c: {  	_ =	shalt  }
0x6d: {  	_ =	shalt  }
0x6e: {  	_ =	shalt  }
0x6f: {  	_ =	shalt  }
0x70: {  	_ =	shalt  }
0x71: {  	_ =	shalt  }
0x72: {  	_ =	shalt  }
0x73: {  	_ =	shalt  }
0x74: {  	_ =	shalt  }
0x75: {  	_ =	shalt  }
0x76: {  	_ =	shalt  }
0x77: {  	_ =	shalt  }
0x78: {  	_ =	shalt  }
0x79: {  	_ =	shalt  }
0x7a: {  	_ =	shalt  }
0x7b: {  	_ =	shalt  }
0x7c: {  	_ =	shalt  }
0x7d: {  	_ =	shalt  }
0x7e: {  	_ =	shalt  }
0x7f: {  	_ =	shalt  }
0x80: {  	_ =	shalt  }
0x81: {  	_ =	shalt  }
0x82: {  	_ =	shalt  }
0x83: {  	_ =	shalt  }
0x84: {  	_ =	shalt  }
0x85: {  	_ =	shalt  }
0x86: {  	_ =	shalt  }
0x87: {  	_ =	shalt  }
.Lfunc_end0:
.L_simem_size_0:
called_computation.1_lowered:
.L_overlay_start_0:
0x88: {  	s2 =	sld [smem:$0x3FD9]  }
0x89: {  	s3 =	sld [smem:$0x3FFE];
	_ =	sdelay $0x1  }
0x8a: {  	s1 =	srdreg.scid  }
0x8b: {  	s0 =	sand.u32 $0x1, s1  }
0x8c: {  	s17 =	sshll.u32 s0, $0xA;
	s2 =	sadd.s32 s3, s2  }
0x8d: {  	s2 =	sadd.s32 s2, s17  }
0x8e: {  	[smem:$0x3FBF] =	sst s2  }
0x8f: {  	_ = 	snop  }
0x90: {  	s2 =	sld [smem:$0x3FD0];
	(tm) =	ssettm $0x1  }
0x91: {  	s18 =	sld [smem:$0x3FFB];
	_ =	sdelay $0x3  }
0x92: {  	_ =	strace s18  }
0x93: {  	s3 =	sld [smem:$0x3FFC];
	_ =	sdelay $0x3  }
0x94: {  	_ =	strace s3  }
0x95: {  	s3 =	sld [smem:$0x3FFD];
	_ =	sdelay $0x3  }
0x96: {  	_ =	strace s3  }
0x97: {  	_ =	strace $0x8FFFFFFF  }
0x98: {  	s19 =	sld [smem:$0x3FDB];
	_ =	sdelay $0x1  }
0x99: {  	s4 =	simm.s32 $_scs_section_size  }
0x9a: {  	s5 =	simm.s32 $_size__tile_overlayer_lowered;
	s6 =	simm.s32 $_tile_overlayer_lowered  }
0x9b: {  	s22 =	simm.s32 $0x1BFF;
	s21 =	sshll.u32 s6, $0x1;
	s3 =	sadd.s32 s4, s19  }
0x9c: {  	s7 =	simm.s32 $0x0;
	s20 =	sshll.u32 s5, $0x1;
	s5 =	sadd.s32 s21, s3  }
0x9d: {  	[timem:s7], [sflag:s22] =	dma.local [hbm:s5], s20  }
0x9e: {  	_ =	swait.ge [sflag:s22], s20  }
0x9f: {  	s4 =	ssub.s32 $0x0, s20;
	[sflag:s22] =	ssyncset.done $0x0  }
0xa0: {  	[sflag:s22] =	ssyncadd.s32 s4;
	_ =	sdelay $0x1  }
0xa1: {  	s23 =	simm.s32 $0x1B8B  }
0xa2: {  	_ =	swait.ge [sflag:s23], $0x1  }
0xa3: {  	[sflag:s23] =	ssyncset.done $0x0  }
0xa4: {  	s25 =	simm.s32 $0x1B8E;
	s24 =	sld [smem:$0x3FFE];
	[sflag:s23] =	ssyncadd.s32 $0xFFFFFFFF  }
0xa5: {  	s26 =	simm.s32 $execute0_lowered;
	[smem:$0x3FD2] =	sst s25  }
0xa6: {  	s5 =	sshll.u32 s26, $0x1;
	_ =	strace $0x8000004C;
	[dreg:$0x1] =	wrdreg $0xFFFFFFFF  }
0xa7: {  	s28 =	simm.s32 $_size_execute0_lowered;
	s3 =	sadd.s32 s3, s5;
	[dreg:$0x0] =	wrdreg $0x0  }
0xa8: {  	s5 =	sshll.u32 s28, $0x1;
	[dreg:$0x2] =	wrdreg s3  }
0xa9: {  	[dreg:$0x3] =	wrdreg s5  }
0xaa: {  	[dreg:$0x4] =	wrdreg $0xC0  }
0xab: {  	_ =	task [dreg:s7], $0x5FFFF  }
0xac: {  	[dreg:$0x1] =	wrdreg $0xFFFFFFFF  }
0xad: {  	[dreg:$0x0] =	wrdreg $0x60  }
0xae: {  	[dreg:$0x2] =	wrdreg s24  }
0xaf: {  	[dreg:$0x3] =	wrdreg s2  }
0xb0: {  	[dreg:$0x4] =	wrdreg $0xB8000  }
0xb1: {  	[dreg:$0x5] =	wrdreg $0x9  }
0xb2: {  	_ =	task.clear_ibuf [dreg:s7], $0x6FFFF;
	_ =	strace $0x9000004C  }
0xb3: {  	s29 =	simm.s32 $0x9;
	_ =	strace $0x80000051  }
0xb4: {  	_ =	swait.ge [sflag:s29], $0x1  }
0xb5: {  	[sflag:s29] =	ssyncadd.s32 $0xFFFFFFFF  }
0xb6: {  	_ =	strace $0x90000051  }
0xb7: {  	_ =	sfence  }
0xb8: {  	s30 =	sld [smem:$0x0];
	_ =	sdelay $0x2  }
0xb9: {  	s31 =	sshll.u32 s1, $0xD;
	s1 =	sshrl.u32 s1, $0x2  }
0xba: {  	s3 =	sand.u32 $0x4000, s31;
	s1 =	sadd.s32 s1, s30  }
0xbb: {  	s0 =	sor.u32 s3, s0;
	s1 =	sshll.u32 s1, $0x11  }
0xbc: {  	s0 =	sor.u32 s1, s0  }
0xbd: {  	s0 =	sadd.s32 $0x8F2B, s0  }
0xbe: {  	[sflag:s0] =	ssyncadd.remote.s32 $0x1  }
0xbf: {  	_ =	sfence.sel $0xFFFF  }
0xc0: {  	[dreg:$0x0] =	wrdreg $0xFFFFFFFF;
	(pc) =	sbr.abs _section_cstart, $3  }
0xc1: {  	[dreg:$0x1] =	wrdreg $0xFFFFFFFF  }
0xc2: {  	_ =	task.clear_ibuf [dreg:s7], $0x2FFFF;
	_ =	strace $0x9FFFFFFF  }
0xc3: {  	(tm) =	ssettm $0x7FFFFFFF  }
tec
execute0_lowered:
.L_overlay_start_1:
0x0: {  	(tag) =	ssettag $0x1  }
0x1: {  	s0 =	rddreg [dreg:$0x0]  }
0x2: {  	s2 =	rddreg [dreg:$0x2];
	s3 =	simm.s32 $0x0;
	s1 =	srdreg.scid  }
0x3: {  	s10 =	stileid.u32;
	s28 =	simm.s32 $0x6800;
	s30 =	simm.s32 $0x9000  }
0x4: {  	s31 =	simm.s32 $0x1;
	s11 =	simm.s32 $0x4;
	s13 =	simm.s32 $0x5  }
0x5: {  	s12 =	simm.s32 $0x1680;
	s14 =	simm.s32 $0x1700;
	s29 =	simm.s32 $0x0  }
0x6: {  	[smem:$0x7FF] =	sst s3;
	s1 =	sand.u32 $0x1, s1;
	s4 =	smul.u32 $0x14000, s10  }
0x7: {  	s5 =	sadd.s32 $0x21A00, s0;
	s6 =	sadd.s32 $0x1A00, s0;
	s8 =	smul.u32 $0x50000, s10  }
0x8: {  	s7 =	sadd.s32 $0x11A00, s0;
	s22 =	sshll.u32 s10, $0xF;
	s10 =	simm.s32 $0x1600  }
0x9: {  	s15 =	smul.u32 $0x140000, s1;
	_ =	strace $0x8000004D;
	s16 =	ssub.s32 $0x2, s1  }
0xa: {  	s1 =	sshll.u32 s1, $0xE;
	s9 =	sshrl.u32 s16, $0x1;
	s8 =	sshrl.u32 s8, $0x2  }
0xb: {  	s1 =	ssub.s32 s22, s1;
	s22 =	simm.s32 $0x1000;
	s26 =	sadd.s32 s8, s2  }
0xc: {  	s3 =	sadd.s32 s4, s15;
	s18 =	sadd.s32 $0x2800, s26;
	[dreg:$0x4] =	wrdreg s26  }
0xd: {  	s17 =	ssub.s32 s16, s9;
	s19 =	sadd.s32 $0x5000, s26;
	[dreg:$0x5] =	wrdreg s18  }
0xe: {  	s16 =	sadd.s32 $0x4000, s1;
	s20 =	sadd.s32 $0x7800, s26;
	[dreg:$0x6] =	wrdreg s19  }
0xf: {  	s9 =	simm.s32 $0x3;
	s21 =	sadd.s32 $0xA000, s26;
	[dreg:$0x7] =	wrdreg s20  }
0x10: {  	s15 =	simm.s32 $0x6;
	s8 =	sadd.s32 $0xC800, s26;
	[dreg:$0x8] =	wrdreg s21  }
0x11: {  	s1 =	simm.s32 $0x8;
	s23 =	sadd.s32 $0xF000, s26;
	[dreg:$0x9] =	wrdreg s8  }
0x12: {  	s3 =	sshrl.u32 s3, $0x3;
	s24 =	sadd.s32 $0x11800, s26;
	[dreg:$0xa] =	wrdreg s23  }
0x13: {  	s25 =	smax.u32 s17, $0x1;
	s17 =	simm.s32 $0x1780;
	[dreg:$0xb] =	wrdreg s24  }
0x14: {  	s0 =	sadd.s32 s3, s0;
	[dreg:$0xd] =	wrdreg s25;
	s19 =	simm.s32 $0x1800  }
0x15: {  	s20 =	simm.s32 $0x9;
	s23 =	simm.s32 $0x50;
	s25 =	simm.s32 $0x4000  }
0x16: {  	s18 =	simm.s32 $0x7;
	s3 =	simm.s32 $0x780;
	s0 =	sadd.s32 $0x15A200, s0  }
0x17: {  	v0 =	vimm.f32 $0.0e+00;
	s8 =	simm.s32 $0x0;
	[dreg:$0xc] =	wrdreg s0;
	s0 =	simm.s32 $0x2  }
.LBB2_1:
0x18: {  	s24 =	simm.s32 $0x0  }
0x19: {  	s4 =	sand.u32 $0xFE00, s24  }
0x1a: {  	[dreg:$0xe] =	wrdreg s8;
	s8 =	sand.u32 $0x70, s24;
	s21 =	sshrl.u32 s4, $0x2  }
0x1b: {  	s4 =	simm.s32 $0x40;
	s21 =	sor.u32 s8, s21;
	s8 =	simm.s32 $0x0  }
.LBB2_2:
0x1c: {  	p0 =	sne.s32 s4, $0x9FC0  }
0x1d: {  	[tilespmem:s21+$0x1800] =	vst v0;
	s8 =	sadd.s32 $0x10, s8;
	s21 =	smov.u32 s4;
	s4 =	sadd.s32 $0x40, s4  }
.Ltmp0:
0x1e: {  	(pc) =	sbr.rel @p0 .LBB2_2-.Ltmp0, $4  }
0x1f: {  	_ = 	snop  }
0x20: {  	s21 =	sand.u32 $0xFE00, s21  }
0x21: {  	s24 =	sand.u32 $0x70, s8;
	s21 =	sshrl.u32 s21, $0x2  }
0x22: {  	s21 =	sor.u32 s24, s21  }
0x23: {  	[tilespmem:s21+$0x1800] =	vst v0  }
0x24: {  	[spmem:s26] =	stream.linear.scatter [tilespmem:s19], [sflag:$0x9], $0x2800, $0x38;
	[tilespmem:$0x1F800] =	vst v63  }
0x25: {  	_ =	swait.ge [sflag:s20], $0x2800  }
0x26: {  	[sflag:s20] =	ssyncset.done $0x0  }
0x27: {  	s4 =	rddreg [dreg:$0x5];
	[sflag:s20] =	ssyncadd.s32 $0xFFFFD800  }
0x28: {  	[spmem:s4] =	stream.linear.scatter [tilespmem:s19], [sflag:$0x9], $0x2800, $0x38;
	[tilespmem:$0x1F800] =	vst v63  }
0x29: {  	_ =	swait.ge [sflag:s20], $0x2800  }
0x2a: {  	[sflag:s20] =	ssyncset.done $0x0  }
0x2b: {  	s24 =	rddreg [dreg:$0x6];
	[sflag:s20] =	ssyncadd.s32 $0xFFFFD800  }
0x2c: {  	[spmem:s24] =	stream.linear.scatter [tilespmem:s19], [sflag:$0x9], $0x2800, $0x38;
	[tilespmem:$0x1F800] =	vst v63  }
0x2d: {  	_ =	swait.ge [sflag:s20], $0x2800  }
0x2e: {  	[sflag:s20] =	ssyncset.done $0x0  }
0x2f: {  	s26 =	rddreg [dreg:$0x7];
	[sflag:s20] =	ssyncadd.s32 $0xFFFFD800  }
0x30: {  	[spmem:s26] =	stream.linear.scatter [tilespmem:s19], [sflag:$0x9], $0x2800, $0x38;
	[tilespmem:$0x1F800] =	vst v63  }
0x31: {  	_ =	swait.ge [sflag:s20], $0x2800  }
0x32: {  	[sflag:s20] =	ssyncset.done $0x0  }
0x33: {  	s8 =	rddreg [dreg:$0x8];
	[sflag:s20] =	ssyncadd.s32 $0xFFFFD800  }
0x34: {  	[spmem:s8] =	stream.linear.scatter [tilespmem:s19], [sflag:$0x9], $0x2800, $0x38;
	[tilespmem:$0x1F800] =	vst v63  }
0x35: {  	_ =	swait.ge [sflag:s20], $0x2800  }
0x36: {  	[sflag:s20] =	ssyncset.done $0x0  }
0x37: {  	s21 =	rddreg [dreg:$0x9];
	[sflag:s20] =	ssyncadd.s32 $0xFFFFD800  }
0x38: {  	[spmem:s21] =	stream.linear.scatter [tilespmem:s19], [sflag:$0x9], $0x2800, $0x38;
	[tilespmem:$0x1F800] =	vst v63  }
0x39: {  	_ =	swait.ge [sflag:s20], $0x2800  }
0x3a: {  	[sflag:s20] =	ssyncset.done $0x0  }
0x3b: {  	s24 =	rddreg [dreg:$0xa];
	[sflag:s20] =	ssyncadd.s32 $0xFFFFD800  }
0x3c: {  	[spmem:s24] =	stream.linear.scatter [tilespmem:s19], [sflag:$0x9], $0x2800, $0x38;
	[tilespmem:$0x1F800] =	vst v63  }
0x3d: {  	_ =	swait.ge [sflag:s20], $0x2800  }
0x3e: {  	[sflag:s20] =	ssyncset.done $0x0  }
0x3f: {  	s26 =	rddreg [dreg:$0xb];
	[sflag:s20] =	ssyncadd.s32 $0xFFFFD800  }
0x40: {  	[spmem:s26] =	stream.linear.scatter [tilespmem:s19], [sflag:$0x9], $0x2800, $0x38;
	[tilespmem:$0x1F800] =	vst v63  }
0x41: {  	_ =	swait.ge [sflag:s20], $0x2800  }
0x42: {  	[sflag:s20] =	ssyncset.done $0x0  }
0x43: {  	[sflag:s20] =	ssyncadd.s32 $0xFFFFD800  }
0x44: {  	s4 =	simm.s32 $0x0;
	s8 =	simm.s32 $0x0;
	[bflag:$0x0] =	sbarrier.arrive $0xFFFF  }
.LBB2_4:
0x45: {  	s21 =	sshll.u32 s4, $0xB  }
0x46: {  	_ =	strace $0x8000004E;
	s21 =	sadd.s32 s21, s16  }
0x47: {  	s24 =	rddreg [dreg:$0x1];
	s21 =	sshrl.u32 s21, $0x3  }
0x48: {  	s24 =	sadd.s32 s24, s21  }
0x49: {  	[tilespmem:s8], [sflag:$0x9] =	stream.linear.gather [hbm4b:s24+s8], $0x800, $0x200038;
	[tilespmem:$0x1F800] =	vst v63  }
0x4a: {  	_ =	swait.ge [sflag:s20], $0x800  }
0x4b: {  	[sflag:s20] =	ssyncset.done $0x0  }
0x4c: {  	s26 =	simm.s32 $0x800;
	s24 =	sadd.s32 s6, s21;
	[sflag:s20] =	ssyncadd.s32 $0xFFFFF800  }
0x4d: {  	[tilespmem:s26], [sflag:$0x9] =	stream.linear.gather [hbm4b:s24+s8], $0x800, $0x200038;
	[tilespmem:$0x1F800] =	vst v63  }
0x4e: {  	_ =	swait.ge [sflag:s20], $0x800  }
0x4f: {  	[sflag:s20] =	ssyncset.done $0x0  }
0x50: {  	s21 =	sadd.s32 s7, s21;
	[sflag:s20] =	ssyncadd.s32 $0xFFFFF800  }
0x51: {  	[tilespmem:s22], [sflag:$0x9] =	stream.linear.gather [hbm4b:s21+s8], $0x800, $0x200038;
	[tilespmem:$0x1F800] =	vst v63  }
0x52: {  	_ =	swait.ge [sflag:s20], $0x800  }
0x53: {  	[sflag:s20] =	ssyncset.done $0x0  }
0x54: {  	[sflag:s20] =	ssyncadd.s32 $0xFFFFF800  }
0x55: {  	_ =	strace $0x9000004E  }
0x56: {  	s21 =	simm.s32 $0x0;
	_ =	strace $0x8000004F  }
0x57: {  	v5 =	vld [tilespmem:s21+$0x800]  }
0x58: {  	v4 =	vld [tilespmem:s21+$0x810]  }
0x59: {  	v3 =	vld [tilespmem:s21+$0x820]  }
0x5a: {  	v2 =	vld [tilespmem:s21+$0x830]  }
0x5b: {  	v1 =	vld [tilespmem:s21+$0x840]  }
0x5c: {  	v7 =	vld [tilespmem:s21+$0x0]  }
0x5d: {  	s24 =	simm.s32 $0x200;
	v6 =	vld [tilespmem:s21+$0x10]  }
.LBB2_5:
0x5e: {  	p0 =	sne.s32 s24, $0x1E00;
	v8 =	vld [tilespmem:s21+$0x20]  }
0x5f: {  	v9 =	vmul.u32 $0x2710, v5;
	v10 =	vld [tilespmem:s21+$0x30]  }
0x60: {  	s26 =	sshra.s32 s24, $0x2;
	v11 =	vmul.u32 $0x2710, v4;
	v12 =	vld [tilespmem:s21+$0x40]  }
0x61: {  	v5 =	vld [tilespmem:s26+$0x800];
	v7 =	vadd.s32 v7, v9;
	v9 =	vmul.u32 $0x2710, v3  }
0x62: {  	v4 =	vld [tilespmem:s26+$0x810];
	[tilespmem:s21+$0x0] =	vst v7;
	v6 =	vadd.s32 v6, v11;
	v7 =	vmul.u32 $0x2710, v2  }
.Ltmp1:
0x63: {  	v3 =	vld [tilespmem:s26+$0x820];
	[tilespmem:s21+$0x10] =	vst v6;
	v6 =	vadd.s32 v8, v9;
	v8 =	vmul.u32 $0x2710, v1;
	(pc) =	sbr.rel @p0 .LBB2_5-.Ltmp1, $4  }
0x64: {  	v2 =	vld [tilespmem:s26+$0x830];
	[tilespmem:s21+$0x20] =	vst v6;
	v6 =	vadd.s32 v10, v7  }
0x65: {  	v1 =	vld [tilespmem:s26+$0x840];
	[tilespmem:s21+$0x30] =	vst v6;
	v6 =	vadd.s32 v12, v8  }
0x66: {  	v7 =	vld [tilespmem:s26+$0x0];
	[tilespmem:s21+$0x40] =	vst v6;
	s21 =	smov.u32 s26  }
0x67: {  	s24 =	sadd.s32 $0x200, s24;
	v6 =	vld [tilespmem:s21+$0x10]  }
0x68: {  	v8 =	vld [tilespmem:s21+$0x20]  }
0x69: {  	v5 =	vmul.u32 $0x2710, v5;
	v9 =	vld [tilespmem:s21+$0x30]  }
0x6a: {  	v4 =	vmul.u32 $0x2710, v4;
	v10 =	vld [tilespmem:s21+$0x40]  }
0x6b: {  	v3 =	vmul.u32 $0x2710, v3;
	v5 =	vadd.s32 v7, v5  }
0x6c: {  	v2 =	vmul.u32 $0x2710, v2;
	[tilespmem:s21+$0x0] =	vst v5;
	v4 =	vadd.s32 v6, v4  }
0x6d: {  	v1 =	vmul.u32 $0x2710, v1;
	[tilespmem:s21+$0x10] =	vst v4;
	v3 =	vadd.s32 v8, v3  }
0x6e: {  	v2 =	vadd.s32 v9, v2;
	[tilespmem:s21+$0x20] =	vst v3  }
0x6f: {  	v1 =	vadd.s32 v10, v1;
	[tilespmem:s21+$0x30] =	vst v2  }
0x70: {  	[tilespmem:s21+$0x40] =	vst v1  }
0x71: {  	_ =	strace $0x9000004F  }
0x72: {  	_ =	strace $0x80000050  }
0x73: {  	[tilespmem:s19], [sflag:$0x1] =	stream.indirect.gather [hbm4b:s5+s23], $0x80, s29, s23, $0x2000b8;
	[tilespmem:$0x1F800] =	vst v63  }
0x74: {  	s26 =	simm.s32 $0x80  }
0x75: {  	[tilespmem:s25], [sflag:$0x2] =	stream.indirect.gather [hbm4b:s5+s23], $0x80, s26, s23, $0x2000b8;
	[tilespmem:$0x1F800] =	vst v63  }
0x76: {  	s24 =	simm.s32 $0x100  }
0x77: {  	[tilespmem:s28], [sflag:$0x3] =	stream.indirect.gather [hbm4b:s5+s23], $0x80, s24, s23, $0x2000b8;
	[tilespmem:$0x1F800] =	vst v63  }
0x78: {  	s26 =	simm.s32 $0x180  }
0x79: {  	[tilespmem:s30], [sflag:$0x4] =	stream.indirect.gather [hbm4b:s5+s23], $0x80, s26, s23, $0x2000b8;
	[tilespmem:$0x1F800] =	vst v63  }
0x7a: {  	_ =	swait.ge [sflag:s31], $0x2800  }
0x7b: {  	[sflag:s31] =	ssyncset.done $0x0  }
0x7c: {  	[sflag:s31] =	ssyncadd.s32 $0xFFFFD800  }
0x7d: {  	[spmem:s2] =	stream.indirect.scatter.add.f32 [tilespmem:s19], [sflag:$0x5], $0x80, s22, s23, $0x2000b8;
	[tilespmem:$0x1F800] =	vst v63  }
0x7e: {  	_ =	swait.ge [sflag:s0], $0x2800  }
0x7f: {  	[sflag:s0] =	ssyncset.done $0x0  }
0x80: {  	s24 =	simm.s32 $0x1080;
	[sflag:s0] =	ssyncadd.s32 $0xFFFFD800  }
0x81: {  	[spmem:s2] =	stream.indirect.scatter.add.f32 [tilespmem:s25], [sflag:$0x6], $0x80, s24, s23, $0x2000b8;
	[tilespmem:$0x1F800] =	vst v63  }
0x82: {  	_ =	swait.ge [sflag:s9], $0x2800  }
0x83: {  	[sflag:s9] =	ssyncset.done $0x0  }
0x84: {  	s26 =	simm.s32 $0x1100;
	[sflag:s9] =	ssyncadd.s32 $0xFFFFD800  }
0x85: {  	[spmem:s2] =	stream.indirect.scatter.add.f32 [tilespmem:s28], [sflag:$0x7], $0x80, s26, s23, $0x2000b8;
	[tilespmem:$0x1F800] =	vst v63  }
0x86: {  	_ =	swait.ge [sflag:s11], $0x2800  }
0x87: {  	[sflag:s11] =	ssyncset.done $0x0  }
0x88: {  	s24 =	simm.s32 $0x1180;
	[sflag:s11] =	ssyncadd.s32 $0xFFFFD800  }
0x89: {  	[spmem:s2] =	stream.indirect.scatter.add.f32 [tilespmem:s30], [sflag:$0x8], $0x80, s24, s23, $0x2000b8;
	[tilespmem:$0x1F800] =	vst v63  }
0x8a: {  	_ =	swait.ge [sflag:s13], $0x2800  }
0x8b: {  	[sflag:s13] =	ssyncset.done $0x0  }
0x8c: {  	s26 =	simm.s32 $0x200;
	[sflag:s13] =	ssyncadd.s32 $0xFFFFD800  }
0x8d: {  	[tilespmem:s19], [sflag:$0x1] =	stream.indirect.gather [hbm4b:s5+s23], $0x80, s26, s23, $0x2000b8;
	[tilespmem:$0x1F800] =	vst v63  }
0x8e: {  	_ =	swait.ge [sflag:s15], $0x2800  }
0x8f: {  	[sflag:s15] =	ssyncset.done $0x0  }
0x90: {  	s24 =	simm.s32 $0x280;
	[sflag:s15] =	ssyncadd.s32 $0xFFFFD800  }
0x91: {  	[tilespmem:s25], [sflag:$0x2] =	stream.indirect.gather [hbm4b:s5+s23], $0x80, s24, s23, $0x2000b8;
	[tilespmem:$0x1F800] =	vst v63  }
0x92: {  	_ =	swait.ge [sflag:s18], $0x2800  }
0x93: {  	[sflag:s18] =	ssyncset.done $0x0  }
0x94: {  	s26 =	simm.s32 $0x300;
	[sflag:s18] =	ssyncadd.s32 $0xFFFFD800  }
0x95: {  	[tilespmem:s28], [sflag:$0x3] =	stream.indirect.gather [hbm4b:s5+s23], $0x80, s26, s23, $0x2000b8;
	[tilespmem:$0x1F800] =	vst v63  }
0x96: {  	_ =	swait.ge [sflag:s1], $0x2800  }
0x97: {  	[sflag:s1] =	ssyncset.done $0x0  }
0x98: {  	s24 =	simm.s32 $0x380;
	[sflag:s1] =	ssyncadd.s32 $0xFFFFD800  }
0x99: {  	[tilespmem:s30], [sflag:$0x4] =	stream.indirect.gather [hbm4b:s5+s23], $0x80, s24, s23, $0x2000b8;
	[tilespmem:$0x1F800] =	vst v63  }
0x9a: {  	_ =	swait.ge [sflag:s31], $0x2800  }
0x9b: {  	[sflag:s31] =	ssyncset.done $0x0  }
0x9c: {  	s26 =	simm.s32 $0x1200;
	[sflag:s31] =	ssyncadd.s32 $0xFFFFD800  }
0x9d: {  	[spmem:s2] =	stream.indirect.scatter.add.f32 [tilespmem:s19], [sflag:$0x5], $0x80, s26, s23, $0x2000b8;
	[tilespmem:$0x1F800] =	vst v63  }
0x9e: {  	_ =	swait.ge [sflag:s0], $0x2800  }
0x9f: {  	[sflag:s0] =	ssyncset.done $0x0  }
0xa0: {  	s24 =	simm.s32 $0x1280;
	[sflag:s0] =	ssyncadd.s32 $0xFFFFD800  }
0xa1: {  	[spmem:s2] =	stream.indirect.scatter.add.f32 [tilespmem:s25], [sflag:$0x6], $0x80, s24, s23, $0x2000b8;
	[tilespmem:$0x1F800] =	vst v63  }
0xa2: {  	_ =	swait.ge [sflag:s9], $0x2800  }
0xa3: {  	[sflag:s9] =	ssyncset.done $0x0  }
0xa4: {  	s26 =	simm.s32 $0x1300;
	[sflag:s9] =	ssyncadd.s32 $0xFFFFD800  }
0xa5: {  	[spmem:s2] =	stream.indirect.scatter.add.f32 [tilespmem:s28], [sflag:$0x7], $0x80, s26, s23, $0x2000b8;
	[tilespmem:$0x1F800] =	vst v63  }
0xa6: {  	_ =	swait.ge [sflag:s11], $0x2800  }
0xa7: {  	[sflag:s11] =	ssyncset.done $0x0  }
0xa8: {  	s24 =	simm.s32 $0x1380;
	[sflag:s11] =	ssyncadd.s32 $0xFFFFD800  }
0xa9: {  	[spmem:s2] =	stream.indirect.scatter.add.f32 [tilespmem:s30], [sflag:$0x8], $0x80, s24, s23, $0x2000b8;
	[tilespmem:$0x1F800] =	vst v63  }
0xaa: {  	_ =	swait.ge [sflag:s13], $0x2800  }
0xab: {  	[sflag:s13] =	ssyncset.done $0x0  }
0xac: {  	s26 =	simm.s32 $0x400;
	[sflag:s13] =	ssyncadd.s32 $0xFFFFD800  }
0xad: {  	[tilespmem:s19], [sflag:$0x1] =	stream.indirect.gather [hbm4b:s5+s23], $0x80, s26, s23, $0x2000b8;
	[tilespmem:$0x1F800] =	vst v63  }
0xae: {  	_ =	swait.ge [sflag:s15], $0x2800  }
0xaf: {  	[sflag:s15] =	ssyncset.done $0x0  }
0xb0: {  	s24 =	simm.s32 $0x480;
	[sflag:s15] =	ssyncadd.s32 $0xFFFFD800  }
0xb1: {  	[tilespmem:s25], [sflag:$0x2] =	stream.indirect.gather [hbm4b:s5+s23], $0x80, s24, s23, $0x2000b8;
	[tilespmem:$0x1F800] =	vst v63  }
0xb2: {  	_ =	swait.ge [sflag:s18], $0x2800  }
0xb3: {  	[sflag:s18] =	ssyncset.done $0x0  }
0xb4: {  	s26 =	simm.s32 $0x500;
	[sflag:s18] =	ssyncadd.s32 $0xFFFFD800  }
0xb5: {  	[tilespmem:s28], [sflag:$0x3] =	stream.indirect.gather [hbm4b:s5+s23], $0x80, s26, s23, $0x2000b8;
	[tilespmem:$0x1F800] =	vst v63  }
0xb6: {  	_ =	swait.ge [sflag:s1], $0x2800  }
0xb7: {  	[sflag:s1] =	ssyncset.done $0x0  }
0xb8: {  	s24 =	simm.s32 $0x580;
	[sflag:s1] =	ssyncadd.s32 $0xFFFFD800  }
0xb9: {  	[tilespmem:s30], [sflag:$0x4] =	stream.indirect.gather [hbm4b:s5+s23], $0x80, s24, s23, $0x2000b8;
	[tilespmem:$0x1F800] =	vst v63  }
0xba: {  	_ =	swait.ge [sflag:s31], $0x2800  }
0xbb: {  	[sflag:s31] =	ssyncset.done $0x0  }
0xbc: {  	s26 =	simm.s32 $0x1400;
	[sflag:s31] =	ssyncadd.s32 $0xFFFFD800  }
0xbd: {  	[spmem:s2] =	stream.indirect.scatter.add.f32 [tilespmem:s19], [sflag:$0x5], $0x80, s26, s23, $0x2000b8;
	[tilespmem:$0x1F800] =	vst v63  }
0xbe: {  	_ =	swait.ge [sflag:s0], $0x2800  }
0xbf: {  	[sflag:s0] =	ssyncset.done $0x0  }
0xc0: {  	s24 =	simm.s32 $0x1480;
	[sflag:s0] =	ssyncadd.s32 $0xFFFFD800  }
0xc1: {  	[spmem:s2] =	stream.indirect.scatter.add.f32 [tilespmem:s25], [sflag:$0x6], $0x80, s24, s23, $0x2000b8;
	[tilespmem:$0x1F800] =	vst v63  }
0xc2: {  	_ =	swait.ge [sflag:s9], $0x2800  }
0xc3: {  	[sflag:s9] =	ssyncset.done $0x0  }
0xc4: {  	s26 =	simm.s32 $0x1500;
	[sflag:s9] =	ssyncadd.s32 $0xFFFFD800  }
0xc5: {  	[spmem:s2] =	stream.indirect.scatter.add.f32 [tilespmem:s28], [sflag:$0x7], $0x80, s26, s23, $0x2000b8;
	[tilespmem:$0x1F800] =	vst v63  }
0xc6: {  	_ =	swait.ge [sflag:s11], $0x2800  }
0xc7: {  	[sflag:s11] =	ssyncset.done $0x0  }
0xc8: {  	s24 =	simm.s32 $0x1580;
	[sflag:s11] =	ssyncadd.s32 $0xFFFFD800  }
0xc9: {  	[spmem:s2] =	stream.indirect.scatter.add.f32 [tilespmem:s30], [sflag:$0x8], $0x80, s24, s23, $0x2000b8;
	[tilespmem:$0x1F800] =	vst v63  }
0xca: {  	_ =	swait.ge [sflag:s13], $0x2800  }
0xcb: {  	[sflag:s13] =	ssyncset.done $0x0  }
0xcc: {  	s26 =	simm.s32 $0x600;
	[sflag:s13] =	ssyncadd.s32 $0xFFFFD800  }
0xcd: {  	[tilespmem:s19], [sflag:$0x1] =	stream.indirect.gather [hbm4b:s5+s23], $0x80, s26, s23, $0x2000b8;
	[tilespmem:$0x1F800] =	vst v63  }
0xce: {  	_ =	swait.ge [sflag:s15], $0x2800  }
0xcf: {  	[sflag:s15] =	ssyncset.done $0x0  }
0xd0: {  	s24 =	simm.s32 $0x680;
	[sflag:s15] =	ssyncadd.s32 $0xFFFFD800  }
0xd1: {  	[tilespmem:s25], [sflag:$0x2] =	stream.indirect.gather [hbm4b:s5+s23], $0x80, s24, s23, $0x2000b8;
	[tilespmem:$0x1F800] =	vst v63  }
0xd2: {  	_ =	swait.ge [sflag:s18], $0x2800  }
0xd3: {  	[sflag:s18] =	ssyncset.done $0x0  }
0xd4: {  	s26 =	simm.s32 $0x700;
	[sflag:s18] =	ssyncadd.s32 $0xFFFFD800  }
0xd5: {  	[tilespmem:s28], [sflag:$0x3] =	stream.indirect.gather [hbm4b:s5+s23], $0x80, s26, s23, $0x2000b8;
	[tilespmem:$0x1F800] =	vst v63  }
0xd6: {  	_ =	swait.ge [sflag:s1], $0x2800  }
0xd7: {  	[sflag:s1] =	ssyncset.done $0x0  }
0xd8: {  	[sflag:s1] =	ssyncadd.s32 $0xFFFFD800  }
0xd9: {  	[tilespmem:s30], [sflag:$0x4] =	stream.indirect.gather [hbm4b:s5+s23], $0x80, s3, s23, $0x2000b8;
	[tilespmem:$0x1F800] =	vst v63  }
0xda: {  	_ =	swait.ge [sflag:s31], $0x2800  }
0xdb: {  	[sflag:s31] =	ssyncset.done $0x0  }
0xdc: {  	[sflag:s31] =	ssyncadd.s32 $0xFFFFD800  }
0xdd: {  	[spmem:s2] =	stream.indirect.scatter.add.f32 [tilespmem:s19], [sflag:$0x5], $0x80, s10, s23, $0x2000b8;
	[tilespmem:$0x1F800] =	vst v63  }
0xde: {  	_ =	swait.ge [sflag:s0], $0x2800  }
0xdf: {  	[sflag:s0] =	ssyncset.done $0x0  }
0xe0: {  	[sflag:s0] =	ssyncadd.s32 $0xFFFFD800  }
0xe1: {  	[spmem:s2] =	stream.indirect.scatter.add.f32 [tilespmem:s25], [sflag:$0x6], $0x80, s12, s23, $0x2000b8;
	[tilespmem:$0x1F800] =	vst v63  }
0xe2: {  	_ =	swait.ge [sflag:s9], $0x2800  }
0xe3: {  	[sflag:s9] =	ssyncset.done $0x0  }
0xe4: {  	[sflag:s9] =	ssyncadd.s32 $0xFFFFD800  }
0xe5: {  	[spmem:s2] =	stream.indirect.scatter.add.f32 [tilespmem:s28], [sflag:$0x7], $0x80, s14, s23, $0x2000b8;
	[tilespmem:$0x1F800] =	vst v63  }
0xe6: {  	_ =	swait.ge [sflag:s11], $0x2800  }
0xe7: {  	[sflag:s11] =	ssyncset.done $0x0  }
0xe8: {  	[sflag:s11] =	ssyncadd.s32 $0xFFFFD800  }
0xe9: {  	[spmem:s2] =	stream.indirect.scatter.add.f32 [tilespmem:s30], [sflag:$0x8], $0x80, s17, s23, $0x2000b8;
	[tilespmem:$0x1F800] =	vst v63  }
0xea: {  	_ =	swait.ge [sflag:s13], $0x2800  }
0xeb: {  	[sflag:s13] =	ssyncset.done $0x0  }
0xec: {  	[sflag:s13] =	ssyncadd.s32 $0xFFFFD800  }
0xed: {  	_ =	swait.ge [sflag:s15], $0x2800  }
0xee: {  	[sflag:s15] =	ssyncset.done $0x0  }
0xef: {  	[sflag:s15] =	ssyncadd.s32 $0xFFFFD800  }
0xf0: {  	s4 =	sadd.s32 $0x1, s4;
	_ =	swait.ge [sflag:s18], $0x2800  }
0xf1: {  	p0 =	sne.s32 s4, $0x8;
	[sflag:s18] =	ssyncset.done $0x0  }
.Ltmp2:
0xf2: {  	[sflag:s18] =	ssyncadd.s32 $0xFFFFD800;
	(pc) =	sbr.rel @p0 .LBB2_4-.Ltmp2, $4  }
0xf3: {  	_ =	swait.ge [sflag:s1], $0x2800  }
0xf4: {  	[sflag:s1] =	ssyncset.done $0x0  }
0xf5: {  	[sflag:s1] =	ssyncadd.s32 $0xFFFFD800  }
0xf6: {  	_ =	strace $0x90000050  }
0xf7: {  	s4 =	stileid.u32;
	[bflag:$0x0] =	sbarrier.arrive $0xFFFF  }
0xf8: {  	s4 =	sshll.u32 s4, $0x6;
	s26 =	rddreg [dreg:$0x4]  }
0xf9: {  	s21 =	rddreg [dreg:$0xc];
	s4 =	sor.u32 $0x1C09, s4;
	s8 =	sshrl.u32 s26, $0x3  }
0xfa: {  	[hbm:s21], [sflag:s4] =	dma.local [spmem:s8], $0x2800  }
0xfb: {  	_ =	swait.ge [sflag:s20], $0x2800  }
0xfc: {  	s21 =	rddreg [dreg:$0xe]  }
0xfd: {  	s24 =	rddreg [dreg:$0xd];
	s8 =	sadd.s32 $0x1, s21  }
0xfe: {  	p0 =	sne.s32 s8, s24  }
.Ltmp3:
0xff: {  	_ = 	snop;
	(pc) =	sbr.rel @p0 .LBB2_1-.Ltmp3, $3  }
0x100: {  	_ =	sdelay $0x1  }
0x101: {  	[sflag:s20] =	ssyncset.done $0x0  }
0x102: {  	[sflag:s20] =	ssyncadd.s32 $0xFFFFD800  }
0x103: {  	_ =	sfence.sel $0x180000  }
0x104: {  	[bflag:$0x0] =	sbarrier.arrive $0xFFFF  }
0x105: {  	_ =	strace $0x9000004D  }
0x106: {  	s0 =	stileid.u32;
	[bflag:$0x2] =	sbarrier.arrive $0xFFFF  }
0x107: {  	p0 =	sne.s32 s0, $0x0;
	s0 =	rddreg [dreg:$0x3]  }
0x108: {  	s0 =	sadd.s32 @!p0 $0x100000, s0  }
0x109: {  	[sflag:s0] =	ssyncadd.tile.s32 @!p0 $0x1;
	_ =	shalt  }
.Lfunc_end2:
_tile_overlayer_lowered:
.L_overlay_start_2:
0x10a: {  	(tag) =	ssettag $0x2  }
0x10b: {  	s0 =	rddreg [dreg:$0x0];
	s2 =	stileid.u32  }
0x10c: {  	s1 =	rddreg [dreg:$0x1];
	p0 =	sne.s32 s2, $0x0  }
0x10d: {  	s3 =	rddreg [dreg:$0x2];
	[bflag:$0x3] =	sbarrier.arrive $0xFFFF;
	s2 =	simm.s32 @!p0 $0x1C09  }
0x10e: {  	[timem:s3], [sflag:s2] =	dma.local @!p0 [hbm:s0], s1  }
0x10f: {  	s0 =	simm.s32 @!p0 $0x9  }
0x110: {  	_ =	swait.ge @!p0 [sflag:s0], s1  }
0x111: {  	s1 =	ssub.s32 @!p0 $0x0, s1;
	[sflag:s0] =	ssyncset.done @!p0 $0x0  }
0x112: {  	[sflag:s0] =	ssyncadd.s32 @!p0 s1  }
0x113: {  	[bflag:$0x3] =	sbarrier.arrive $0xFFFF  }
0x114: {  	_ =	shalt  }

// kernel: kernel.8.cloned.1.call-start
scs
__scs_entry_jumppad:
0x0: {  	(pc) =	sbr.rel $0x88, $3  }
0x1: {  	(tag) =	ssettag $0x0;
	lr =	simm.s32 $0x1  }
0x2: {  	[smem:$0x3F98] =	sst lr;
	_ =	strace $0xD0000000  }
0x3: {  	_ = 	snop  }
0x4: {  	_ = 	snop  }
0x5: {  	_ = 	snop  }
0x6: {  	_ = 	snop  }
0x7: {  	_ = 	snop  }
__scs_overlays_trampoline_lowered:
0x8: {  	[smem:$0x3FA7] =	sst s0  }
0x9: {  	[smem:$0x3FA8] =	sst s1  }
0xa: {  	[smem:$0x3FA9] =	sst s2  }
0xb: {  	[smem:$0x3FAA] =	sst s3  }
0xc: {  	[smem:$0x3FAB] =	sst s4  }
0xd: {  	[smem:$0x3FAC] =	sst s5  }
0xe: {  	[smem:$0x3FAD] =	sst s6  }
0xf: {  	[smem:$0x3FAE] =	sst s7  }
0x10: {  	[smem:$0x3FAF] =	sst s8  }
0x11: {  	[smem:$0x3FB0] =	sst s9;
	s0 =	simm.s32 @!p0 $0x0  }
0x12: {  	s1 =	sld [smem:$0x3F96];
	s0 =	simm.s32 @p0 $0x1  }
0x13: {  	[smem:$0x3FB1] =	sst s0;
	s0 =	simm.s32 @!p1 $0x0  }
0x14: {  	s2 =	sld [smem:$0x3F95];
	s0 =	simm.s32 @p1 $0x1  }
0x15: {  	[smem:$0x3FB2] =	sst s0;
	s0 =	simm.s32 @!p2 $0x0  }
0x16: {  	s3 =	sld [smem:$0x3FDB];
	s0 =	simm.s32 @p2 $0x1  }
0x17: {  	s4 =	simm.s32 $0x1BF5;
	[smem:$0x3FB4] =	sst s0  }
0x18: {  	s0 =	sld [smem:$0x3F97];
	_ =	swait.ge [sflag:s4], $0x0  }
0x19: {  	s7 =	sld [smem:$0x3F98]  }
0x1a: {  	s8 =	sadd.s32 $0xFFFFE003, lr  }
0x1b: {  	s9 =	sadd.s32 $0xFFFFFEF7, lr;
	s5 =	simm.s32 $0xFFFFFFFF;
	p2 =	slt.u32 s8, $0xFFFFF086  }
0x1c: {  	p1 =	slt.u32 s9, $0xF7A;
	s5 =	simm.s32 @!p2 $0x0  }
0x1d: {  	s5 =	simm.s32 @p1 $0x1;
	p0 =	seq.s32 s7, s2  }
0x1e: {  	s7 =	smul.u32 @!p0 $0xF7A, s2;
	p2 =	seq.s32 @!p0 s5, $0x0  }
0x1f: {  	s9 =	smul.u32 $0xF7A, s1;
	s8 =	simm.s32 @!p0 $0x1BF5;
	p2 =	por !p2, p0  }
0x20: {  	[sflag:s8] =	ssyncset.s32 @!p0 $0xFFFFF086;
	s6 =	sadd.s32 @!p0 s3, s7;
	s7 =	simm.s32 @!p0 $0x108  }
0x21: {  	s3 =	sadd.s32 s3, s9;
	s6 =	sadd.s32 @!p0 $0x88, s6;
	s7 =	simm.s32 @p2 $0x1082  }
0x22: {  	[simem:s7], [sflag:s8] =	dma.local @!p0 [hbm:s6], $0xF7A  }
0x23: {  	s9 =	sor.u32 $0xD0000000, s2;
	s6 =	simm.s32 $0x108;
	_ =	swait.ge @!p0 [sflag:s8], $0x0  }
0x24: {  	s3 =	sadd.s32 $0x88, s3;
	s6 =	simm.s32 @!p1 $0x1082;
	[sflag:s4] =	ssyncset.s32 $0xFFFFF086  }
0x25: {  	[simem:s6], [sflag:s4] =	dma.local [hbm:s3], $0xF7A  }
0x26: {  	[smem:$0x3F98] =	sst s1;
	(tag) =	ssettag s2;
	_ =	strace s9  }
0x27: {  	s1 =	sld [smem:$0x3FA8]  }
0x28: {  	s2 =	sld [smem:$0x3FA9]  }
0x29: {  	s4 =	sld [smem:$0x3FAB]  }
0x2a: {  	p0 =	seq.s32 s5, $0x0;
	s5 =	sld [smem:$0x3FAC]  }
0x2b: {  	s6 =	sld [smem:$0x3FAD]  }
0x2c: {  	s7 =	sld [smem:$0x3FAE]  }
0x2d: {  	s3 =	simm.s32 $0x108;
	s8 =	sld [smem:$0x3FAF]  }
0x2e: {  	s3 =	simm.s32 @!p0 $0x1082;
	s9 =	sld [smem:$0x3FB0]  }
0x2f: {  	lr =	sadd.s32 s0, s3;
	s0 =	sld [smem:$0x3FA7]  }
0x30: {  	s3 =	sld [smem:$0x3FAA]  }
0x31: {  	[smem:$0x3FB3] =	sst s10  }
0x32: {  	s10 =	sld [smem:$0x3FB1];
	_ =	sdelay $0x3  }
0x33: {  	p0 =	seq.s32 s10, $0x1;
	s10 =	sld [smem:$0x3FB3];
	_ =	sdelay $0x3  }
0x34: {  	[smem:$0x3FB3] =	sst s10  }
0x35: {  	s10 =	sld [smem:$0x3FB2];
	_ =	sdelay $0x3  }
0x36: {  	p1 =	seq.s32 s10, $0x1;
	s10 =	sld [smem:$0x3FB3];
	_ =	sdelay $0x3  }
0x37: {  	[smem:$0x3FB3] =	sst s10  }
0x38: {  	s10 =	sld [smem:$0x3FB4]  }
0x39: {  	_ = 	snop;
	(pc) =	sbr.ind lr, $3  }
0x3a: {  	_ = 	snop  }
0x3b: {  	_ = 	snop  }
0x3c: {  	p2 =	seq.s32 s10, $0x1;
	s10 =	sld [smem:$0x3FB3]  }
0x3d: {  	_ =	shalt  }
0x3e: {  	_ =	shalt  }
0x3f: {  	_ =	shalt  }
0x40: {  	_ =	shalt  }
0x41: {  	_ =	shalt  }
0x42: {  	_ =	shalt  }
0x43: {  	_ =	shalt  }
0x44: {  	_ =	shalt  }
0x45: {  	_ =	shalt  }
0x46: {  	_ =	shalt  }
0x47: {  	_ =	shalt  }
0x48: {  	_ =	shalt  }
0x49: {  	_ =	shalt  }
0x4a: {  	_ =	shalt  }
0x4b: {  	_ =	shalt  }
0x4c: {  	_ =	shalt  }
0x4d: {  	_ =	shalt  }
0x4e: {  	_ =	shalt  }
0x4f: {  	_ =	shalt  }
0x50: {  	_ =	shalt  }
0x51: {  	_ =	shalt  }
0x52: {  	_ =	shalt  }
0x53: {  	_ =	shalt  }
0x54: {  	_ =	shalt  }
0x55: {  	_ =	shalt  }
0x56: {  	_ =	shalt  }
0x57: {  	_ =	shalt  }
0x58: {  	_ =	shalt  }
0x59: {  	_ =	shalt  }
0x5a: {  	_ =	shalt  }
0x5b: {  	_ =	shalt  }
0x5c: {  	_ =	shalt  }
0x5d: {  	_ =	shalt  }
0x5e: {  	_ =	shalt  }
0x5f: {  	_ =	shalt  }
0x60: {  	_ =	shalt  }
0x61: {  	_ =	shalt  }
0x62: {  	_ =	shalt  }
0x63: {  	_ =	shalt  }
0x64: {  	_ =	shalt  }
0x65: {  	_ =	shalt  }
0x66: {  	_ =	shalt  }
0x67: {  	_ =	shalt  }
0x68: {  	_ =	shalt  }
0x69: {  	_ =	shalt  }
0x6a: {  	_ =	shalt  }
0x6b: {  	_ =	shalt  }
0x6c: {  	_ =	shalt  }
0x6d: {  	_ =	shalt  }
0x6e: {  	_ =	shalt  }
0x6f: {  	_ =	shalt  }
0x70: {  	_ =	shalt  }
0x71: {  	_ =	shalt  }
0x72: {  	_ =	shalt  }
0x73: {  	_ =	shalt  }
0x74: {  	_ =	shalt  }
0x75: {  	_ =	shalt  }
0x76: {  	_ =	shalt  }
0x77: {  	_ =	shalt  }
0x78: {  	_ =	shalt  }
0x79: {  	_ =	shalt  }
0x7a: {  	_ =	shalt  }
0x7b: {  	_ =	shalt  }
0x7c: {  	_ =	shalt  }
0x7d: {  	_ =	shalt  }
0x7e: {  	_ =	shalt  }
0x7f: {  	_ =	shalt  }
0x80: {  	_ =	shalt  }
0x81: {  	_ =	shalt  }
0x82: {  	_ =	shalt  }
0x83: {  	_ =	shalt  }
0x84: {  	_ =	shalt  }
0x85: {  	_ =	shalt  }
0x86: {  	_ =	shalt  }
0x87: {  	_ =	shalt  }
.Lfunc_end0:
.L_simem_size_0:
called_computation_lowered:
.L_overlay_start_0:
0x88: {  	s2 =	sld [smem:$0x3FD9]  }
0x89: {  	s3 =	sld [smem:$0x3FFE];
	_ =	sdelay $0x1  }
0x8a: {  	s1 =	srdreg.scid  }
0x8b: {  	s0 =	sand.u32 $0x1, s1  }
0x8c: {  	s17 =	sshll.u32 s0, $0xA;
	s2 =	sadd.s32 s3, s2  }
0x8d: {  	s2 =	sadd.s32 s2, s17  }
0x8e: {  	[smem:$0x3FBF] =	sst s2  }
0x8f: {  	_ = 	snop  }
0x90: {  	s2 =	sld [smem:$0x3FD0];
	(tm) =	ssettm $0x1  }
0x91: {  	s18 =	sld [smem:$0x3FFB];
	_ =	sdelay $0x3  }
0x92: {  	_ =	strace s18  }
0x93: {  	s3 =	sld [smem:$0x3FFC];
	_ =	sdelay $0x3  }
0x94: {  	_ =	strace s3  }
0x95: {  	s3 =	sld [smem:$0x3FFD];
	_ =	sdelay $0x3  }
0x96: {  	_ =	strace s3  }
0x97: {  	_ =	strace $0x8FFFFFFF  }
0x98: {  	s19 =	sld [smem:$0x3FDB];
	_ =	sdelay $0x1  }
0x99: {  	s4 =	simm.s32 $_scs_section_size  }
0x9a: {  	s5 =	simm.s32 $_size__tile_overlayer_lowered;
	s6 =	simm.s32 $_tile_overlayer_lowered  }
0x9b: {  	s22 =	simm.s32 $0x1BFF;
	s21 =	sshll.u32 s6, $0x1;
	s3 =	sadd.s32 s4, s19  }
0x9c: {  	s7 =	simm.s32 $0x0;
	s20 =	sshll.u32 s5, $0x1;
	s5 =	sadd.s32 s21, s3  }
0x9d: {  	[timem:s7], [sflag:s22] =	dma.local [hbm:s5], s20  }
0x9e: {  	_ =	swait.ge [sflag:s22], s20  }
0x9f: {  	s4 =	ssub.s32 $0x0, s20;
	[sflag:s22] =	ssyncset.done $0x0  }
0xa0: {  	[sflag:s22] =	ssyncadd.s32 s4;
	_ =	sdelay $0x1  }
0xa1: {  	s23 =	simm.s32 $0x1B8B  }
0xa2: {  	_ =	swait.ge [sflag:s23], $0x1  }
0xa3: {  	[sflag:s23] =	ssyncset.done $0x0  }
0xa4: {  	s25 =	simm.s32 $0x1B8E;
	s24 =	sld [smem:$0x3FFE];
	[sflag:s23] =	ssyncadd.s32 $0xFFFFFFFF  }
0xa5: {  	s26 =	simm.s32 $execute0_lowered;
	[smem:$0x3FD2] =	sst s25  }
0xa6: {  	s5 =	sshll.u32 s26, $0x1;
	_ =	strace $0x80000046;
	[dreg:$0x1] =	wrdreg $0xFFFFFFFF  }
0xa7: {  	s28 =	simm.s32 $_size_execute0_lowered;
	s3 =	sadd.s32 s3, s5;
	[dreg:$0x0] =	wrdreg $0x0  }
0xa8: {  	s5 =	sshll.u32 s28, $0x1;
	[dreg:$0x2] =	wrdreg s3  }
0xa9: {  	[dreg:$0x3] =	wrdreg s5  }
0xaa: {  	[dreg:$0x4] =	wrdreg $0xC0  }
0xab: {  	_ =	task [dreg:s7], $0x5FFFF  }
0xac: {  	[dreg:$0x1] =	wrdreg $0xFFFFFFFF  }
0xad: {  	[dreg:$0x0] =	wrdreg $0x60  }
0xae: {  	[dreg:$0x2] =	wrdreg s24  }
0xaf: {  	[dreg:$0x3] =	wrdreg s2  }
0xb0: {  	[dreg:$0x4] =	wrdreg $0xB8000  }
0xb1: {  	[dreg:$0x5] =	wrdreg $0x9  }
0xb2: {  	_ =	task.clear_ibuf [dreg:s7], $0x6FFFF;
	_ =	strace $0x90000046  }
0xb3: {  	s29 =	simm.s32 $0x9;
	_ =	strace $0x8000004B  }
0xb4: {  	_ =	swait.ge [sflag:s29], $0x1  }
0xb5: {  	[sflag:s29] =	ssyncadd.s32 $0xFFFFFFFF  }
0xb6: {  	_ =	strace $0x9000004B  }
0xb7: {  	_ =	sfence  }
0xb8: {  	s30 =	sld [smem:$0x0];
	_ =	sdelay $0x2  }
0xb9: {  	s31 =	sshll.u32 s1, $0xD;
	s1 =	sshrl.u32 s1, $0x2  }
0xba: {  	s3 =	sand.u32 $0x4000, s31;
	s1 =	sadd.s32 s1, s30  }
0xbb: {  	s0 =	sor.u32 s3, s0;
	s1 =	sshll.u32 s1, $0x11  }
0xbc: {  	s0 =	sor.u32 s1, s0  }
0xbd: {  	s0 =	sadd.s32 $0x8F2B, s0  }
0xbe: {  	[sflag:s0] =	ssyncadd.remote.s32 $0x1  }
0xbf: {  	_ =	sfence.sel $0xFFFF  }
0xc0: {  	[dreg:$0x0] =	wrdreg $0xFFFFFFFF;
	(pc) =	sbr.abs _section_cstart, $3  }
0xc1: {  	[dreg:$0x1] =	wrdreg $0xFFFFFFFF  }
0xc2: {  	_ =	task.clear_ibuf [dreg:s7], $0x2FFFF;
	_ =	strace $0x9FFFFFFF  }
0xc3: {  	(tm) =	ssettm $0x7FFFFFFF  }
tec
execute0_lowered:
.L_overlay_start_1:
0x0: {  	(tag) =	ssettag $0x1  }
0x1: {  	s0 =	rddreg [dreg:$0x0]  }
0x2: {  	s2 =	rddreg [dreg:$0x2];
	s3 =	simm.s32 $0x0;
	s1 =	srdreg.scid  }
0x3: {  	s10 =	stileid.u32;
	s28 =	simm.s32 $0x6800;
	s30 =	simm.s32 $0x9000  }
0x4: {  	s31 =	simm.s32 $0x1;
	s11 =	simm.s32 $0x4;
	s13 =	simm.s32 $0x5  }
0x5: {  	s12 =	simm.s32 $0x1680;
	s14 =	simm.s32 $0x1700;
	s29 =	simm.s32 $0x0  }
0x6: {  	[smem:$0x7FF] =	sst s3;
	s1 =	sand.u32 $0x1, s1;
	s4 =	smul.u32 $0x14000, s10  }
0x7: {  	s5 =	sadd.s32 $0x21A00, s0;
	s6 =	sadd.s32 $0x1A00, s0;
	s8 =	smul.u32 $0x50000, s10  }
0x8: {  	s7 =	sadd.s32 $0x11A00, s0;
	s22 =	sshll.u32 s10, $0xF;
	s10 =	simm.s32 $0x1600  }
0x9: {  	s15 =	smul.u32 $0x140000, s1;
	_ =	strace $0x80000047;
	s16 =	ssub.s32 $0x2, s1  }
0xa: {  	s1 =	sshll.u32 s1, $0xE;
	s9 =	sshrl.u32 s16, $0x1;
	s8 =	sshrl.u32 s8, $0x2  }
0xb: {  	s1 =	ssub.s32 s22, s1;
	s22 =	simm.s32 $0x1000;
	s26 =	sadd.s32 s8, s2  }
0xc: {  	s3 =	sadd.s32 s4, s15;
	s18 =	sadd.s32 $0x2800, s26;
	[dreg:$0x4] =	wrdreg s26  }
0xd: {  	s17 =	ssub.s32 s16, s9;
	s19 =	sadd.s32 $0x5000, s26;
	[dreg:$0x5] =	wrdreg s18  }
0xe: {  	s16 =	sadd.s32 $0x4000, s1;
	s20 =	sadd.s32 $0x7800, s26;
	[dreg:$0x6] =	wrdreg s19  }
0xf: {  	s9 =	simm.s32 $0x3;
	s21 =	sadd.s32 $0xA000, s26;
	[dreg:$0x7] =	wrdreg s20  }
0x10: {  	s15 =	simm.s32 $0x6;
	s8 =	sadd.s32 $0xC800, s26;
	[dreg:$0x8] =	wrdreg s21  }
0x11: {  	s1 =	simm.s32 $0x8;
	s23 =	sadd.s32 $0xF000, s26;
	[dreg:$0x9] =	wrdreg s8  }
0x12: {  	s3 =	sshrl.u32 s3, $0x3;
	s24 =	sadd.s32 $0x11800, s26;
	[dreg:$0xa] =	wrdreg s23  }
0x13: {  	s25 =	smax.u32 s17, $0x1;
	s17 =	simm.s32 $0x1780;
	[dreg:$0xb] =	wrdreg s24  }
0x14: {  	s0 =	sadd.s32 s3, s0;
	[dreg:$0xd] =	wrdreg s25;
	s19 =	simm.s32 $0x1800  }
0x15: {  	s20 =	simm.s32 $0x9;
	s23 =	simm.s32 $0x50;
	s25 =	simm.s32 $0x4000  }
0x16: {  	s18 =	simm.s32 $0x7;
	s3 =	simm.s32 $0x780;
	s0 =	sadd.s32 $0x15A200, s0  }
0x17: {  	v0 =	vimm.f32 $0.0e+00;
	s8 =	simm.s32 $0x0;
	[dreg:$0xc] =	wrdreg s0;
	s0 =	simm.s32 $0x2  }
.LBB2_1:
0x18: {  	s24 =	simm.s32 $0x0  }
0x19: {  	s4 =	sand.u32 $0xFE00, s24  }
0x1a: {  	[dreg:$0xe] =	wrdreg s8;
	s8 =	sand.u32 $0x70, s24;
	s21 =	sshrl.u32 s4, $0x2  }
0x1b: {  	s4 =	simm.s32 $0x40;
	s21 =	sor.u32 s8, s21;
	s8 =	simm.s32 $0x0  }
.LBB2_2:
0x1c: {  	p0 =	sne.s32 s4, $0x9FC0  }
0x1d: {  	[tilespmem:s21+$0x1800] =	vst v0;
	s8 =	sadd.s32 $0x10, s8;
	s21 =	smov.u32 s4;
	s4 =	sadd.s32 $0x40, s4  }
.Ltmp0:
0x1e: {  	(pc) =	sbr.rel @p0 .LBB2_2-.Ltmp0, $4  }
0x1f: {  	_ = 	snop  }
0x20: {  	s21 =	sand.u32 $0xFE00, s21  }
0x21: {  	s24 =	sand.u32 $0x70, s8;
	s21 =	sshrl.u32 s21, $0x2  }
0x22: {  	s21 =	sor.u32 s24, s21  }
0x23: {  	[tilespmem:s21+$0x1800] =	vst v0  }
0x24: {  	[spmem:s26] =	stream.linear.scatter [tilespmem:s19], [sflag:$0x9], $0x2800, $0x38;
	[tilespmem:$0x1F800] =	vst v63  }
0x25: {  	_ =	swait.ge [sflag:s20], $0x2800  }
0x26: {  	[sflag:s20] =	ssyncset.done $0x0  }
0x27: {  	s4 =	rddreg [dreg:$0x5];
	[sflag:s20] =	ssyncadd.s32 $0xFFFFD800  }
0x28: {  	[spmem:s4] =	stream.linear.scatter [tilespmem:s19], [sflag:$0x9], $0x2800, $0x38;
	[tilespmem:$0x1F800] =	vst v63  }
0x29: {  	_ =	swait.ge [sflag:s20], $0x2800  }
0x2a: {  	[sflag:s20] =	ssyncset.done $0x0  }
0x2b: {  	s24 =	rddreg [dreg:$0x6];
	[sflag:s20] =	ssyncadd.s32 $0xFFFFD800  }
0x2c: {  	[spmem:s24] =	stream.linear.scatter [tilespmem:s19], [sflag:$0x9], $0x2800, $0x38;
	[tilespmem:$0x1F800] =	vst v63  }
0x2d: {  	_ =	swait.ge [sflag:s20], $0x2800  }
0x2e: {  	[sflag:s20] =	ssyncset.done $0x0  }
0x2f: {  	s26 =	rddreg [dreg:$0x7];
	[sflag:s20] =	ssyncadd.s32 $0xFFFFD800  }
0x30: {  	[spmem:s26] =	stream.linear.scatter [tilespmem:s19], [sflag:$0x9], $0x2800, $0x38;
	[tilespmem:$0x1F800] =	vst v63  }
0x31: {  	_ =	swait.ge [sflag:s20], $0x2800  }
0x32: {  	[sflag:s20] =	ssyncset.done $0x0  }
0x33: {  	s8 =	rddreg [dreg:$0x8];
	[sflag:s20] =	ssyncadd.s32 $0xFFFFD800  }
0x34: {  	[spmem:s8] =	stream.linear.scatter [tilespmem:s19], [sflag:$0x9], $0x2800, $0x38;
	[tilespmem:$0x1F800] =	vst v63  }
0x35: {  	_ =	swait.ge [sflag:s20], $0x2800  }
0x36: {  	[sflag:s20] =	ssyncset.done $0x0  }
0x37: {  	s21 =	rddreg [dreg:$0x9];
	[sflag:s20] =	ssyncadd.s32 $0xFFFFD800  }
0x38: {  	[spmem:s21] =	stream.linear.scatter [tilespmem:s19], [sflag:$0x9], $0x2800, $0x38;
	[tilespmem:$0x1F800] =	vst v63  }
0x39: {  	_ =	swait.ge [sflag:s20], $0x2800  }
0x3a: {  	[sflag:s20] =	ssyncset.done $0x0  }
0x3b: {  	s24 =	rddreg [dreg:$0xa];
	[sflag:s20] =	ssyncadd.s32 $0xFFFFD800  }
0x3c: {  	[spmem:s24] =	stream.linear.scatter [tilespmem:s19], [sflag:$0x9], $0x2800, $0x38;
	[tilespmem:$0x1F800] =	vst v63  }
0x3d: {  	_ =	swait.ge [sflag:s20], $0x2800  }
0x3e: {  	[sflag:s20] =	ssyncset.done $0x0  }
0x3f: {  	s26 =	rddreg [dreg:$0xb];
	[sflag:s20] =	ssyncadd.s32 $0xFFFFD800  }
0x40: {  	[spmem:s26] =	stream.linear.scatter [tilespmem:s19], [sflag:$0x9], $0x2800, $0x38;
	[tilespmem:$0x1F800] =	vst v63  }
0x41: {  	_ =	swait.ge [sflag:s20], $0x2800  }
0x42: {  	[sflag:s20] =	ssyncset.done $0x0  }
0x43: {  	[sflag:s20] =	ssyncadd.s32 $0xFFFFD800  }
0x44: {  	s4 =	simm.s32 $0x0;
	s8 =	simm.s32 $0x0;
	[bflag:$0x0] =	sbarrier.arrive $0xFFFF  }
.LBB2_4:
0x45: {  	s21 =	sshll.u32 s4, $0xB  }
0x46: {  	_ =	strace $0x80000048;
	s21 =	sadd.s32 s21, s16  }
0x47: {  	s24 =	rddreg [dreg:$0x1];
	s21 =	sshrl.u32 s21, $0x3  }
0x48: {  	s24 =	sadd.s32 s24, s21  }
0x49: {  	[tilespmem:s8], [sflag:$0x9] =	stream.linear.gather [hbm4b:s24+s8], $0x800, $0x200038;
	[tilespmem:$0x1F800] =	vst v63  }
0x4a: {  	_ =	swait.ge [sflag:s20], $0x800  }
0x4b: {  	[sflag:s20] =	ssyncset.done $0x0  }
0x4c: {  	s26 =	simm.s32 $0x800;
	s24 =	sadd.s32 s6, s21;
	[sflag:s20] =	ssyncadd.s32 $0xFFFFF800  }
0x4d: {  	[tilespmem:s26], [sflag:$0x9] =	stream.linear.gather [hbm4b:s24+s8], $0x800, $0x200038;
	[tilespmem:$0x1F800] =	vst v63  }
0x4e: {  	_ =	swait.ge [sflag:s20], $0x800  }
0x4f: {  	[sflag:s20] =	ssyncset.done $0x0  }
0x50: {  	s21 =	sadd.s32 s7, s21;
	[sflag:s20] =	ssyncadd.s32 $0xFFFFF800  }
0x51: {  	[tilespmem:s22], [sflag:$0x9] =	stream.linear.gather [hbm4b:s21+s8], $0x800, $0x200038;
	[tilespmem:$0x1F800] =	vst v63  }
0x52: {  	_ =	swait.ge [sflag:s20], $0x800  }
0x53: {  	[sflag:s20] =	ssyncset.done $0x0  }
0x54: {  	[sflag:s20] =	ssyncadd.s32 $0xFFFFF800  }
0x55: {  	_ =	strace $0x90000048  }
0x56: {  	s21 =	simm.s32 $0x0;
	_ =	strace $0x80000049  }
0x57: {  	v5 =	vld [tilespmem:s21+$0x800]  }
0x58: {  	v4 =	vld [tilespmem:s21+$0x810]  }
0x59: {  	v3 =	vld [tilespmem:s21+$0x820]  }
0x5a: {  	v2 =	vld [tilespmem:s21+$0x830]  }
0x5b: {  	v1 =	vld [tilespmem:s21+$0x840]  }
0x5c: {  	v7 =	vld [tilespmem:s21+$0x0]  }
0x5d: {  	s24 =	simm.s32 $0x200;
	v6 =	vld [tilespmem:s21+$0x10]  }
.LBB2_5:
0x5e: {  	p0 =	sne.s32 s24, $0x1E00;
	v8 =	vld [tilespmem:s21+$0x20]  }
0x5f: {  	v9 =	vmul.u32 $0x2710, v5;
	v10 =	vld [tilespmem:s21+$0x30]  }
0x60: {  	s26 =	sshra.s32 s24, $0x2;
	v11 =	vmul.u32 $0x2710, v4;
	v12 =	vld [tilespmem:s21+$0x40]  }
0x61: {  	v5 =	vld [tilespmem:s26+$0x800];
	v7 =	vadd.s32 v7, v9;
	v9 =	vmul.u32 $0x2710, v3  }
0x62: {  	v4 =	vld [tilespmem:s26+$0x810];
	[tilespmem:s21+$0x0] =	vst v7;
	v6 =	vadd.s32 v6, v11;
	v7 =	vmul.u32 $0x2710, v2  }
.Ltmp1:
0x63: {  	v3 =	vld [tilespmem:s26+$0x820];
	[tilespmem:s21+$0x10] =	vst v6;
	v6 =	vadd.s32 v8, v9;
	v8 =	vmul.u32 $0x2710, v1;
	(pc) =	sbr.rel @p0 .LBB2_5-.Ltmp1, $4  }
0x64: {  	v2 =	vld [tilespmem:s26+$0x830];
	[tilespmem:s21+$0x20] =	vst v6;
	v6 =	vadd.s32 v10, v7  }
0x65: {  	v1 =	vld [tilespmem:s26+$0x840];
	[tilespmem:s21+$0x30] =	vst v6;
	v6 =	vadd.s32 v12, v8  }
0x66: {  	v7 =	vld [tilespmem:s26+$0x0];
	[tilespmem:s21+$0x40] =	vst v6;
	s21 =	smov.u32 s26  }
0x67: {  	s24 =	sadd.s32 $0x200, s24;
	v6 =	vld [tilespmem:s21+$0x10]  }
0x68: {  	v8 =	vld [tilespmem:s21+$0x20]  }
0x69: {  	v5 =	vmul.u32 $0x2710, v5;
	v9 =	vld [tilespmem:s21+$0x30]  }
0x6a: {  	v4 =	vmul.u32 $0x2710, v4;
	v10 =	vld [tilespmem:s21+$0x40]  }
0x6b: {  	v3 =	vmul.u32 $0x2710, v3;
	v5 =	vadd.s32 v7, v5  }
0x6c: {  	v2 =	vmul.u32 $0x2710, v2;
	[tilespmem:s21+$0x0] =	vst v5;
	v4 =	vadd.s32 v6, v4  }
0x6d: {  	v1 =	vmul.u32 $0x2710, v1;
	[tilespmem:s21+$0x10] =	vst v4;
	v3 =	vadd.s32 v8, v3  }
0x6e: {  	v2 =	vadd.s32 v9, v2;
	[tilespmem:s21+$0x20] =	vst v3  }
0x6f: {  	v1 =	vadd.s32 v10, v1;
	[tilespmem:s21+$0x30] =	vst v2  }
0x70: {  	[tilespmem:s21+$0x40] =	vst v1  }
0x71: {  	_ =	strace $0x90000049  }
0x72: {  	_ =	strace $0x8000004A  }
0x73: {  	[tilespmem:s19], [sflag:$0x1] =	stream.indirect.gather [hbm4b:s5+s23], $0x80, s29, s23, $0x2000b8;
	[tilespmem:$0x1F800] =	vst v63  }
0x74: {  	s26 =	simm.s32 $0x80  }
0x75: {  	[tilespmem:s25], [sflag:$0x2] =	stream.indirect.gather [hbm4b:s5+s23], $0x80, s26, s23, $0x2000b8;
	[tilespmem:$0x1F800] =	vst v63  }
0x76: {  	s24 =	simm.s32 $0x100  }
0x77: {  	[tilespmem:s28], [sflag:$0x3] =	stream.indirect.gather [hbm4b:s5+s23], $0x80, s24, s23, $0x2000b8;
	[tilespmem:$0x1F800] =	vst v63  }
0x78: {  	s26 =	simm.s32 $0x180  }
0x79: {  	[tilespmem:s30], [sflag:$0x4] =	stream.indirect.gather [hbm4b:s5+s23], $0x80, s26, s23, $0x2000b8;
	[tilespmem:$0x1F800] =	vst v63  }
0x7a: {  	_ =	swait.ge [sflag:s31], $0x2800  }
0x7b: {  	[sflag:s31] =	ssyncset.done $0x0  }
0x7c: {  	[sflag:s31] =	ssyncadd.s32 $0xFFFFD800  }
0x7d: {  	[spmem:s2] =	stream.indirect.scatter.add.f32 [tilespmem:s19], [sflag:$0x5], $0x80, s22, s23, $0x2000b8;
	[tilespmem:$0x1F800] =	vst v63  }
0x7e: {  	_ =	swait.ge [sflag:s0], $0x2800  }
0x7f: {  	[sflag:s0] =	ssyncset.done $0x0  }
0x80: {  	s24 =	simm.s32 $0x1080;
	[sflag:s0] =	ssyncadd.s32 $0xFFFFD800  }
0x81: {  	[spmem:s2] =	stream.indirect.scatter.add.f32 [tilespmem:s25], [sflag:$0x6], $0x80, s24, s23, $0x2000b8;
	[tilespmem:$0x1F800] =	vst v63  }
0x82: {  	_ =	swait.ge [sflag:s9], $0x2800  }
0x83: {  	[sflag:s9] =	ssyncset.done $0x0  }
0x84: {  	s26 =	simm.s32 $0x1100;
	[sflag:s9] =	ssyncadd.s32 $0xFFFFD800  }
0x85: {  	[spmem:s2] =	stream.indirect.scatter.add.f32 [tilespmem:s28], [sflag:$0x7], $0x80, s26, s23, $0x2000b8;
	[tilespmem:$0x1F800] =	vst v63  }
0x86: {  	_ =	swait.ge [sflag:s11], $0x2800  }
0x87: {  	[sflag:s11] =	ssyncset.done $0x0  }
0x88: {  	s24 =	simm.s32 $0x1180;
	[sflag:s11] =	ssyncadd.s32 $0xFFFFD800  }
0x89: {  	[spmem:s2] =	stream.indirect.scatter.add.f32 [tilespmem:s30], [sflag:$0x8], $0x80, s24, s23, $0x2000b8;
	[tilespmem:$0x1F800] =	vst v63  }
0x8a: {  	_ =	swait.ge [sflag:s13], $0x2800  }
0x8b: {  	[sflag:s13] =	ssyncset.done $0x0  }
0x8c: {  	s26 =	simm.s32 $0x200;
	[sflag:s13] =	ssyncadd.s32 $0xFFFFD800  }
0x8d: {  	[tilespmem:s19], [sflag:$0x1] =	stream.indirect.gather [hbm4b:s5+s23], $0x80, s26, s23, $0x2000b8;
	[tilespmem:$0x1F800] =	vst v63  }
0x8e: {  	_ =	swait.ge [sflag:s15], $0x2800  }
0x8f: {  	[sflag:s15] =	ssyncset.done $0x0  }
0x90: {  	s24 =	simm.s32 $0x280;
	[sflag:s15] =	ssyncadd.s32 $0xFFFFD800  }
0x91: {  	[tilespmem:s25], [sflag:$0x2] =	stream.indirect.gather [hbm4b:s5+s23], $0x80, s24, s23, $0x2000b8;
	[tilespmem:$0x1F800] =	vst v63  }
0x92: {  	_ =	swait.ge [sflag:s18], $0x2800  }
0x93: {  	[sflag:s18] =	ssyncset.done $0x0  }
0x94: {  	s26 =	simm.s32 $0x300;
	[sflag:s18] =	ssyncadd.s32 $0xFFFFD800  }
0x95: {  	[tilespmem:s28], [sflag:$0x3] =	stream.indirect.gather [hbm4b:s5+s23], $0x80, s26, s23, $0x2000b8;
	[tilespmem:$0x1F800] =	vst v63  }
0x96: {  	_ =	swait.ge [sflag:s1], $0x2800  }
0x97: {  	[sflag:s1] =	ssyncset.done $0x0  }
0x98: {  	s24 =	simm.s32 $0x380;
	[sflag:s1] =	ssyncadd.s32 $0xFFFFD800  }
0x99: {  	[tilespmem:s30], [sflag:$0x4] =	stream.indirect.gather [hbm4b:s5+s23], $0x80, s24, s23, $0x2000b8;
	[tilespmem:$0x1F800] =	vst v63  }
0x9a: {  	_ =	swait.ge [sflag:s31], $0x2800  }
0x9b: {  	[sflag:s31] =	ssyncset.done $0x0  }
0x9c: {  	s26 =	simm.s32 $0x1200;
	[sflag:s31] =	ssyncadd.s32 $0xFFFFD800  }
0x9d: {  	[spmem:s2] =	stream.indirect.scatter.add.f32 [tilespmem:s19], [sflag:$0x5], $0x80, s26, s23, $0x2000b8;
	[tilespmem:$0x1F800] =	vst v63  }
0x9e: {  	_ =	swait.ge [sflag:s0], $0x2800  }
0x9f: {  	[sflag:s0] =	ssyncset.done $0x0  }
0xa0: {  	s24 =	simm.s32 $0x1280;
	[sflag:s0] =	ssyncadd.s32 $0xFFFFD800  }
0xa1: {  	[spmem:s2] =	stream.indirect.scatter.add.f32 [tilespmem:s25], [sflag:$0x6], $0x80, s24, s23, $0x2000b8;
	[tilespmem:$0x1F800] =	vst v63  }
0xa2: {  	_ =	swait.ge [sflag:s9], $0x2800  }
0xa3: {  	[sflag:s9] =	ssyncset.done $0x0  }
0xa4: {  	s26 =	simm.s32 $0x1300;
	[sflag:s9] =	ssyncadd.s32 $0xFFFFD800  }
0xa5: {  	[spmem:s2] =	stream.indirect.scatter.add.f32 [tilespmem:s28], [sflag:$0x7], $0x80, s26, s23, $0x2000b8;
	[tilespmem:$0x1F800] =	vst v63  }
0xa6: {  	_ =	swait.ge [sflag:s11], $0x2800  }
0xa7: {  	[sflag:s11] =	ssyncset.done $0x0  }
0xa8: {  	s24 =	simm.s32 $0x1380;
	[sflag:s11] =	ssyncadd.s32 $0xFFFFD800  }
0xa9: {  	[spmem:s2] =	stream.indirect.scatter.add.f32 [tilespmem:s30], [sflag:$0x8], $0x80, s24, s23, $0x2000b8;
	[tilespmem:$0x1F800] =	vst v63  }
0xaa: {  	_ =	swait.ge [sflag:s13], $0x2800  }
0xab: {  	[sflag:s13] =	ssyncset.done $0x0  }
0xac: {  	s26 =	simm.s32 $0x400;
	[sflag:s13] =	ssyncadd.s32 $0xFFFFD800  }
0xad: {  	[tilespmem:s19], [sflag:$0x1] =	stream.indirect.gather [hbm4b:s5+s23], $0x80, s26, s23, $0x2000b8;
	[tilespmem:$0x1F800] =	vst v63  }
0xae: {  	_ =	swait.ge [sflag:s15], $0x2800  }
0xaf: {  	[sflag:s15] =	ssyncset.done $0x0  }
0xb0: {  	s24 =	simm.s32 $0x480;
	[sflag:s15] =	ssyncadd.s32 $0xFFFFD800  }
0xb1: {  	[tilespmem:s25], [sflag:$0x2] =	stream.indirect.gather [hbm4b:s5+s23], $0x80, s24, s23, $0x2000b8;
	[tilespmem:$0x1F800] =	vst v63  }
0xb2: {  	_ =	swait.ge [sflag:s18], $0x2800  }
0xb3: {  	[sflag:s18] =	ssyncset.done $0x0  }
0xb4: {  	s26 =	simm.s32 $0x500;
	[sflag:s18] =	ssyncadd.s32 $0xFFFFD800  }
0xb5: {  	[tilespmem:s28], [sflag:$0x3] =	stream.indirect.gather [hbm4b:s5+s23], $0x80, s26, s23, $0x2000b8;
	[tilespmem:$0x1F800] =	vst v63  }
0xb6: {  	_ =	swait.ge [sflag:s1], $0x2800  }
0xb7: {  	[sflag:s1] =	ssyncset.done $0x0  }
0xb8: {  	s24 =	simm.s32 $0x580;
	[sflag:s1] =	ssyncadd.s32 $0xFFFFD800  }
0xb9: {  	[tilespmem:s30], [sflag:$0x4] =	stream.indirect.gather [hbm4b:s5+s23], $0x80, s24, s23, $0x2000b8;
	[tilespmem:$0x1F800] =	vst v63  }
0xba: {  	_ =	swait.ge [sflag:s31], $0x2800  }
0xbb: {  	[sflag:s31] =	ssyncset.done $0x0  }
0xbc: {  	s26 =	simm.s32 $0x1400;
	[sflag:s31] =	ssyncadd.s32 $0xFFFFD800  }
0xbd: {  	[spmem:s2] =	stream.indirect.scatter.add.f32 [tilespmem:s19], [sflag:$0x5], $0x80, s26, s23, $0x2000b8;
	[tilespmem:$0x1F800] =	vst v63  }
0xbe: {  	_ =	swait.ge [sflag:s0], $0x2800  }
0xbf: {  	[sflag:s0] =	ssyncset.done $0x0  }
0xc0: {  	s24 =	simm.s32 $0x1480;
	[sflag:s0] =	ssyncadd.s32 $0xFFFFD800  }
0xc1: {  	[spmem:s2] =	stream.indirect.scatter.add.f32 [tilespmem:s25], [sflag:$0x6], $0x80, s24, s23, $0x2000b8;
	[tilespmem:$0x1F800] =	vst v63  }
0xc2: {  	_ =	swait.ge [sflag:s9], $0x2800  }
0xc3: {  	[sflag:s9] =	ssyncset.done $0x0  }
0xc4: {  	s26 =	simm.s32 $0x1500;
	[sflag:s9] =	ssyncadd.s32 $0xFFFFD800  }
0xc5: {  	[spmem:s2] =	stream.indirect.scatter.add.f32 [tilespmem:s28], [sflag:$0x7], $0x80, s26, s23, $0x2000b8;
	[tilespmem:$0x1F800] =	vst v63  }
0xc6: {  	_ =	swait.ge [sflag:s11], $0x2800  }
0xc7: {  	[sflag:s11] =	ssyncset.done $0x0  }
0xc8: {  	s24 =	simm.s32 $0x1580;
	[sflag:s11] =	ssyncadd.s32 $0xFFFFD800  }
0xc9: {  	[spmem:s2] =	stream.indirect.scatter.add.f32 [tilespmem:s30], [sflag:$0x8], $0x80, s24, s23, $0x2000b8;
	[tilespmem:$0x1F800] =	vst v63  }
0xca: {  	_ =	swait.ge [sflag:s13], $0x2800  }
0xcb: {  	[sflag:s13] =	ssyncset.done $0x0  }
0xcc: {  	s26 =	simm.s32 $0x600;
	[sflag:s13] =	ssyncadd.s32 $0xFFFFD800  }
0xcd: {  	[tilespmem:s19], [sflag:$0x1] =	stream.indirect.gather [hbm4b:s5+s23], $0x80, s26, s23, $0x2000b8;
	[tilespmem:$0x1F800] =	vst v63  }
0xce: {  	_ =	swait.ge [sflag:s15], $0x2800  }
0xcf: {  	[sflag:s15] =	ssyncset.done $0x0  }
0xd0: {  	s24 =	simm.s32 $0x680;
	[sflag:s15] =	ssyncadd.s32 $0xFFFFD800  }
0xd1: {  	[tilespmem:s25], [sflag:$0x2] =	stream.indirect.gather [hbm4b:s5+s23], $0x80, s24, s23, $0x2000b8;
	[tilespmem:$0x1F800] =	vst v63  }
0xd2: {  	_ =	swait.ge [sflag:s18], $0x2800  }
0xd3: {  	[sflag:s18] =	ssyncset.done $0x0  }
0xd4: {  	s26 =	simm.s32 $0x700;
	[sflag:s18] =	ssyncadd.s32 $0xFFFFD800  }
0xd5: {  	[tilespmem:s28], [sflag:$0x3] =	stream.indirect.gather [hbm4b:s5+s23], $0x80, s26, s23, $0x2000b8;
	[tilespmem:$0x1F800] =	vst v63  }
0xd6: {  	_ =	swait.ge [sflag:s1], $0x2800  }
0xd7: {  	[sflag:s1] =	ssyncset.done $0x0  }
0xd8: {  	[sflag:s1] =	ssyncadd.s32 $0xFFFFD800  }
0xd9: {  	[tilespmem:s30], [sflag:$0x4] =	stream.indirect.gather [hbm4b:s5+s23], $0x80, s3, s23, $0x2000b8;
	[tilespmem:$0x1F800] =	vst v63  }
0xda: {  	_ =	swait.ge [sflag:s31], $0x2800  }
0xdb: {  	[sflag:s31] =	ssyncset.done $0x0  }
0xdc: {  	[sflag:s31] =	ssyncadd.s32 $0xFFFFD800  }
0xdd: {  	[spmem:s2] =	stream.indirect.scatter.add.f32 [tilespmem:s19], [sflag:$0x5], $0x80, s10, s23, $0x2000b8;
	[tilespmem:$0x1F800] =	vst v63  }
0xde: {  	_ =	swait.ge [sflag:s0], $0x2800  }
0xdf: {  	[sflag:s0] =	ssyncset.done $0x0  }
0xe0: {  	[sflag:s0] =	ssyncadd.s32 $0xFFFFD800  }
0xe1: {  	[spmem:s2] =	stream.indirect.scatter.add.f32 [tilespmem:s25], [sflag:$0x6], $0x80, s12, s23, $0x2000b8;
	[tilespmem:$0x1F800] =	vst v63  }
0xe2: {  	_ =	swait.ge [sflag:s9], $0x2800  }
0xe3: {  	[sflag:s9] =	ssyncset.done $0x0  }
0xe4: {  	[sflag:s9] =	ssyncadd.s32 $0xFFFFD800  }
0xe5: {  	[spmem:s2] =	stream.indirect.scatter.add.f32 [tilespmem:s28], [sflag:$0x7], $0x80, s14, s23, $0x2000b8;
	[tilespmem:$0x1F800] =	vst v63  }
0xe6: {  	_ =	swait.ge [sflag:s11], $0x2800  }
0xe7: {  	[sflag:s11] =	ssyncset.done $0x0  }
0xe8: {  	[sflag:s11] =	ssyncadd.s32 $0xFFFFD800  }
0xe9: {  	[spmem:s2] =	stream.indirect.scatter.add.f32 [tilespmem:s30], [sflag:$0x8], $0x80, s17, s23, $0x2000b8;
	[tilespmem:$0x1F800] =	vst v63  }
0xea: {  	_ =	swait.ge [sflag:s13], $0x2800  }
0xeb: {  	[sflag:s13] =	ssyncset.done $0x0  }
0xec: {  	[sflag:s13] =	ssyncadd.s32 $0xFFFFD800  }
0xed: {  	_ =	swait.ge [sflag:s15], $0x2800  }
0xee: {  	[sflag:s15] =	ssyncset.done $0x0  }
0xef: {  	[sflag:s15] =	ssyncadd.s32 $0xFFFFD800  }
0xf0: {  	s4 =	sadd.s32 $0x1, s4;
	_ =	swait.ge [sflag:s18], $0x2800  }
0xf1: {  	p0 =	sne.s32 s4, $0x8;
	[sflag:s18] =	ssyncset.done $0x0  }
.Ltmp2:
0xf2: {  	[sflag:s18] =	ssyncadd.s32 $0xFFFFD800;
	(pc) =	sbr.rel @p0 .LBB2_4-.Ltmp2, $4  }
0xf3: {  	_ =	swait.ge [sflag:s1], $0x2800  }
0xf4: {  	[sflag:s1] =	ssyncset.done $0x0  }
0xf5: {  	[sflag:s1] =	ssyncadd.s32 $0xFFFFD800  }
0xf6: {  	_ =	strace $0x9000004A  }
0xf7: {  	s4 =	stileid.u32;
	[bflag:$0x0] =	sbarrier.arrive $0xFFFF  }
0xf8: {  	s4 =	sshll.u32 s4, $0x6;
	s26 =	rddreg [dreg:$0x4]  }
0xf9: {  	s21 =	rddreg [dreg:$0xc];
	s4 =	sor.u32 $0x1C09, s4;
	s8 =	sshrl.u32 s26, $0x3  }
0xfa: {  	[hbm:s21], [sflag:s4] =	dma.local [spmem:s8], $0x2800  }
0xfb: {  	_ =	swait.ge [sflag:s20], $0x2800  }
0xfc: {  	s21 =	rddreg [dreg:$0xe]  }
0xfd: {  	s24 =	rddreg [dreg:$0xd];
	s8 =	sadd.s32 $0x1, s21  }
0xfe: {  	p0 =	sne.s32 s8, s24  }
.Ltmp3:
0xff: {  	_ = 	snop;
	(pc) =	sbr.rel @p0 .LBB2_1-.Ltmp3, $3  }
0x100: {  	_ =	sdelay $0x1  }
0x101: {  	[sflag:s20] =	ssyncset.done $0x0  }
0x102: {  	[sflag:s20] =	ssyncadd.s32 $0xFFFFD800  }
0x103: {  	_ =	sfence.sel $0x180000  }
0x104: {  	[bflag:$0x0] =	sbarrier.arrive $0xFFFF  }
0x105: {  	_ =	strace $0x90000047  }
0x106: {  	s0 =	stileid.u32;
	[bflag:$0x2] =	sbarrier.arrive $0xFFFF  }
0x107: {  	p0 =	sne.s32 s0, $0x0;
	s0 =	rddreg [dreg:$0x3]  }
0x108: {  	s0 =	sadd.s32 @!p0 $0x100000, s0  }
0x109: {  	[sflag:s0] =	ssyncadd.tile.s32 @!p0 $0x1;
	_ =	shalt  }
.Lfunc_end2:
_tile_overlayer_lowered:
.L_overlay_start_2:
0x10a: {  	(tag) =	ssettag $0x2  }
0x10b: {  	s0 =	rddreg [dreg:$0x0];
	s2 =	stileid.u32  }
0x10c: {  	s1 =	rddreg [dreg:$0x1];
	p0 =	sne.s32 s2, $0x0  }
0x10d: {  	s3 =	rddreg [dreg:$0x2];
	[bflag:$0x3] =	sbarrier.arrive $0xFFFF;
	s2 =	simm.s32 @!p0 $0x1C09  }
0x10e: {  	[timem:s3], [sflag:s2] =	dma.local @!p0 [hbm:s0], s1  }
0x10f: {  	s0 =	simm.s32 @!p0 $0x9  }
0x110: {  	_ =	swait.ge @!p0 [sflag:s0], s1  }
0x111: {  	s1 =	ssub.s32 @!p0 $0x0, s1;
	[sflag:s0] =	ssyncset.done @!p0 $0x0  }
0x112: {  	[sflag:s0] =	ssyncadd.s32 @!p0 s1  }
0x113: {  	[bflag:$0x3] =	sbarrier.arrive $0xFFFF  }
0x114: {  	_ =	shalt  }

</sc_bundles>
